<compile_context>
chip_gen: v7x
topology: tpu7x:2x2x1
jax: 0.10.2.dev20260603
libtpu: 0.0.44.dev20260713+nightly
codegen_flags: <defaults>
</compile_context>

<pallas_src>
import functools

import jax
import jax.numpy as jnp
from jax import lax
from jax.experimental import pallas as pl
from jax.experimental.pallas import tpu as pltpu
from jax.experimental.pallas import tpu_sc as plsc

_D = 256
_MAXPOS = 100
_NC, _NS = 2, 16
_NW = _NC * _NS
_CH = 32
_NBUF = 4
_LANES = 16
_RU = 2


def _sc_body(x_hbm, p0_hbm, p1_hbm, tab_hbm, out_hbm, p0t, p1t, idx_all,
             xv, rv, in_sems, g_sems, o_sems):
    wid = lax.axis_index("s") * _NC + lax.axis_index("c")
    b_per_w = x_hbm.shape[0] // _NW
    n_chunks = b_per_w // _CH
    base_w = wid * b_per_w

    pltpu.sync_copy(p0_hbm.at[pl.ds(base_w, b_per_w)], p0t)
    pltpu.sync_copy(p1_hbm.at[pl.ds(base_w, b_per_w)], p1t)

    def mk_idx(c, carry):
        for u in range(_CH // _LANES):
            s = c * _CH + u * _LANES
            idx_all[c, pl.ds(u * _LANES, _LANES)] = (
                p0t[pl.ds(s, _LANES)] * _MAXPOS + p1t[pl.ds(s, _LANES)])
        return carry

    lax.fori_loop(0, n_chunks, mk_idx, 0)

    def issue_in(c, b):
        base = base_w + c * _CH
        pltpu.async_copy(x_hbm.at[pl.ds(base, _CH)], xv[b], in_sems[b])
        pltpu.async_copy(tab_hbm.at[idx_all.at[c]], rv[b], g_sems[b])

    for b in range(_NBUF - 1):
        issue_in(b, b)

    def group(g, carry):
        for b in range(_NBUF):
            c = g * _NBUF + b
            s3 = (b + _NBUF - 1) % _NBUF

            @pl.when(c + _NBUF - 1 < n_chunks)
            def _refill():
                @pl.when(c >= 1)
                def _drain():
                    pltpu.make_async_copy(
                        rv[s3], out_hbm.at[pl.ds(base_w, _CH)],
                        o_sems[s3]).wait()
                issue_in(c + _NBUF - 1, s3)

            pltpu.make_async_copy(
                x_hbm.at[pl.ds(base_w, _CH)], xv[b], in_sems[b]).wait()
            pltpu.make_async_copy(
                tab_hbm.at[idx_all.at[c]], rv[b], g_sems[b]).wait()

            def add_row(q, carry2):
                for rr in range(_RU):
                    r = q * _RU + rr
                    for u in range(_D // _LANES):
                        d = pl.ds(u * _LANES, _LANES)
                        rv[b][r, d] = rv[b][r, d] + xv[b][r, d]
                return carry2

            lax.fori_loop(0, _CH // _RU, add_row, 0)
            pltpu.async_copy(
                rv[b], out_hbm.at[pl.ds(base_w + c * _CH, _CH)], o_sems[b])
        return carry

    lax.fori_loop(0, n_chunks // _NBUF, group, 0)

    for b in range(_NBUF):
        pltpu.make_async_copy(
            rv[b], out_hbm.at[pl.ds(base_w, _CH)], o_sems[b]).wait()


@jax.jit
def _run(x2, p0, p1, tab):
    B = x2.shape[0]
    b_per_w = B // _NW
    n_chunks = b_per_w // _CH
    mesh = plsc.VectorSubcoreMesh(core_axis_name="c", subcore_axis_name="s")
    k = pl.kernel(
        _sc_body,
        out_type=jax.ShapeDtypeStruct((B, _D), jnp.float32),
        mesh=mesh,
        scratch_types=[
            pltpu.VMEM((b_per_w,), jnp.int32),
            pltpu.VMEM((b_per_w,), jnp.int32),
            pltpu.VMEM((n_chunks, _CH), jnp.int32),
            [pltpu.VMEM((_CH, _D), jnp.float32) for _ in range(_NBUF)],
            [pltpu.VMEM((_CH, _D), jnp.float32) for _ in range(_NBUF)],
            [pltpu.SemaphoreType.DMA for _ in range(_NBUF)],
            [pltpu.SemaphoreType.DMA for _ in range(_NBUF)],
            [pltpu.SemaphoreType.DMA for _ in range(_NBUF)],
        ],
    )
    return k(x2, p0, p1, tab)


def kernel(x, pos, pos_embeddings):
    b, t, d = x.shape
    B = b * t
    x2 = x.reshape(B, d)
    p0 = pos[..., 0].reshape(B).astype(jnp.int32)
    p1 = pos[..., 1].reshape(B).astype(jnp.int32)
    tab = pos_embeddings.reshape(-1, d)
    return _run(x2, p0, p1, tab).reshape(b, t, d)

# --- scband reference (transcript-rebuilt; emitter-appended) ---
"""Pipeline reference for scband-learnable-positional-embedding2-d-77197742179044 (READ-ONLY COPY).

The authoritative reference and input builder live on the scoring server;
editing this copy changes nothing except your own understanding.
"""

import jax, jax.numpy as jnp
import numpy as np


def setup_inputs(seed: int = 0) -> dict:
    key = jax.random.key(seed)
    k1, k2, k3 = jax.random.split(key, 3)
    model_dim = 256
    max_pos = 100
    x = jax.random.normal(k1, (16, 4096, model_dim), dtype=jnp.float32)
    pos = jax.random.randint(k2, (16, 4096, 2), 0, max_pos, dtype=jnp.int64 if jax.config.jax_enable_x64 else jnp.int32)
    pos_embeddings = jax.random.normal(k3, (max_pos, max_pos, model_dim), dtype=jnp.float32) / (model_dim ** 2)
    return {"x": x, "pos": pos, "pos_embeddings": pos_embeddings}


def reference(x, pos, pos_embeddings):
    # to_add = pos_embeddings[pos[..., 0], pos[..., 1]]
    to_add = pos_embeddings[pos[..., 0], pos[..., 1]]
    return x + to_add

if __name__ == "__main__":
    import jax
    _d = setup_inputs()
    print(jax.jit(kernel)(*tuple(_d.values())))

</pallas_src>

<mosaic_0001>
#map = affine_map<(d0, d1) -> (0, 0)>
#map1 = affine_map<(d0, d1) -> (0)>
module attributes {stable_mosaic.version = 14 : i64} {
  func.func @_sc_body(%arg0: i32, %arg1: i32, %arg2: memref<65536x256xf32, #tpu.memory_space<hbm>>, %arg3: memref<65536xi32, #tpu.memory_space<hbm>>, %arg4: memref<65536xi32, #tpu.memory_space<hbm>>, %arg5: memref<10000x256xf32, #tpu.memory_space<hbm>>, %arg6: memref<65536x256xf32, #tpu.memory_space<hbm>>, %arg7: memref<2048xi32, #tpu.memory_space<vmem>>, %arg8: memref<2048xi32, #tpu.memory_space<vmem>>, %arg9: memref<64x32xi32, #tpu.memory_space<vmem>>, %arg10: memref<32x256xf32, #tpu.memory_space<vmem>>, %arg11: memref<32x256xf32, #tpu.memory_space<vmem>>, %arg12: memref<32x256xf32, #tpu.memory_space<vmem>>, %arg13: memref<32x256xf32, #tpu.memory_space<vmem>>, %arg14: memref<32x256xf32, #tpu.memory_space<vmem>>, %arg15: memref<32x256xf32, #tpu.memory_space<vmem>>, %arg16: memref<32x256xf32, #tpu.memory_space<vmem>>, %arg17: memref<32x256xf32, #tpu.memory_space<vmem>>, %arg18: memref<!tpu.dma_semaphore, #tpu.memory_space<semaphore_mem>>, %arg19: memref<!tpu.dma_semaphore, #tpu.memory_space<semaphore_mem>>, %arg20: memref<!tpu.dma_semaphore, #tpu.memory_space<semaphore_mem>>, %arg21: memref<!tpu.dma_semaphore, #tpu.memory_space<semaphore_mem>>, %arg22: memref<!tpu.dma_semaphore, #tpu.memory_space<semaphore_mem>>, %arg23: memref<!tpu.dma_semaphore, #tpu.memory_space<semaphore_mem>>, %arg24: memref<!tpu.dma_semaphore, #tpu.memory_space<semaphore_mem>>, %arg25: memref<!tpu.dma_semaphore, #tpu.memory_space<semaphore_mem>>, %arg26: memref<!tpu.dma_semaphore, #tpu.memory_space<semaphore_mem>>, %arg27: memref<!tpu.dma_semaphore, #tpu.memory_space<semaphore_mem>>, %arg28: memref<!tpu.dma_semaphore, #tpu.memory_space<semaphore_mem>>, %arg29: memref<!tpu.dma_semaphore, #tpu.memory_space<semaphore_mem>>) attributes {dimension_semantics = [#tpu.dimension_semantics<core_parallel>, #tpu.dimension_semantics<subcore_parallel>], iteration_bounds = array<i64: 2, 16>, scalar_prefetch = 0 : i64, scratch_operands = 23 : i64, tpu.core_type = #tpu.core_type<sc_vector_subcore>, window_params = [{transform_indices = #map}, {transform_indices = #map1}, {transform_indices = #map1}, {transform_indices = #map}, {transform_indices = #map}]} {
    %mul3A = arith.constant 2 : i32
    %mul3A_0 = arith.muli %arg1, %mul3A : i32
    %add3A = arith.addi %mul3A_0, %arg0 : i32
    %mul3A_1 = arith.constant 2048 : i32
    %mul3A_2 = arith.muli %add3A, %mul3A_1 : i32
    "tpu.region"() ({
      %run_scoped3A = tpu.sem_alloc : memref<!tpu.dma_semaphore, #tpu.memory_space<semaphore_mem>>
      %dma_start3A_67 = tpu.memref_slice %arg3[%mul3A_2] : memref<65536xi32, #tpu.memory_space<hbm>> -> memref<2048xi32, #tpu.memory_space<hbm>>
      %dma_start3A_68 = tpu.memref_slice %arg3[%mul3A_2] : memref<65536xi32, #tpu.memory_space<hbm>> -> memref<2048xi32, #tpu.memory_space<hbm>>
      tpu.enqueue_dma source(%dma_start3A_68 : memref<2048xi32, #tpu.memory_space<hbm>>) target(%arg7 : memref<2048xi32, #tpu.memory_space<vmem>>) target_semaphore(%run_scoped3A : memref<!tpu.dma_semaphore, #tpu.memory_space<semaphore_mem>>)
      %dma_wait3A_69 = tpu.memref_slice %arg3[%mul3A_2] : memref<65536xi32, #tpu.memory_space<hbm>> -> memref<2048xi32, #tpu.memory_space<hbm>>
      %dma_wait3A_70 = tpu.memref_slice %arg3[%mul3A_2] : memref<65536xi32, #tpu.memory_space<hbm>> -> memref<2048xi32, #tpu.memory_space<hbm>>
      tpu.wait_dma2 semaphore(%run_scoped3A : memref<!tpu.dma_semaphore, #tpu.memory_space<semaphore_mem>>) src(%dma_wait3A_70 : memref<2048xi32, #tpu.memory_space<hbm>>) dst(%arg7 : memref<2048xi32, #tpu.memory_space<vmem>>)
      tpu.yield
    }) : () -> ()
    "tpu.region"() ({
      %run_scoped3A = tpu.sem_alloc : memref<!tpu.dma_semaphore, #tpu.memory_space<semaphore_mem>>
      %dma_start3A_67 = tpu.memref_slice %arg4[%mul3A_2] : memref<65536xi32, #tpu.memory_space<hbm>> -> memref<2048xi32, #tpu.memory_space<hbm>>
      %dma_start3A_68 = tpu.memref_slice %arg4[%mul3A_2] : memref<65536xi32, #tpu.memory_space<hbm>> -> memref<2048xi32, #tpu.memory_space<hbm>>
      tpu.enqueue_dma source(%dma_start3A_68 : memref<2048xi32, #tpu.memory_space<hbm>>) target(%arg8 : memref<2048xi32, #tpu.memory_space<vmem>>) target_semaphore(%run_scoped3A : memref<!tpu.dma_semaphore, #tpu.memory_space<semaphore_mem>>)
      %dma_wait3A_69 = tpu.memref_slice %arg4[%mul3A_2] : memref<65536xi32, #tpu.memory_space<hbm>> -> memref<2048xi32, #tpu.memory_space<hbm>>
      %dma_wait3A_70 = tpu.memref_slice %arg4[%mul3A_2] : memref<65536xi32, #tpu.memory_space<hbm>> -> memref<2048xi32, #tpu.memory_space<hbm>>
      tpu.wait_dma2 semaphore(%run_scoped3A : memref<!tpu.dma_semaphore, #tpu.memory_space<semaphore_mem>>) src(%dma_wait3A_70 : memref<2048xi32, #tpu.memory_space<hbm>>) dst(%arg8 : memref<2048xi32, #tpu.memory_space<vmem>>)
      tpu.yield
    }) : () -> ()
    %scan3A = arith.constant 0 : i32
    %scan3A_3 = arith.constant 0 : i32
    %scan3A_4 = arith.constant 64 : i32
    %scan3A_5 = arith.addi %scan3A_3, %scan3A_4 : i32
    %scan3A_6 = arith.constant 1 : i32
    scf.for %scan3A_67 = %scan3A_3 to %scan3A_5 step %scan3A_6  : i32 {
      %mul3A_68 = arith.constant 32 : i32
      %mul3A_69 = arith.muli %scan3A_67, %mul3A_68 : i32
      %add3A_70 = arith.constant 0 : i32
      %add3A_71 = arith.addi %mul3A_69, %add3A_70 : i32
      %get3A = arith.index_cast %add3A_71 : i32 to index
      %get3A_72 = tpu.vector_load %arg7[%get3A] {strides = array<i32>} : memref<2048xi32, #tpu.memory_space<vmem>>, vector<16xi32>,
      %get3A_73 = vector.shape_cast %get3A_72 : vector<16xi32> to vector<16xi32>
      %mul3A_74 = arith.constant 100 : i32
      %mul3A_75 = vector.broadcast %mul3A_74 : i32 to vector<16xi32>
      %mul3A_76 = arith.muli %get3A_73, %mul3A_75 : vector<16xi32>
      %get3A_77 = arith.index_cast %add3A_71 : i32 to index
      %get3A_78 = tpu.vector_load %arg8[%get3A_77] {strides = array<i32>} : memref<2048xi32, #tpu.memory_space<vmem>>, vector<16xi32>,
      %get3A_79 = vector.shape_cast %get3A_78 : vector<16xi32> to vector<16xi32>
      %add3A_80 = arith.addi %mul3A_76, %get3A_79 : vector<16xi32>
      %swap3A = arith.index_cast %scan3A_67 : i32 to index
      %swap3A_81 = arith.constant 0 : index
      %swap3A_82 = tpu.vector_load %arg9[%swap3A, %swap3A_81] {strides = array<i32>} : memref<64x32xi32, #tpu.memory_space<vmem>>, vector<1x16xi32>,
      %swap3A_83 = vector.shape_cast %swap3A_82 : vector<1x16xi32> to vector<16xi32>
      %swap3A_84 = vector.shape_cast %add3A_80 : vector<16xi32> to vector<1x16xi32>
      tpu.vector_store %arg9[%swap3A, %swap3A_81], %swap3A_84 {strides = array<i32>} : memref<64x32xi32, #tpu.memory_space<vmem>>, vector<1x16xi32>,
      %mul3A_85 = arith.constant 32 : i32
      %mul3A_86 = arith.muli %scan3A_67, %mul3A_85 : i32
      %add3A_87 = arith.constant 16 : i32
      %add3A_88 = arith.addi %mul3A_86, %add3A_87 : i32
      %get3A_89 = arith.index_cast %add3A_88 : i32 to index
      %get3A_90 = tpu.vector_load %arg7[%get3A_89] {strides = array<i32>} : memref<2048xi32, #tpu.memory_space<vmem>>, vector<16xi32>,
      %get3A_91 = vector.shape_cast %get3A_90 : vector<16xi32> to vector<16xi32>
      %mul3A_92 = arith.constant 100 : i32
      %mul3A_93 = vector.broadcast %mul3A_92 : i32 to vector<16xi32>
      %mul3A_94 = arith.muli %get3A_91, %mul3A_93 : vector<16xi32>
      %get3A_95 = arith.index_cast %add3A_88 : i32 to index
      %get3A_96 = tpu.vector_load %arg8[%get3A_95] {strides = array<i32>} : memref<2048xi32, #tpu.memory_space<vmem>>, vector<16xi32>,
      %get3A_97 = vector.shape_cast %get3A_96 : vector<16xi32> to vector<16xi32>
      %add3A_98 = arith.addi %mul3A_94, %get3A_97 : vector<16xi32>
      %swap3A_99 = arith.index_cast %scan3A_67 : i32 to index
      %swap3A_100 = arith.constant 16 : index
      %swap3A_101 = tpu.vector_load %arg9[%swap3A_99, %swap3A_100] {strides = array<i32>} : memref<64x32xi32, #tpu.memory_space<vmem>>, vector<1x16xi32>,
      %swap3A_102 = vector.shape_cast %swap3A_101 : vector<1x16xi32> to vector<16xi32>
      %swap3A_103 = vector.shape_cast %add3A_98 : vector<16xi32> to vector<1x16xi32>
      tpu.vector_store %arg9[%swap3A_99, %swap3A_100], %swap3A_103 {strides = array<i32>} : memref<64x32xi32, #tpu.memory_space<vmem>>, vector<1x16xi32>,
    }
    %scan3A_7 = arith.constant 64 : i32
    %add3A_8 = arith.constant 0 : i32
    %add3A_9 = arith.addi %mul3A_2, %add3A_8 : i32
    %dma_start3A = arith.constant 0 : i32
    %dma_start3A_10 = tpu.memref_slice %arg2[%add3A_9, %dma_start3A] : memref<65536x256xf32, #tpu.memory_space<hbm>> -> memref<32x256xf32, #tpu.memory_space<hbm>>
    %dma_start3A_11 = arith.constant 0 : i32
    %dma_start3A_12 = tpu.memref_slice %arg2[%add3A_9, %dma_start3A_11] : memref<65536x256xf32, #tpu.memory_space<hbm>> -> memref<32x256xf32, #tpu.memory_space<hbm>>
    tpu.enqueue_dma source(%dma_start3A_12 : memref<32x256xf32, #tpu.memory_space<hbm>>) target(%arg10 : memref<32x256xf32, #tpu.memory_space<vmem>>) target_semaphore(%arg18 : memref<!tpu.dma_semaphore, #tpu.memory_space<semaphore_mem>>)
    %dma_start3A_13 = arith.constant 0 : i32
    %dma_start3A_14 = arith.constant 0 : i32
    %dma_start3A_15 = tpu.memref_slice %arg9[%dma_start3A_13, %dma_start3A_14] : memref<64x32xi32, #tpu.memory_space<vmem>> -> memref<1x32xi32, #tpu.memory_space<vmem>>
    %dma_start3A_16 = tpu.memref_squeeze %dma_start3A_15 : memref<1x32xi32, #tpu.memory_space<vmem>> -> memref<32xi32, #tpu.memory_space<vmem>>
    %dma_start3A_17 = arith.constant 0 : i32
    %dma_start3A_18 = arith.constant 0 : i32
    %dma_start3A_19 = tpu.memref_slice %arg5[%dma_start3A_17, %dma_start3A_18] : memref<10000x256xf32, #tpu.memory_space<hbm>> -> memref<10000x256xf32, #tpu.memory_space<hbm>>
    tpu.enqueue_indirect_dma source(%dma_start3A_19 : memref<10000x256xf32, #tpu.memory_space<hbm>>) target(%arg14 : memref<32x256xf32, #tpu.memory_space<vmem>>) offsets(%dma_start3A_16 : memref<32xi32, #tpu.memory_space<vmem>>) semaphore(%arg22 : memref<!tpu.dma_semaphore, #tpu.memory_space<semaphore_mem>>)
    %add3A_20 = arith.constant 32 : i32
    %add3A_21 = arith.addi %mul3A_2, %add3A_20 : i32
    %dma_start3A_22 = arith.constant 0 : i32
    %dma_start3A_23 = tpu.memref_slice %arg2[%add3A_21, %dma_start3A_22] : memref<65536x256xf32, #tpu.memory_space<hbm>> -> memref<32x256xf32, #tpu.memory_space<hbm>>
    %dma_start3A_24 = arith.constant 0 : i32
    %dma_start3A_25 = tpu.memref_slice %arg2[%add3A_21, %dma_start3A_24] : memref<65536x256xf32, #tpu.memory_space<hbm>> -> memref<32x256xf32, #tpu.memory_space<hbm>>
    tpu.enqueue_dma source(%dma_start3A_25 : memref<32x256xf32, #tpu.memory_space<hbm>>) target(%arg11 : memref<32x256xf32, #tpu.memory_space<vmem>>) target_semaphore(%arg19 : memref<!tpu.dma_semaphore, #tpu.memory_space<semaphore_mem>>)
    %dma_start3A_26 = arith.constant 1 : i32
    %dma_start3A_27 = arith.constant 0 : i32
    %dma_start3A_28 = tpu.memref_slice %arg9[%dma_start3A_26, %dma_start3A_27] : memref<64x32xi32, #tpu.memory_space<vmem>> -> memref<1x32xi32, #tpu.memory_space<vmem>>
    %dma_start3A_29 = tpu.memref_squeeze %dma_start3A_28 : memref<1x32xi32, #tpu.memory_space<vmem>> -> memref<32xi32, #tpu.memory_space<vmem>>
    %dma_start3A_30 = arith.constant 0 : i32
    %dma_start3A_31 = arith.constant 0 : i32
    %dma_start3A_32 = tpu.memref_slice %arg5[%dma_start3A_30, %dma_start3A_31] : memref<10000x256xf32, #tpu.memory_space<hbm>> -> memref<10000x256xf32, #tpu.memory_space<hbm>>
    tpu.enqueue_indirect_dma source(%dma_start3A_32 : memref<10000x256xf32, #tpu.memory_space<hbm>>) target(%arg15 : memref<32x256xf32, #tpu.memory_space<vmem>>) offsets(%dma_start3A_29 : memref<32xi32, #tpu.memory_space<vmem>>) semaphore(%arg23 : memref<!tpu.dma_semaphore, #tpu.memory_space<semaphore_mem>>)
    %add3A_33 = arith.constant 64 : i32
    %add3A_34 = arith.addi %mul3A_2, %add3A_33 : i32
    %dma_start3A_35 = arith.constant 0 : i32
    %dma_start3A_36 = tpu.memref_slice %arg2[%add3A_34, %dma_start3A_35] : memref<65536x256xf32, #tpu.memory_space<hbm>> -> memref<32x256xf32, #tpu.memory_space<hbm>>
    %dma_start3A_37 = arith.constant 0 : i32
    %dma_start3A_38 = tpu.memref_slice %arg2[%add3A_34, %dma_start3A_37] : memref<65536x256xf32, #tpu.memory_space<hbm>> -> memref<32x256xf32, #tpu.memory_space<hbm>>
    tpu.enqueue_dma source(%dma_start3A_38 : memref<32x256xf32, #tpu.memory_space<hbm>>) target(%arg12 : memref<32x256xf32, #tpu.memory_space<vmem>>) target_semaphore(%arg20 : memref<!tpu.dma_semaphore, #tpu.memory_space<semaphore_mem>>)
    %dma_start3A_39 = arith.constant 2 : i32
    %dma_start3A_40 = arith.constant 0 : i32
    %dma_start3A_41 = tpu.memref_slice %arg9[%dma_start3A_39, %dma_start3A_40] : memref<64x32xi32, #tpu.memory_space<vmem>> -> memref<1x32xi32, #tpu.memory_space<vmem>>
    %dma_start3A_42 = tpu.memref_squeeze %dma_start3A_41 : memref<1x32xi32, #tpu.memory_space<vmem>> -> memref<32xi32, #tpu.memory_space<vmem>>
    %dma_start3A_43 = arith.constant 0 : i32
    %dma_start3A_44 = arith.constant 0 : i32
    %dma_start3A_45 = tpu.memref_slice %arg5[%dma_start3A_43, %dma_start3A_44] : memref<10000x256xf32, #tpu.memory_space<hbm>> -> memref<10000x256xf32, #tpu.memory_space<hbm>>
    tpu.enqueue_indirect_dma source(%dma_start3A_45 : memref<10000x256xf32, #tpu.memory_space<hbm>>) target(%arg16 : memref<32x256xf32, #tpu.memory_space<vmem>>) offsets(%dma_start3A_42 : memref<32xi32, #tpu.memory_space<vmem>>) semaphore(%arg24 : memref<!tpu.dma_semaphore, #tpu.memory_space<semaphore_mem>>)
    %scan3A_46 = arith.constant 0 : i32
    %scan3A_47 = arith.constant 0 : i32
    %scan3A_48 = arith.constant 16 : i32
    %scan3A_49 = arith.addi %scan3A_47, %scan3A_48 : i32
    %scan3A_50 = arith.constant 1 : i32
    scf.for %scan3A_67 = %scan3A_47 to %scan3A_49 step %scan3A_50  : i32 {
      %mul3A_68 = arith.constant 4 : i32
      %mul3A_69 = arith.muli %scan3A_67, %mul3A_68 : i32
      %add3A_70 = arith.constant 0 : i32
      %add3A_71 = arith.addi %mul3A_69, %add3A_70 : i32
      %add3A_72 = arith.constant 4 : i32
      %add3A_73 = arith.addi %add3A_71, %add3A_72 : i32
      %sub3A = arith.constant 1 : i32
      %sub3A_74 = arith.subi %add3A_73, %sub3A : i32
      %lt3A = arith.constant 64 : i32
      %lt3A_75 = arith.cmpi slt, %sub3A_74, %lt3A : i32
      %convert_element_type3A = arith.extui %lt3A_75 : i1 to i32
      %cond3A = arith.constant 0 : i32
      %cond3A_76 = arith.cmpi ne, %convert_element_type3A, %cond3A : i32
      scf.if %cond3A_76 {
        %ge3A = arith.constant 1 : i32
        %ge3A_208 = arith.cmpi sge, %add3A_71, %ge3A : i32
        %convert_element_type3A_209 = arith.extui %ge3A_208 : i1 to i32
        %cond3A_210 = arith.constant 0 : i32
        %cond3A_211 = arith.cmpi ne, %convert_element_type3A_209, %cond3A_210 : i32
        scf.if %cond3A_211 {
          %dma_wait3A_229 = arith.constant 0 : i32
          %dma_wait3A_230 = tpu.memref_slice %arg6[%mul3A_2, %dma_wait3A_229] : memref<65536x256xf32, #tpu.memory_space<hbm>> -> memref<32x256xf32, #tpu.memory_space<hbm>>
          %dma_wait3A_231 = arith.constant 0 : i32
          %dma_wait3A_232 = tpu.memref_slice %arg6[%mul3A_2, %dma_wait3A_231] : memref<65536x256xf32, #tpu.memory_space<hbm>> -> memref<32x256xf32, #tpu.memory_space<hbm>>
          tpu.wait_dma2 semaphore(%arg29 : memref<!tpu.dma_semaphore, #tpu.memory_space<semaphore_mem>>) src(%arg17 : memref<32x256xf32, #tpu.memory_space<vmem>>) dst(%dma_wait3A_232 : memref<32x256xf32, #tpu.memory_space<hbm>>)
        } else {
        }
        %add3A_212 = arith.constant 4 : i32
        %add3A_213 = arith.addi %add3A_71, %add3A_212 : i32
        %sub3A_214 = arith.constant 1 : i32
        %sub3A_215 = arith.subi %add3A_213, %sub3A_214 : i32
        %mul3A_216 = arith.constant 32 : i32
        %mul3A_217 = arith.muli %sub3A_215, %mul3A_216 : i32
        %add3A_218 = arith.addi %mul3A_2, %mul3A_217 : i32
        %dma_start3A_219 = arith.constant 0 : i32
        %dma_start3A_220 = tpu.memref_slice %arg2[%add3A_218, %dma_start3A_219] : memref<65536x256xf32, #tpu.memory_space<hbm>> -> memref<32x256xf32, #tpu.memory_space<hbm>>
        %dma_start3A_221 = arith.constant 0 : i32
        %dma_start3A_222 = tpu.memref_slice %arg2[%add3A_218, %dma_start3A_221] : memref<65536x256xf32, #tpu.memory_space<hbm>> -> memref<32x256xf32, #tpu.memory_space<hbm>>
        tpu.enqueue_dma source(%dma_start3A_222 : memref<32x256xf32, #tpu.memory_space<hbm>>) target(%arg13 : memref<32x256xf32, #tpu.memory_space<vmem>>) target_semaphore(%arg21 : memref<!tpu.dma_semaphore, #tpu.memory_space<semaphore_mem>>)
        %dma_start3A_223 = arith.constant 0 : i32
        %dma_start3A_224 = tpu.memref_slice %arg9[%sub3A_215, %dma_start3A_223] : memref<64x32xi32, #tpu.memory_space<vmem>> -> memref<1x32xi32, #tpu.memory_space<vmem>>
        %dma_start3A_225 = tpu.memref_squeeze %dma_start3A_224 : memref<1x32xi32, #tpu.memory_space<vmem>> -> memref<32xi32, #tpu.memory_space<vmem>>
        %dma_start3A_226 = arith.constant 0 : i32
        %dma_start3A_227 = arith.constant 0 : i32
        %dma_start3A_228 = tpu.memref_slice %arg5[%dma_start3A_226, %dma_start3A_227] : memref<10000x256xf32, #tpu.memory_space<hbm>> -> memref<10000x256xf32, #tpu.memory_space<hbm>>
        tpu.enqueue_indirect_dma source(%dma_start3A_228 : memref<10000x256xf32, #tpu.memory_space<hbm>>) target(%arg17 : memref<32x256xf32, #tpu.memory_space<vmem>>) offsets(%dma_start3A_225 : memref<32xi32, #tpu.memory_space<vmem>>) semaphore(%arg25 : memref<!tpu.dma_semaphore, #tpu.memory_space<semaphore_mem>>)
      } else {
      }
      %dma_wait3A_77 = arith.constant 0 : i32
      %dma_wait3A_78 = tpu.memref_slice %arg2[%mul3A_2, %dma_wait3A_77] : memref<65536x256xf32, #tpu.memory_space<hbm>> -> memref<32x256xf32, #tpu.memory_space<hbm>>
      %dma_wait3A_79 = arith.constant 0 : i32
      %dma_wait3A_80 = tpu.memref_slice %arg2[%mul3A_2, %dma_wait3A_79] : memref<65536x256xf32, #tpu.memory_space<hbm>> -> memref<32x256xf32, #tpu.memory_space<hbm>>
      tpu.wait_dma2 semaphore(%arg18 : memref<!tpu.dma_semaphore, #tpu.memory_space<semaphore_mem>>) src(%dma_wait3A_80 : memref<32x256xf32, #tpu.memory_space<hbm>>) dst(%arg10 : memref<32x256xf32, #tpu.memory_space<vmem>>)
      %dma_wait3A_81 = arith.constant 0 : i32
      %dma_wait3A_82 = tpu.memref_slice %arg9[%add3A_71, %dma_wait3A_81] : memref<64x32xi32, #tpu.memory_space<vmem>> -> memref<1x32xi32, #tpu.memory_space<vmem>>
      %dma_wait3A_83 = tpu.memref_squeeze %dma_wait3A_82 : memref<1x32xi32, #tpu.memory_space<vmem>> -> memref<32xi32, #tpu.memory_space<vmem>>
      %dma_wait3A_84 = arith.constant 0 : i32
      %dma_wait3A_85 = arith.constant 0 : i32
      %dma_wait3A_86 = tpu.memref_slice %arg5[%dma_wait3A_84, %dma_wait3A_85] : memref<10000x256xf32, #tpu.memory_space<hbm>> -> memref<10000x256xf32, #tpu.memory_space<hbm>>
      tpu.wait_indirect_dma semaphore(%arg22 : memref<!tpu.dma_semaphore, #tpu.memory_space<semaphore_mem>>) src(%dma_wait3A_86 : memref<10000x256xf32, #tpu.memory_space<hbm>>) dst(%arg14 : memref<32x256xf32, #tpu.memory_space<vmem>>)
      %scan3A_87 = arith.constant 0 : i32
      %scan3A_88 = arith.constant 0 : i32
      %scan3A_89 = arith.constant 16 : i32
      %scan3A_90 = arith.addi %scan3A_88, %scan3A_89 : i32
      %scan3A_91 = arith.constant 1 : i32
      scf.for %scan3A_208 = %scan3A_88 to %scan3A_90 step %scan3A_91  : i32 {
        %mul3A_209 = arith.constant 2 : i32
        %mul3A_210 = arith.muli %scan3A_208, %mul3A_209 : i32
        %add3A_211 = arith.constant 0 : i32
        %add3A_212 = arith.addi %mul3A_210, %add3A_211 : i32
        %get3A = arith.index_cast %add3A_212 : i32 to index
        %get3A_213 = arith.constant 0 : index
        %get3A_214 = tpu.vector_load %arg14[%get3A, %get3A_213] {strides = array<i32>} : memref<32x256xf32, #tpu.memory_space<vmem>>, vector<1x16xf32>,
        %get3A_215 = vector.shape_cast %get3A_214 : vector<1x16xf32> to vector<16xf32>
        %get3A_216 = arith.index_cast %add3A_212 : i32 to index
        %get3A_217 = arith.constant 0 : index
        %get3A_218 = tpu.vector_load %arg10[%get3A_216, %get3A_217] {strides = array<i32>} : memref<32x256xf32, #tpu.memory_space<vmem>>, vector<1x16xf32>,
        %get3A_219 = vector.shape_cast %get3A_218 : vector<1x16xf32> to vector<16xf32>
        %add3A_220 = arith.addf %get3A_215, %get3A_219 : vector<16xf32>
        %swap3A = arith.index_cast %add3A_212 : i32 to index
        %swap3A_221 = arith.constant 0 : index
        %swap3A_222 = tpu.vector_load %arg14[%swap3A, %swap3A_221] {strides = array<i32>} : memref<32x256xf32, #tpu.memory_space<vmem>>, vector<1x16xf32>,
        %swap3A_223 = vector.shape_cast %swap3A_222 : vector<1x16xf32> to vector<16xf32>
        %swap3A_224 = vector.shape_cast %add3A_220 : vector<16xf32> to vector<1x16xf32>
        tpu.vector_store %arg14[%swap3A, %swap3A_221], %swap3A_224 {strides = array<i32>} : memref<32x256xf32, #tpu.memory_space<vmem>>, vector<1x16xf32>,
        %get3A_225 = arith.index_cast %add3A_212 : i32 to index
        %get3A_226 = arith.constant 16 : index
        %get3A_227 = tpu.vector_load %arg14[%get3A_225, %get3A_226] {strides = array<i32>} : memref<32x256xf32, #tpu.memory_space<vmem>>, vector<1x16xf32>,
        %get3A_228 = vector.shape_cast %get3A_227 : vector<1x16xf32> to vector<16xf32>
        %get3A_229 = arith.index_cast %add3A_212 : i32 to index
        %get3A_230 = arith.constant 16 : index
        %get3A_231 = tpu.vector_load %arg10[%get3A_229, %get3A_230] {strides = array<i32>} : memref<32x256xf32, #tpu.memory_space<vmem>>, vector<1x16xf32>,
        %get3A_232 = vector.shape_cast %get3A_231 : vector<1x16xf32> to vector<16xf32>
        %add3A_233 = arith.addf %get3A_228, %get3A_232 : vector<16xf32>
        %swap3A_234 = arith.index_cast %add3A_212 : i32 to index
        %swap3A_235 = arith.constant 16 : index
        %swap3A_236 = tpu.vector_load %arg14[%swap3A_234, %swap3A_235] {strides = array<i32>} : memref<32x256xf32, #tpu.memory_space<vmem>>, vector<1x16xf32>,
        %swap3A_237 = vector.shape_cast %swap3A_236 : vector<1x16xf32> to vector<16xf32>
        %swap3A_238 = vector.shape_cast %add3A_233 : vector<16xf32> to vector<1x16xf32>
        tpu.vector_store %arg14[%swap3A_234, %swap3A_235], %swap3A_238 {strides = array<i32>} : memref<32x256xf32, #tpu.memory_space<vmem>>, vector<1x16xf32>,
        %get3A_239 = arith.index_cast %add3A_212 : i32 to index
        %get3A_240 = arith.constant 32 : index
        %get3A_241 = tpu.vector_load %arg14[%get3A_239, %get3A_240] {strides = array<i32>} : memref<32x256xf32, #tpu.memory_space<vmem>>, vector<1x16xf32>,
        %get3A_242 = vector.shape_cast %get3A_241 : vector<1x16xf32> to vector<16xf32>
        %get3A_243 = arith.index_cast %add3A_212 : i32 to index
        %get3A_244 = arith.constant 32 : index
        %get3A_245 = tpu.vector_load %arg10[%get3A_243, %get3A_244] {strides = array<i32>} : memref<32x256xf32, #tpu.memory_space<vmem>>, vector<1x16xf32>,
        %get3A_246 = vector.shape_cast %get3A_245 : vector<1x16xf32> to vector<16xf32>
        %add3A_247 = arith.addf %get3A_242, %get3A_246 : vector<16xf32>
        %swap3A_248 = arith.index_cast %add3A_212 : i32 to index
        %swap3A_249 = arith.constant 32 : index
        %swap3A_250 = tpu.vector_load %arg14[%swap3A_248, %swap3A_249] {strides = array<i32>} : memref<32x256xf32, #tpu.memory_space<vmem>>, vector<1x16xf32>,
        %swap3A_251 = vector.shape_cast %swap3A_250 : vector<1x16xf32> to vector<16xf32>
        %swap3A_252 = vector.shape_cast %add3A_247 : vector<16xf32> to vector<1x16xf32>
        tpu.vector_store %arg14[%swap3A_248, %swap3A_249], %swap3A_252 {strides = array<i32>} : memref<32x256xf32, #tpu.memory_space<vmem>>, vector<1x16xf32>,
        %get3A_253 = arith.index_cast %add3A_212 : i32 to index
        %get3A_254 = arith.constant 48 : index
        %get3A_255 = tpu.vector_load %arg14[%get3A_253, %get3A_254] {strides = array<i32>} : memref<32x256xf32, #tpu.memory_space<vmem>>, vector<1x16xf32>,
        %get3A_256 = vector.shape_cast %get3A_255 : vector<1x16xf32> to vector<16xf32>
        %get3A_257 = arith.index_cast %add3A_212 : i32 to index
        %get3A_258 = arith.constant 48 : index
        %get3A_259 = tpu.vector_load %arg10[%get3A_257, %get3A_258] {strides = array<i32>} : memref<32x256xf32, #tpu.memory_space<vmem>>, vector<1x16xf32>,
        %get3A_260 = vector.shape_cast %get3A_259 : vector<1x16xf32> to vector<16xf32>
        %add3A_261 = arith.addf %get3A_256, %get3A_260 : vector<16xf32>
        %swap3A_262 = arith.index_cast %add3A_212 : i32 to index
        %swap3A_263 = arith.constant 48 : index
        %swap3A_264 = tpu.vector_load %arg14[%swap3A_262, %swap3A_263] {strides = array<i32>} : memref<32x256xf32, #tpu.memory_space<vmem>>, vector<1x16xf32>,
        %swap3A_265 = vector.shape_cast %swap3A_264 : vector<1x16xf32> to vector<16xf32>
        %swap3A_266 = vector.shape_cast %add3A_261 : vector<16xf32> to vector<1x16xf32>
        tpu.vector_store %arg14[%swap3A_262, %swap3A_263], %swap3A_266 {strides = array<i32>} : memref<32x256xf32, #tpu.memory_space<vmem>>, vector<1x16xf32>,
        %get3A_267 = arith.index_cast %add3A_212 : i32 to index
        %get3A_268 = arith.constant 64 : index
        %get3A_269 = tpu.vector_load %arg14[%get3A_267, %get3A_268] {strides = array<i32>} : memref<32x256xf32, #tpu.memory_space<vmem>>, vector<1x16xf32>,
        %get3A_270 = vector.shape_cast %get3A_269 : vector<1x16xf32> to vector<16xf32>
        %get3A_271 = arith.index_cast %add3A_212 : i32 to index
        %get3A_272 = arith.constant 64 : index
        %get3A_273 = tpu.vector_load %arg10[%get3A_271, %get3A_272] {strides = array<i32>} : memref<32x256xf32, #tpu.memory_space<vmem>>, vector<1x16xf32>,
        %get3A_274 = vector.shape_cast %get3A_273 : vector<1x16xf32> to vector<16xf32>
        %add3A_275 = arith.addf %get3A_270, %get3A_274 : vector<16xf32>
        %swap3A_276 = arith.index_cast %add3A_212 : i32 to index
        %swap3A_277 = arith.constant 64 : index
        %swap3A_278 = tpu.vector_load %arg14[%swap3A_276, %swap3A_277] {strides = array<i32>} : memref<32x256xf32, #tpu.memory_space<vmem>>, vector<1x16xf32>,
        %swap3A_279 = vector.shape_cast %swap3A_278 : vector<1x16xf32> to vector<16xf32>
        %swap3A_280 = vector.shape_cast %add3A_275 : vector<16xf32> to vector<1x16xf32>
        tpu.vector_store %arg14[%swap3A_276, %swap3A_277], %swap3A_280 {strides = array<i32>} : memref<32x256xf32, #tpu.memory_space<vmem>>, vector<1x16xf32>,
        %get3A_281 = arith.index_cast %add3A_212 : i32 to index
        %get3A_282 = arith.constant 80 : index
        %get3A_283 = tpu.vector_load %arg14[%get3A_281, %get3A_282] {strides = array<i32>} : memref<32x256xf32, #tpu.memory_space<vmem>>, vector<1x16xf32>,
        %get3A_284 = vector.shape_cast %get3A_283 : vector<1x16xf32> to vector<16xf32>
        %get3A_285 = arith.index_cast %add3A_212 : i32 to index
        %get3A_286 = arith.constant 80 : index
        %get3A_287 = tpu.vector_load %arg10[%get3A_285, %get3A_286] {strides = array<i32>} : memref<32x256xf32, #tpu.memory_space<vmem>>, vector<1x16xf32>,
        %get3A_288 = vector.shape_cast %get3A_287 : vector<1x16xf32> to vector<16xf32>
        %add3A_289 = arith.addf %get3A_284, %get3A_288 : vector<16xf32>
        %swap3A_290 = arith.index_cast %add3A_212 : i32 to index
        %swap3A_291 = arith.constant 80 : index
        %swap3A_292 = tpu.vector_load %arg14[%swap3A_290, %swap3A_291] {strides = array<i32>} : memref<32x256xf32, #tpu.memory_space<vmem>>, vector<1x16xf32>,
        %swap3A_293 = vector.shape_cast %swap3A_292 : vector<1x16xf32> to vector<16xf32>
        %swap3A_294 = vector.shape_cast %add3A_289 : vector<16xf32> to vector<1x16xf32>
        tpu.vector_store %arg14[%swap3A_290, %swap3A_291], %swap3A_294 {strides = array<i32>} : memref<32x256xf32, #tpu.memory_space<vmem>>, vector<1x16xf32>,
        %get3A_295 = arith.index_cast %add3A_212 : i32 to index
        %get3A_296 = arith.constant 96 : index
        %get3A_297 = tpu.vector_load %arg14[%get3A_295, %get3A_296] {strides = array<i32>} : memref<32x256xf32, #tpu.memory_space<vmem>>, vector<1x16xf32>,
        %get3A_298 = vector.shape_cast %get3A_297 : vector<1x16xf32> to vector<16xf32>
        %get3A_299 = arith.index_cast %add3A_212 : i32 to index
        %get3A_300 = arith.constant 96 : index
        %get3A_301 = tpu.vector_load %arg10[%get3A_299, %get3A_300] {strides = array<i32>} : memref<32x256xf32, #tpu.memory_space<vmem>>, vector<1x16xf32>,
        %get3A_302 = vector.shape_cast %get3A_301 : vector<1x16xf32> to vector<16xf32>
        %add3A_303 = arith.addf %get3A_298, %get3A_302 : vector<16xf32>
        %swap3A_304 = arith.index_cast %add3A_212 : i32 to index
        %swap3A_305 = arith.constant 96 : index
        %swap3A_306 = tpu.vector_load %arg14[%swap3A_304, %swap3A_305] {strides = array<i32>} : memref<32x256xf32, #tpu.memory_space<vmem>>, vector<1x16xf32>,
        %swap3A_307 = vector.shape_cast %swap3A_306 : vector<1x16xf32> to vector<16xf32>
        %swap3A_308 = vector.shape_cast %add3A_303 : vector<16xf32> to vector<1x16xf32>
        tpu.vector_store %arg14[%swap3A_304, %swap3A_305], %swap3A_308 {strides = array<i32>} : memref<32x256xf32, #tpu.memory_space<vmem>>, vector<1x16xf32>,
        %get3A_309 = arith.index_cast %add3A_212 : i32 to index
        %get3A_310 = arith.constant 112 : index
        %get3A_311 = tpu.vector_load %arg14[%get3A_309, %get3A_310] {strides = array<i32>} : memref<32x256xf32, #tpu.memory_space<vmem>>, vector<1x16xf32>,
        %get3A_312 = vector.shape_cast %get3A_311 : vector<1x16xf32> to vector<16xf32>
        %get3A_313 = arith.index_cast %add3A_212 : i32 to index
        %get3A_314 = arith.constant 112 : index
        %get3A_315 = tpu.vector_load %arg10[%get3A_313, %get3A_314] {strides = array<i32>} : memref<32x256xf32, #tpu.memory_space<vmem>>, vector<1x16xf32>,
        %get3A_316 = vector.shape_cast %get3A_315 : vector<1x16xf32> to vector<16xf32>
        %add3A_317 = arith.addf %get3A_312, %get3A_316 : vector<16xf32>
        %swap3A_318 = arith.index_cast %add3A_212 : i32 to index
        %swap3A_319 = arith.constant 112 : index
        %swap3A_320 = tpu.vector_load %arg14[%swap3A_318, %swap3A_319] {strides = array<i32>} : memref<32x256xf32, #tpu.memory_space<vmem>>, vector<1x16xf32>,
        %swap3A_321 = vector.shape_cast %swap3A_320 : vector<1x16xf32> to vector<16xf32>
        %swap3A_322 = vector.shape_cast %add3A_317 : vector<16xf32> to vector<1x16xf32>
        tpu.vector_store %arg14[%swap3A_318, %swap3A_319], %swap3A_322 {strides = array<i32>} : memref<32x256xf32, #tpu.memory_space<vmem>>, vector<1x16xf32>,
        %get3A_323 = arith.index_cast %add3A_212 : i32 to index
        %get3A_324 = arith.constant 128 : index
        %get3A_325 = tpu.vector_load %arg14[%get3A_323, %get3A_324] {strides = array<i32>} : memref<32x256xf32, #tpu.memory_space<vmem>>, vector<1x16xf32>,
        %get3A_326 = vector.shape_cast %get3A_325 : vector<1x16xf32> to vector<16xf32>
        %get3A_327 = arith.index_cast %add3A_212 : i32 to index
        %get3A_328 = arith.constant 128 : index
        %get3A_329 = tpu.vector_load %arg10[%get3A_327, %get3A_328] {strides = array<i32>} : memref<32x256xf32, #tpu.memory_space<vmem>>, vector<1x16xf32>,
        %get3A_330 = vector.shape_cast %get3A_329 : vector<1x16xf32> to vector<16xf32>
        %add3A_331 = arith.addf %get3A_326, %get3A_330 : vector<16xf32>
        %swap3A_332 = arith.index_cast %add3A_212 : i32 to index
        %swap3A_333 = arith.constant 128 : index
        %swap3A_334 = tpu.vector_load %arg14[%swap3A_332, %swap3A_333] {strides = array<i32>} : memref<32x256xf32, #tpu.memory_space<vmem>>, vector<1x16xf32>,
        %swap3A_335 = vector.shape_cast %swap3A_334 : vector<1x16xf32> to vector<16xf32>
        %swap3A_336 = vector.shape_cast %add3A_331 : vector<16xf32> to vector<1x16xf32>
        tpu.vector_store %arg14[%swap3A_332, %swap3A_333], %swap3A_336 {strides = array<i32>} : memref<32x256xf32, #tpu.memory_space<vmem>>, vector<1x16xf32>,
        %get3A_337 = arith.index_cast %add3A_212 : i32 to index
        %get3A_338 = arith.constant 144 : index
        %get3A_339 = tpu.vector_load %arg14[%get3A_337, %get3A_338] {strides = array<i32>} : memref<32x256xf32, #tpu.memory_space<vmem>>, vector<1x16xf32>,
        %get3A_340 = vector.shape_cast %get3A_339 : vector<1x16xf32> to vector<16xf32>
        %get3A_341 = arith.index_cast %add3A_212 : i32 to index
        %get3A_342 = arith.constant 144 : index
        %get3A_343 = tpu.vector_load %arg10[%get3A_341, %get3A_342] {strides = array<i32>} : memref<32x256xf32, #tpu.memory_space<vmem>>, vector<1x16xf32>,
        %get3A_344 = vector.shape_cast %get3A_343 : vector<1x16xf32> to vector<16xf32>
        %add3A_345 = arith.addf %get3A_340, %get3A_344 : vector<16xf32>
        %swap3A_346 = arith.index_cast %add3A_212 : i32 to index
        %swap3A_347 = arith.constant 144 : index
        %swap3A_348 = tpu.vector_load %arg14[%swap3A_346, %swap3A_347] {strides = array<i32>} : memref<32x256xf32, #tpu.memory_space<vmem>>, vector<1x16xf32>,
        %swap3A_349 = vector.shape_cast %swap3A_348 : vector<1x16xf32> to vector<16xf32>
        %swap3A_350 = vector.shape_cast %add3A_345 : vector<16xf32> to vector<1x16xf32>
        tpu.vector_store %arg14[%swap3A_346, %swap3A_347], %swap3A_350 {strides = array<i32>} : memref<32x256xf32, #tpu.memory_space<vmem>>, vector<1x16xf32>,
        %get3A_351 = arith.index_cast %add3A_212 : i32 to index
        %get3A_352 = arith.constant 160 : index
        %get3A_353 = tpu.vector_load %arg14[%get3A_351, %get3A_352] {strides = array<i32>} : memref<32x256xf32, #tpu.memory_space<vmem>>, vector<1x16xf32>,
        %get3A_354 = vector.shape_cast %get3A_353 : vector<1x16xf32> to vector<16xf32>
        %get3A_355 = arith.index_cast %add3A_212 : i32 to index
        %get3A_356 = arith.constant 160 : index
        %get3A_357 = tpu.vector_load %arg10[%get3A_355, %get3A_356] {strides = array<i32>} : memref<32x256xf32, #tpu.memory_space<vmem>>, vector<1x16xf32>,
        %get3A_358 = vector.shape_cast %get3A_357 : vector<1x16xf32> to vector<16xf32>
        %add3A_359 = arith.addf %get3A_354, %get3A_358 : vector<16xf32>
        %swap3A_360 = arith.index_cast %add3A_212 : i32 to index
        %swap3A_361 = arith.constant 160 : index
        %swap3A_362 = tpu.vector_load %arg14[%swap3A_360, %swap3A_361] {strides = array<i32>} : memref<32x256xf32, #tpu.memory_space<vmem>>, vector<1x16xf32>,
        %swap3A_363 = vector.shape_cast %swap3A_362 : vector<1x16xf32> to vector<16xf32>
        %swap3A_364 = vector.shape_cast %add3A_359 : vector<16xf32> to vector<1x16xf32>
        tpu.vector_store %arg14[%swap3A_360, %swap3A_361], %swap3A_364 {strides = array<i32>} : memref<32x256xf32, #tpu.memory_space<vmem>>, vector<1x16xf32>,
        %get3A_365 = arith.index_cast %add3A_212 : i32 to index
        %get3A_366 = arith.constant 176 : index
        %get3A_367 = tpu.vector_load %arg14[%get3A_365, %get3A_366] {strides = array<i32>} : memref<32x256xf32, #tpu.memory_space<vmem>>, vector<1x16xf32>,
        %get3A_368 = vector.shape_cast %get3A_367 : vector<1x16xf32> to vector<16xf32>
        %get3A_369 = arith.index_cast %add3A_212 : i32 to index
        %get3A_370 = arith.constant 176 : index
        %get3A_371 = tpu.vector_load %arg10[%get3A_369, %get3A_370] {strides = array<i32>} : memref<32x256xf32, #tpu.memory_space<vmem>>, vector<1x16xf32>,
        %get3A_372 = vector.shape_cast %get3A_371 : vector<1x16xf32> to vector<16xf32>
        %add3A_373 = arith.addf %get3A_368, %get3A_372 : vector<16xf32>
        %swap3A_374 = arith.index_cast %add3A_212 : i32 to index
        %swap3A_375 = arith.constant 176 : index
        %swap3A_376 = tpu.vector_load %arg14[%swap3A_374, %swap3A_375] {strides = array<i32>} : memref<32x256xf32, #tpu.memory_space<vmem>>, vector<1x16xf32>,
        %swap3A_377 = vector.shape_cast %swap3A_376 : vector<1x16xf32> to vector<16xf32>
        %swap3A_378 = vector.shape_cast %add3A_373 : vector<16xf32> to vector<1x16xf32>
        tpu.vector_store %arg14[%swap3A_374, %swap3A_375], %swap3A_378 {strides = array<i32>} : memref<32x256xf32, #tpu.memory_space<vmem>>, vector<1x16xf32>,
        %get3A_379 = arith.index_cast %add3A_212 : i32 to index
        %get3A_380 = arith.constant 192 : index
        %get3A_381 = tpu.vector_load %arg14[%get3A_379, %get3A_380] {strides = array<i32>} : memref<32x256xf32, #tpu.memory_space<vmem>>, vector<1x16xf32>,
        %get3A_382 = vector.shape_cast %get3A_381 : vector<1x16xf32> to vector<16xf32>
        %get3A_383 = arith.index_cast %add3A_212 : i32 to index
        %get3A_384 = arith.constant 192 : index
        %get3A_385 = tpu.vector_load %arg10[%get3A_383, %get3A_384] {strides = array<i32>} : memref<32x256xf32, #tpu.memory_space<vmem>>, vector<1x16xf32>,
        %get3A_386 = vector.shape_cast %get3A_385 : vector<1x16xf32> to vector<16xf32>
        %add3A_387 = arith.addf %get3A_382, %get3A_386 : vector<16xf32>
        %swap3A_388 = arith.index_cast %add3A_212 : i32 to index
        %swap3A_389 = arith.constant 192 : index
        %swap3A_390 = tpu.vector_load %arg14[%swap3A_388, %swap3A_389] {strides = array<i32>} : memref<32x256xf32, #tpu.memory_space<vmem>>, vector<1x16xf32>,
        %swap3A_391 = vector.shape_cast %swap3A_390 : vector<1x16xf32> to vector<16xf32>
        %swap3A_392 = vector.shape_cast %add3A_387 : vector<16xf32> to vector<1x16xf32>
        tpu.vector_store %arg14[%swap3A_388, %swap3A_389], %swap3A_392 {strides = array<i32>} : memref<32x256xf32, #tpu.memory_space<vmem>>, vector<1x16xf32>,
        %get3A_393 = arith.index_cast %add3A_212 : i32 to index
        %get3A_394 = arith.constant 208 : index
        %get3A_395 = tpu.vector_load %arg14[%get3A_393, %get3A_394] {strides = array<i32>} : memref<32x256xf32, #tpu.memory_space<vmem>>, vector<1x16xf32>,
        %get3A_396 = vector.shape_cast %get3A_395 : vector<1x16xf32> to vector<16xf32>
        %get3A_397 = arith.index_cast %add3A_212 : i32 to index
        %get3A_398 = arith.constant 208 : index
        %get3A_399 = tpu.vector_load %arg10[%get3A_397, %get3A_398] {strides = array<i32>} : memref<32x256xf32, #tpu.memory_space<vmem>>, vector<1x16xf32>,
        %get3A_400 = vector.shape_cast %get3A_399 : vector<1x16xf32> to vector<16xf32>
        %add3A_401 = arith.addf %get3A_396, %get3A_400 : vector<16xf32>
        %swap3A_402 = arith.index_cast %add3A_212 : i32 to index
        %swap3A_403 = arith.constant 208 : index
        %swap3A_404 = tpu.vector_load %arg14[%swap3A_402, %swap3A_403] {strides = array<i32>} : memref<32x256xf32, #tpu.memory_space<vmem>>, vector<1x16xf32>,
        %swap3A_405 = vector.shape_cast %swap3A_404 : vector<1x16xf32> to vector<16xf32>
        %swap3A_406 = vector.shape_cast %add3A_401 : vector<16xf32> to vector<1x16xf32>
        tpu.vector_store %arg14[%swap3A_402, %swap3A_403], %swap3A_406 {strides = array<i32>} : memref<32x256xf32, #tpu.memory_space<vmem>>, vector<1x16xf32>,
        %get3A_407 = arith.index_cast %add3A_212 : i32 to index
        %get3A_408 = arith.constant 224 : index
        %get3A_409 = tpu.vector_load %arg14[%get3A_407, %get3A_408] {strides = array<i32>} : memref<32x256xf32, #tpu.memory_space<vmem>>, vector<1x16xf32>,
        %get3A_410 = vector.shape_cast %get3A_409 : vector<1x16xf32> to vector<16xf32>
        %get3A_411 = arith.index_cast %add3A_212 : i32 to index
        %get3A_412 = arith.constant 224 : index
        %get3A_413 = tpu.vector_load %arg10[%get3A_411, %get3A_412] {strides = array<i32>} : memref<32x256xf32, #tpu.memory_space<vmem>>, vector<1x16xf32>,
        %get3A_414 = vector.shape_cast %get3A_413 : vector<1x16xf32> to vector<16xf32>
        %add3A_415 = arith.addf %get3A_410, %get3A_414 : vector<16xf32>
        %swap3A_416 = arith.index_cast %add3A_212 : i32 to index
        %swap3A_417 = arith.constant 224 : index
        %swap3A_418 = tpu.vector_load %arg14[%swap3A_416, %swap3A_417] {strides = array<i32>} : memref<32x256xf32, #tpu.memory_space<vmem>>, vector<1x16xf32>,
        %swap3A_419 = vector.shape_cast %swap3A_418 : vector<1x16xf32> to vector<16xf32>
        %swap3A_420 = vector.shape_cast %add3A_415 : vector<16xf32> to vector<1x16xf32>
        tpu.vector_store %arg14[%swap3A_416, %swap3A_417], %swap3A_420 {strides = array<i32>} : memref<32x256xf32, #tpu.memory_space<vmem>>, vector<1x16xf32>,
        %get3A_421 = arith.index_cast %add3A_212 : i32 to index
        %get3A_422 = arith.constant 240 : index
        %get3A_423 = tpu.vector_load %arg14[%get3A_421, %get3A_422] {strides = array<i32>} : memref<32x256xf32, #tpu.memory_space<vmem>>, vector<1x16xf32>,
        %get3A_424 = vector.shape_cast %get3A_423 : vector<1x16xf32> to vector<16xf32>
        %get3A_425 = arith.index_cast %add3A_212 : i32 to index
        %get3A_426 = arith.constant 240 : index
        %get3A_427 = tpu.vector_load %arg10[%get3A_425, %get3A_426] {strides = array<i32>} : memref<32x256xf32, #tpu.memory_space<vmem>>, vector<1x16xf32>,
        %get3A_428 = vector.shape_cast %get3A_427 : vector<1x16xf32> to vector<16xf32>
        %add3A_429 = arith.addf %get3A_424, %get3A_428 : vector<16xf32>
        %swap3A_430 = arith.index_cast %add3A_212 : i32 to index
        %swap3A_431 = arith.constant 240 : index
        %swap3A_432 = tpu.vector_load %arg14[%swap3A_430, %swap3A_431] {strides = array<i32>} : memref<32x256xf32, #tpu.memory_space<vmem>>, vector<1x16xf32>,
        %swap3A_433 = vector.shape_cast %swap3A_432 : vector<1x16xf32> to vector<16xf32>
        %swap3A_434 = vector.shape_cast %add3A_429 : vector<16xf32> to vector<1x16xf32>
        tpu.vector_store %arg14[%swap3A_430, %swap3A_431], %swap3A_434 {strides = array<i32>} : memref<32x256xf32, #tpu.memory_space<vmem>>, vector<1x16xf32>,
        %mul3A_435 = arith.constant 2 : i32
        %mul3A_436 = arith.muli %scan3A_208, %mul3A_435 : i32
        %add3A_437 = arith.constant 1 : i32
        %add3A_438 = arith.addi %mul3A_436, %add3A_437 : i32
        %get3A_439 = arith.index_cast %add3A_438 : i32 to index
        %get3A_440 = arith.constant 0 : index
        %get3A_441 = tpu.vector_load %arg14[%get3A_439, %get3A_440] {strides = array<i32>} : memref<32x256xf32, #tpu.memory_space<vmem>>, vector<1x16xf32>,
        %get3A_442 = vector.shape_cast %get3A_441 : vector<1x16xf32> to vector<16xf32>
        %get3A_443 = arith.index_cast %add3A_438 : i32 to index
        %get3A_444 = arith.constant 0 : index
        %get3A_445 = tpu.vector_load %arg10[%get3A_443, %get3A_444] {strides = array<i32>} : memref<32x256xf32, #tpu.memory_space<vmem>>, vector<1x16xf32>,
        %get3A_446 = vector.shape_cast %get3A_445 : vector<1x16xf32> to vector<16xf32>
        %add3A_447 = arith.addf %get3A_442, %get3A_446 : vector<16xf32>
        %swap3A_448 = arith.index_cast %add3A_438 : i32 to index
        %swap3A_449 = arith.constant 0 : index
        %swap3A_450 = tpu.vector_load %arg14[%swap3A_448, %swap3A_449] {strides = array<i32>} : memref<32x256xf32, #tpu.memory_space<vmem>>, vector<1x16xf32>,
        %swap3A_451 = vector.shape_cast %swap3A_450 : vector<1x16xf32> to vector<16xf32>
        %swap3A_452 = vector.shape_cast %add3A_447 : vector<16xf32> to vector<1x16xf32>
        tpu.vector_store %arg14[%swap3A_448, %swap3A_449], %swap3A_452 {strides = array<i32>} : memref<32x256xf32, #tpu.memory_space<vmem>>, vector<1x16xf32>,
        %get3A_453 = arith.index_cast %add3A_438 : i32 to index
        %get3A_454 = arith.constant 16 : index
        %get3A_455 = tpu.vector_load %arg14[%get3A_453, %get3A_454] {strides = array<i32>} : memref<32x256xf32, #tpu.memory_space<vmem>>, vector<1x16xf32>,
        %get3A_456 = vector.shape_cast %get3A_455 : vector<1x16xf32> to vector<16xf32>
        %get3A_457 = arith.index_cast %add3A_438 : i32 to index
        %get3A_458 = arith.constant 16 : index
        %get3A_459 = tpu.vector_load %arg10[%get3A_457, %get3A_458] {strides = array<i32>} : memref<32x256xf32, #tpu.memory_space<vmem>>, vector<1x16xf32>,
        %get3A_460 = vector.shape_cast %get3A_459 : vector<1x16xf32> to vector<16xf32>
        %add3A_461 = arith.addf %get3A_456, %get3A_460 : vector<16xf32>
        %swap3A_462 = arith.index_cast %add3A_438 : i32 to index
        %swap3A_463 = arith.constant 16 : index
        %swap3A_464 = tpu.vector_load %arg14[%swap3A_462, %swap3A_463] {strides = array<i32>} : memref<32x256xf32, #tpu.memory_space<vmem>>, vector<1x16xf32>,
        %swap3A_465 = vector.shape_cast %swap3A_464 : vector<1x16xf32> to vector<16xf32>
        %swap3A_466 = vector.shape_cast %add3A_461 : vector<16xf32> to vector<1x16xf32>
        tpu.vector_store %arg14[%swap3A_462, %swap3A_463], %swap3A_466 {strides = array<i32>} : memref<32x256xf32, #tpu.memory_space<vmem>>, vector<1x16xf32>,
        %get3A_467 = arith.index_cast %add3A_438 : i32 to index
        %get3A_468 = arith.constant 32 : index
        %get3A_469 = tpu.vector_load %arg14[%get3A_467, %get3A_468] {strides = array<i32>} : memref<32x256xf32, #tpu.memory_space<vmem>>, vector<1x16xf32>,
        %get3A_470 = vector.shape_cast %get3A_469 : vector<1x16xf32> to vector<16xf32>
        %get3A_471 = arith.index_cast %add3A_438 : i32 to index
        %get3A_472 = arith.constant 32 : index
        %get3A_473 = tpu.vector_load %arg10[%get3A_471, %get3A_472] {strides = array<i32>} : memref<32x256xf32, #tpu.memory_space<vmem>>, vector<1x16xf32>,
        %get3A_474 = vector.shape_cast %get3A_473 : vector<1x16xf32> to vector<16xf32>
        %add3A_475 = arith.addf %get3A_470, %get3A_474 : vector<16xf32>
        %swap3A_476 = arith.index_cast %add3A_438 : i32 to index
        %swap3A_477 = arith.constant 32 : index
        %swap3A_478 = tpu.vector_load %arg14[%swap3A_476, %swap3A_477] {strides = array<i32>} : memref<32x256xf32, #tpu.memory_space<vmem>>, vector<1x16xf32>,
        %swap3A_479 = vector.shape_cast %swap3A_478 : vector<1x16xf32> to vector<16xf32>
        %swap3A_480 = vector.shape_cast %add3A_475 : vector<16xf32> to vector<1x16xf32>
        tpu.vector_store %arg14[%swap3A_476, %swap3A_477], %swap3A_480 {strides = array<i32>} : memref<32x256xf32, #tpu.memory_space<vmem>>, vector<1x16xf32>,
        %get3A_481 = arith.index_cast %add3A_438 : i32 to index
        %get3A_482 = arith.constant 48 : index
        %get3A_483 = tpu.vector_load %arg14[%get3A_481, %get3A_482] {strides = array<i32>} : memref<32x256xf32, #tpu.memory_space<vmem>>, vector<1x16xf32>,
        %get3A_484 = vector.shape_cast %get3A_483 : vector<1x16xf32> to vector<16xf32>
        %get3A_485 = arith.index_cast %add3A_438 : i32 to index
        %get3A_486 = arith.constant 48 : index
        %get3A_487 = tpu.vector_load %arg10[%get3A_485, %get3A_486] {strides = array<i32>} : memref<32x256xf32, #tpu.memory_space<vmem>>, vector<1x16xf32>,
        %get3A_488 = vector.shape_cast %get3A_487 : vector<1x16xf32> to vector<16xf32>
        %add3A_489 = arith.addf %get3A_484, %get3A_488 : vector<16xf32>
        %swap3A_490 = arith.index_cast %add3A_438 : i32 to index
        %swap3A_491 = arith.constant 48 : index
        %swap3A_492 = tpu.vector_load %arg14[%swap3A_490, %swap3A_491] {strides = array<i32>} : memref<32x256xf32, #tpu.memory_space<vmem>>, vector<1x16xf32>,
        %swap3A_493 = vector.shape_cast %swap3A_492 : vector<1x16xf32> to vector<16xf32>
        %swap3A_494 = vector.shape_cast %add3A_489 : vector<16xf32> to vector<1x16xf32>
        tpu.vector_store %arg14[%swap3A_490, %swap3A_491], %swap3A_494 {strides = array<i32>} : memref<32x256xf32, #tpu.memory_space<vmem>>, vector<1x16xf32>,
        %get3A_495 = arith.index_cast %add3A_438 : i32 to index
        %get3A_496 = arith.constant 64 : index
        %get3A_497 = tpu.vector_load %arg14[%get3A_495, %get3A_496] {strides = array<i32>} : memref<32x256xf32, #tpu.memory_space<vmem>>, vector<1x16xf32>,
        %get3A_498 = vector.shape_cast %get3A_497 : vector<1x16xf32> to vector<16xf32>
        %get3A_499 = arith.index_cast %add3A_438 : i32 to index
        %get3A_500 = arith.constant 64 : index
        %get3A_501 = tpu.vector_load %arg10[%get3A_499, %get3A_500] {strides = array<i32>} : memref<32x256xf32, #tpu.memory_space<vmem>>, vector<1x16xf32>,
        %get3A_502 = vector.shape_cast %get3A_501 : vector<1x16xf32> to vector<16xf32>
        %add3A_503 = arith.addf %get3A_498, %get3A_502 : vector<16xf32>
        %swap3A_504 = arith.index_cast %add3A_438 : i32 to index
        %swap3A_505 = arith.constant 64 : index
        %swap3A_506 = tpu.vector_load %arg14[%swap3A_504, %swap3A_505] {strides = array<i32>} : memref<32x256xf32, #tpu.memory_space<vmem>>, vector<1x16xf32>,
        %swap3A_507 = vector.shape_cast %swap3A_506 : vector<1x16xf32> to vector<16xf32>
        %swap3A_508 = vector.shape_cast %add3A_503 : vector<16xf32> to vector<1x16xf32>
        tpu.vector_store %arg14[%swap3A_504, %swap3A_505], %swap3A_508 {strides = array<i32>} : memref<32x256xf32, #tpu.memory_space<vmem>>, vector<1x16xf32>,
        %get3A_509 = arith.index_cast %add3A_438 : i32 to index
        %get3A_510 = arith.constant 80 : index
        %get3A_511 = tpu.vector_load %arg14[%get3A_509, %get3A_510] {strides = array<i32>} : memref<32x256xf32, #tpu.memory_space<vmem>>, vector<1x16xf32>,
        %get3A_512 = vector.shape_cast %get3A_511 : vector<1x16xf32> to vector<16xf32>
        %get3A_513 = arith.index_cast %add3A_438 : i32 to index
        %get3A_514 = arith.constant 80 : index
        %get3A_515 = tpu.vector_load %arg10[%get3A_513, %get3A_514] {strides = array<i32>} : memref<32x256xf32, #tpu.memory_space<vmem>>, vector<1x16xf32>,
        %get3A_516 = vector.shape_cast %get3A_515 : vector<1x16xf32> to vector<16xf32>
        %add3A_517 = arith.addf %get3A_512, %get3A_516 : vector<16xf32>
        %swap3A_518 = arith.index_cast %add3A_438 : i32 to index
        %swap3A_519 = arith.constant 80 : index
        %swap3A_520 = tpu.vector_load %arg14[%swap3A_518, %swap3A_519] {strides = array<i32>} : memref<32x256xf32, #tpu.memory_space<vmem>>, vector<1x16xf32>,
        %swap3A_521 = vector.shape_cast %swap3A_520 : vector<1x16xf32> to vector<16xf32>
        %swap3A_522 = vector.shape_cast %add3A_517 : vector<16xf32> to vector<1x16xf32>
        tpu.vector_store %arg14[%swap3A_518, %swap3A_519], %swap3A_522 {strides = array<i32>} : memref<32x256xf32, #tpu.memory_space<vmem>>, vector<1x16xf32>,
        %get3A_523 = arith.index_cast %add3A_438 : i32 to index
        %get3A_524 = arith.constant 96 : index
        %get3A_525 = tpu.vector_load %arg14[%get3A_523, %get3A_524] {strides = array<i32>} : memref<32x256xf32, #tpu.memory_space<vmem>>, vector<1x16xf32>,
        %get3A_526 = vector.shape_cast %get3A_525 : vector<1x16xf32> to vector<16xf32>
        %get3A_527 = arith.index_cast %add3A_438 : i32 to index
        %get3A_528 = arith.constant 96 : index
        %get3A_529 = tpu.vector_load %arg10[%get3A_527, %get3A_528] {strides = array<i32>} : memref<32x256xf32, #tpu.memory_space<vmem>>, vector<1x16xf32>,
        %get3A_530 = vector.shape_cast %get3A_529 : vector<1x16xf32> to vector<16xf32>
        %add3A_531 = arith.addf %get3A_526, %get3A_530 : vector<16xf32>
        %swap3A_532 = arith.index_cast %add3A_438 : i32 to index
        %swap3A_533 = arith.constant 96 : index
        %swap3A_534 = tpu.vector_load %arg14[%swap3A_532, %swap3A_533] {strides = array<i32>} : memref<32x256xf32, #tpu.memory_space<vmem>>, vector<1x16xf32>,
        %swap3A_535 = vector.shape_cast %swap3A_534 : vector<1x16xf32> to vector<16xf32>
        %swap3A_536 = vector.shape_cast %add3A_531 : vector<16xf32> to vector<1x16xf32>
        tpu.vector_store %arg14[%swap3A_532, %swap3A_533], %swap3A_536 {strides = array<i32>} : memref<32x256xf32, #tpu.memory_space<vmem>>, vector<1x16xf32>,
        %get3A_537 = arith.index_cast %add3A_438 : i32 to index
        %get3A_538 = arith.constant 112 : index
        %get3A_539 = tpu.vector_load %arg14[%get3A_537, %get3A_538] {strides = array<i32>} : memref<32x256xf32, #tpu.memory_space<vmem>>, vector<1x16xf32>,
        %get3A_540 = vector.shape_cast %get3A_539 : vector<1x16xf32> to vector<16xf32>
        %get3A_541 = arith.index_cast %add3A_438 : i32 to index
        %get3A_542 = arith.constant 112 : index
        %get3A_543 = tpu.vector_load %arg10[%get3A_541, %get3A_542] {strides = array<i32>} : memref<32x256xf32, #tpu.memory_space<vmem>>, vector<1x16xf32>,
        %get3A_544 = vector.shape_cast %get3A_543 : vector<1x16xf32> to vector<16xf32>
        %add3A_545 = arith.addf %get3A_540, %get3A_544 : vector<16xf32>
        %swap3A_546 = arith.index_cast %add3A_438 : i32 to index
        %swap3A_547 = arith.constant 112 : index
        %swap3A_548 = tpu.vector_load %arg14[%swap3A_546, %swap3A_547] {strides = array<i32>} : memref<32x256xf32, #tpu.memory_space<vmem>>, vector<1x16xf32>,
        %swap3A_549 = vector.shape_cast %swap3A_548 : vector<1x16xf32> to vector<16xf32>
        %swap3A_550 = vector.shape_cast %add3A_545 : vector<16xf32> to vector<1x16xf32>
        tpu.vector_store %arg14[%swap3A_546, %swap3A_547], %swap3A_550 {strides = array<i32>} : memref<32x256xf32, #tpu.memory_space<vmem>>, vector<1x16xf32>,
        %get3A_551 = arith.index_cast %add3A_438 : i32 to index
        %get3A_552 = arith.constant 128 : index
        %get3A_553 = tpu.vector_load %arg14[%get3A_551, %get3A_552] {strides = array<i32>} : memref<32x256xf32, #tpu.memory_space<vmem>>, vector<1x16xf32>,
        %get3A_554 = vector.shape_cast %get3A_553 : vector<1x16xf32> to vector<16xf32>
        %get3A_555 = arith.index_cast %add3A_438 : i32 to index
        %get3A_556 = arith.constant 128 : index
        %get3A_557 = tpu.vector_load %arg10[%get3A_555, %get3A_556] {strides = array<i32>} : memref<32x256xf32, #tpu.memory_space<vmem>>, vector<1x16xf32>,
        %get3A_558 = vector.shape_cast %get3A_557 : vector<1x16xf32> to vector<16xf32>
        %add3A_559 = arith.addf %get3A_554, %get3A_558 : vector<16xf32>
        %swap3A_560 = arith.index_cast %add3A_438 : i32 to index
        %swap3A_561 = arith.constant 128 : index
        %swap3A_562 = tpu.vector_load %arg14[%swap3A_560, %swap3A_561] {strides = array<i32>} : memref<32x256xf32, #tpu.memory_space<vmem>>, vector<1x16xf32>,
        %swap3A_563 = vector.shape_cast %swap3A_562 : vector<1x16xf32> to vector<16xf32>
        %swap3A_564 = vector.shape_cast %add3A_559 : vector<16xf32> to vector<1x16xf32>
        tpu.vector_store %arg14[%swap3A_560, %swap3A_561], %swap3A_564 {strides = array<i32>} : memref<32x256xf32, #tpu.memory_space<vmem>>, vector<1x16xf32>,
        %get3A_565 = arith.index_cast %add3A_438 : i32 to index
        %get3A_566 = arith.constant 144 : index
        %get3A_567 = tpu.vector_load %arg14[%get3A_565, %get3A_566] {strides = array<i32>} : memref<32x256xf32, #tpu.memory_space<vmem>>, vector<1x16xf32>,
        %get3A_568 = vector.shape_cast %get3A_567 : vector<1x16xf32> to vector<16xf32>
        %get3A_569 = arith.index_cast %add3A_438 : i32 to index
        %get3A_570 = arith.constant 144 : index
        %get3A_571 = tpu.vector_load %arg10[%get3A_569, %get3A_570] {strides = array<i32>} : memref<32x256xf32, #tpu.memory_space<vmem>>, vector<1x16xf32>,
        %get3A_572 = vector.shape_cast %get3A_571 : vector<1x16xf32> to vector<16xf32>
        %add3A_573 = arith.addf %get3A_568, %get3A_572 : vector<16xf32>
        %swap3A_574 = arith.index_cast %add3A_438 : i32 to index
        %swap3A_575 = arith.constant 144 : index
        %swap3A_576 = tpu.vector_load %arg14[%swap3A_574, %swap3A_575] {strides = array<i32>} : memref<32x256xf32, #tpu.memory_space<vmem>>, vector<1x16xf32>,
        %swap3A_577 = vector.shape_cast %swap3A_576 : vector<1x16xf32> to vector<16xf32>
        %swap3A_578 = vector.shape_cast %add3A_573 : vector<16xf32> to vector<1x16xf32>
        tpu.vector_store %arg14[%swap3A_574, %swap3A_575], %swap3A_578 {strides = array<i32>} : memref<32x256xf32, #tpu.memory_space<vmem>>, vector<1x16xf32>,
        %get3A_579 = arith.index_cast %add3A_438 : i32 to index
        %get3A_580 = arith.constant 160 : index
        %get3A_581 = tpu.vector_load %arg14[%get3A_579, %get3A_580] {strides = array<i32>} : memref<32x256xf32, #tpu.memory_space<vmem>>, vector<1x16xf32>,
        %get3A_582 = vector.shape_cast %get3A_581 : vector<1x16xf32> to vector<16xf32>
        %get3A_583 = arith.index_cast %add3A_438 : i32 to index
        %get3A_584 = arith.constant 160 : index
        %get3A_585 = tpu.vector_load %arg10[%get3A_583, %get3A_584] {strides = array<i32>} : memref<32x256xf32, #tpu.memory_space<vmem>>, vector<1x16xf32>,
        %get3A_586 = vector.shape_cast %get3A_585 : vector<1x16xf32> to vector<16xf32>
        %add3A_587 = arith.addf %get3A_582, %get3A_586 : vector<16xf32>
        %swap3A_588 = arith.index_cast %add3A_438 : i32 to index
        %swap3A_589 = arith.constant 160 : index
        %swap3A_590 = tpu.vector_load %arg14[%swap3A_588, %swap3A_589] {strides = array<i32>} : memref<32x256xf32, #tpu.memory_space<vmem>>, vector<1x16xf32>,
        %swap3A_591 = vector.shape_cast %swap3A_590 : vector<1x16xf32> to vector<16xf32>
        %swap3A_592 = vector.shape_cast %add3A_587 : vector<16xf32> to vector<1x16xf32>
        tpu.vector_store %arg14[%swap3A_588, %swap3A_589], %swap3A_592 {strides = array<i32>} : memref<32x256xf32, #tpu.memory_space<vmem>>, vector<1x16xf32>,
        %get3A_593 = arith.index_cast %add3A_438 : i32 to index
        %get3A_594 = arith.constant 176 : index
        %get3A_595 = tpu.vector_load %arg14[%get3A_593, %get3A_594] {strides = array<i32>} : memref<32x256xf32, #tpu.memory_space<vmem>>, vector<1x16xf32>,
        %get3A_596 = vector.shape_cast %get3A_595 : vector<1x16xf32> to vector<16xf32>
        %get3A_597 = arith.index_cast %add3A_438 : i32 to index
        %get3A_598 = arith.constant 176 : index
        %get3A_599 = tpu.vector_load %arg10[%get3A_597, %get3A_598] {strides = array<i32>} : memref<32x256xf32, #tpu.memory_space<vmem>>, vector<1x16xf32>,
        %get3A_600 = vector.shape_cast %get3A_599 : vector<1x16xf32> to vector<16xf32>
        %add3A_601 = arith.addf %get3A_596, %get3A_600 : vector<16xf32>
        %swap3A_602 = arith.index_cast %add3A_438 : i32 to index
        %swap3A_603 = arith.constant 176 : index
        %swap3A_604 = tpu.vector_load %arg14[%swap3A_602, %swap3A_603] {strides = array<i32>} : memref<32x256xf32, #tpu.memory_space<vmem>>, vector<1x16xf32>,
        %swap3A_605 = vector.shape_cast %swap3A_604 : vector<1x16xf32> to vector<16xf32>
        %swap3A_606 = vector.shape_cast %add3A_601 : vector<16xf32> to vector<1x16xf32>
        tpu.vector_store %arg14[%swap3A_602, %swap3A_603], %swap3A_606 {strides = array<i32>} : memref<32x256xf32, #tpu.memory_space<vmem>>, vector<1x16xf32>,
        %get3A_607 = arith.index_cast %add3A_438 : i32 to index
        %get3A_608 = arith.constant 192 : index
        %get3A_609 = tpu.vector_load %arg14[%get3A_607, %get3A_608] {strides = array<i32>} : memref<32x256xf32, #tpu.memory_space<vmem>>, vector<1x16xf32>,
        %get3A_610 = vector.shape_cast %get3A_609 : vector<1x16xf32> to vector<16xf32>
        %get3A_611 = arith.index_cast %add3A_438 : i32 to index
        %get3A_612 = arith.constant 192 : index
        %get3A_613 = tpu.vector_load %arg10[%get3A_611, %get3A_612] {strides = array<i32>} : memref<32x256xf32, #tpu.memory_space<vmem>>, vector<1x16xf32>,
        %get3A_614 = vector.shape_cast %get3A_613 : vector<1x16xf32> to vector<16xf32>
        %add3A_615 = arith.addf %get3A_610, %get3A_614 : vector<16xf32>
        %swap3A_616 = arith.index_cast %add3A_438 : i32 to index
        %swap3A_617 = arith.constant 192 : index
        %swap3A_618 = tpu.vector_load %arg14[%swap3A_616, %swap3A_617] {strides = array<i32>} : memref<32x256xf32, #tpu.memory_space<vmem>>, vector<1x16xf32>,
        %swap3A_619 = vector.shape_cast %swap3A_618 : vector<1x16xf32> to vector<16xf32>
        %swap3A_620 = vector.shape_cast %add3A_615 : vector<16xf32> to vector<1x16xf32>
        tpu.vector_store %arg14[%swap3A_616, %swap3A_617], %swap3A_620 {strides = array<i32>} : memref<32x256xf32, #tpu.memory_space<vmem>>, vector<1x16xf32>,
        %get3A_621 = arith.index_cast %add3A_438 : i32 to index
        %get3A_622 = arith.constant 208 : index
        %get3A_623 = tpu.vector_load %arg14[%get3A_621, %get3A_622] {strides = array<i32>} : memref<32x256xf32, #tpu.memory_space<vmem>>, vector<1x16xf32>,
        %get3A_624 = vector.shape_cast %get3A_623 : vector<1x16xf32> to vector<16xf32>
        %get3A_625 = arith.index_cast %add3A_438 : i32 to index
        %get3A_626 = arith.constant 208 : index
        %get3A_627 = tpu.vector_load %arg10[%get3A_625, %get3A_626] {strides = array<i32>} : memref<32x256xf32, #tpu.memory_space<vmem>>, vector<1x16xf32>,
        %get3A_628 = vector.shape_cast %get3A_627 : vector<1x16xf32> to vector<16xf32>
        %add3A_629 = arith.addf %get3A_624, %get3A_628 : vector<16xf32>
        %swap3A_630 = arith.index_cast %add3A_438 : i32 to index
        %swap3A_631 = arith.constant 208 : index
        %swap3A_632 = tpu.vector_load %arg14[%swap3A_630, %swap3A_631] {strides = array<i32>} : memref<32x256xf32, #tpu.memory_space<vmem>>, vector<1x16xf32>,
        %swap3A_633 = vector.shape_cast %swap3A_632 : vector<1x16xf32> to vector<16xf32>
        %swap3A_634 = vector.shape_cast %add3A_629 : vector<16xf32> to vector<1x16xf32>
        tpu.vector_store %arg14[%swap3A_630, %swap3A_631], %swap3A_634 {strides = array<i32>} : memref<32x256xf32, #tpu.memory_space<vmem>>, vector<1x16xf32>,
        %get3A_635 = arith.index_cast %add3A_438 : i32 to index
        %get3A_636 = arith.constant 224 : index
        %get3A_637 = tpu.vector_load %arg14[%get3A_635, %get3A_636] {strides = array<i32>} : memref<32x256xf32, #tpu.memory_space<vmem>>, vector<1x16xf32>,
        %get3A_638 = vector.shape_cast %get3A_637 : vector<1x16xf32> to vector<16xf32>
        %get3A_639 = arith.index_cast %add3A_438 : i32 to index
        %get3A_640 = arith.constant 224 : index
        %get3A_641 = tpu.vector_load %arg10[%get3A_639, %get3A_640] {strides = array<i32>} : memref<32x256xf32, #tpu.memory_space<vmem>>, vector<1x16xf32>,
        %get3A_642 = vector.shape_cast %get3A_641 : vector<1x16xf32> to vector<16xf32>
        %add3A_643 = arith.addf %get3A_638, %get3A_642 : vector<16xf32>
        %swap3A_644 = arith.index_cast %add3A_438 : i32 to index
        %swap3A_645 = arith.constant 224 : index
        %swap3A_646 = tpu.vector_load %arg14[%swap3A_644, %swap3A_645] {strides = array<i32>} : memref<32x256xf32, #tpu.memory_space<vmem>>, vector<1x16xf32>,
        %swap3A_647 = vector.shape_cast %swap3A_646 : vector<1x16xf32> to vector<16xf32>
        %swap3A_648 = vector.shape_cast %add3A_643 : vector<16xf32> to vector<1x16xf32>
        tpu.vector_store %arg14[%swap3A_644, %swap3A_645], %swap3A_648 {strides = array<i32>} : memref<32x256xf32, #tpu.memory_space<vmem>>, vector<1x16xf32>,
        %get3A_649 = arith.index_cast %add3A_438 : i32 to index
        %get3A_650 = arith.constant 240 : index
        %get3A_651 = tpu.vector_load %arg14[%get3A_649, %get3A_650] {strides = array<i32>} : memref<32x256xf32, #tpu.memory_space<vmem>>, vector<1x16xf32>,
        %get3A_652 = vector.shape_cast %get3A_651 : vector<1x16xf32> to vector<16xf32>
        %get3A_653 = arith.index_cast %add3A_438 : i32 to index
        %get3A_654 = arith.constant 240 : index
        %get3A_655 = tpu.vector_load %arg10[%get3A_653, %get3A_654] {strides = array<i32>} : memref<32x256xf32, #tpu.memory_space<vmem>>, vector<1x16xf32>,
        %get3A_656 = vector.shape_cast %get3A_655 : vector<1x16xf32> to vector<16xf32>
        %add3A_657 = arith.addf %get3A_652, %get3A_656 : vector<16xf32>
        %swap3A_658 = arith.index_cast %add3A_438 : i32 to index
        %swap3A_659 = arith.constant 240 : index
        %swap3A_660 = tpu.vector_load %arg14[%swap3A_658, %swap3A_659] {strides = array<i32>} : memref<32x256xf32, #tpu.memory_space<vmem>>, vector<1x16xf32>,
        %swap3A_661 = vector.shape_cast %swap3A_660 : vector<1x16xf32> to vector<16xf32>
        %swap3A_662 = vector.shape_cast %add3A_657 : vector<16xf32> to vector<1x16xf32>
        tpu.vector_store %arg14[%swap3A_658, %swap3A_659], %swap3A_662 {strides = array<i32>} : memref<32x256xf32, #tpu.memory_space<vmem>>, vector<1x16xf32>,
      }
      %scan3A_92 = arith.constant 16 : i32
      %mul3A_93 = arith.constant 32 : i32
      %mul3A_94 = arith.muli %add3A_71, %mul3A_93 : i32
      %add3A_95 = arith.addi %mul3A_2, %mul3A_94 : i32
      %dma_start3A_96 = arith.constant 0 : i32
      %dma_start3A_97 = tpu.memref_slice %arg6[%add3A_95, %dma_start3A_96] : memref<65536x256xf32, #tpu.memory_space<hbm>> -> memref<32x256xf32, #tpu.memory_space<hbm>>
      %dma_start3A_98 = arith.constant 0 : i32
      %dma_start3A_99 = tpu.memref_slice %arg6[%add3A_95, %dma_start3A_98] : memref<65536x256xf32, #tpu.memory_space<hbm>> -> memref<32x256xf32, #tpu.memory_space<hbm>>
      tpu.enqueue_dma source(%arg14 : memref<32x256xf32, #tpu.memory_space<vmem>>) target(%dma_start3A_99 : memref<32x256xf32, #tpu.memory_space<hbm>>) target_semaphore(%arg26 : memref<!tpu.dma_semaphore, #tpu.memory_space<semaphore_mem>>)
      %mul3A_100 = arith.constant 4 : i32
      %mul3A_101 = arith.muli %scan3A_67, %mul3A_100 : i32
      %add3A_102 = arith.constant 1 : i32
      %add3A_103 = arith.addi %mul3A_101, %add3A_102 : i32
      %add3A_104 = arith.constant 4 : i32
      %add3A_105 = arith.addi %add3A_103, %add3A_104 : i32
      %sub3A_106 = arith.constant 1 : i32
      %sub3A_107 = arith.subi %add3A_105, %sub3A_106 : i32
      %lt3A_108 = arith.constant 64 : i32
      %lt3A_109 = arith.cmpi slt, %sub3A_107, %lt3A_108 : i32
      %convert_element_type3A_110 = arith.extui %lt3A_109 : i1 to i32
      %cond3A_111 = arith.constant 0 : i32
      %cond3A_112 = arith.cmpi ne, %convert_element_type3A_110, %cond3A_111 : i32
      scf.if %cond3A_112 {
        %ge3A = arith.constant 1 : i32
        %ge3A_208 = arith.cmpi sge, %add3A_103, %ge3A : i32
        %convert_element_type3A_209 = arith.extui %ge3A_208 : i1 to i32
        %cond3A_210 = arith.constant 0 : i32
        %cond3A_211 = arith.cmpi ne, %convert_element_type3A_209, %cond3A_210 : i32
        scf.if %cond3A_211 {
          %dma_wait3A_229 = arith.constant 0 : i32
          %dma_wait3A_230 = tpu.memref_slice %arg6[%mul3A_2, %dma_wait3A_229] : memref<65536x256xf32, #tpu.memory_space<hbm>> -> memref<32x256xf32, #tpu.memory_space<hbm>>
          %dma_wait3A_231 = arith.constant 0 : i32
          %dma_wait3A_232 = tpu.memref_slice %arg6[%mul3A_2, %dma_wait3A_231] : memref<65536x256xf32, #tpu.memory_space<hbm>> -> memref<32x256xf32, #tpu.memory_space<hbm>>
          tpu.wait_dma2 semaphore(%arg26 : memref<!tpu.dma_semaphore, #tpu.memory_space<semaphore_mem>>) src(%arg14 : memref<32x256xf32, #tpu.memory_space<vmem>>) dst(%dma_wait3A_232 : memref<32x256xf32, #tpu.memory_space<hbm>>)
        } else {
        }
        %add3A_212 = arith.constant 4 : i32
        %add3A_213 = arith.addi %add3A_103, %add3A_212 : i32
        %sub3A_214 = arith.constant 1 : i32
        %sub3A_215 = arith.subi %add3A_213, %sub3A_214 : i32
        %mul3A_216 = arith.constant 32 : i32
        %mul3A_217 = arith.muli %sub3A_215, %mul3A_216 : i32
        %add3A_218 = arith.addi %mul3A_2, %mul3A_217 : i32
        %dma_start3A_219 = arith.constant 0 : i32
        %dma_start3A_220 = tpu.memref_slice %arg2[%add3A_218, %dma_start3A_219] : memref<65536x256xf32, #tpu.memory_space<hbm>> -> memref<32x256xf32, #tpu.memory_space<hbm>>
        %dma_start3A_221 = arith.constant 0 : i32
        %dma_start3A_222 = tpu.memref_slice %arg2[%add3A_218, %dma_start3A_221] : memref<65536x256xf32, #tpu.memory_space<hbm>> -> memref<32x256xf32, #tpu.memory_space<hbm>>
        tpu.enqueue_dma source(%dma_start3A_222 : memref<32x256xf32, #tpu.memory_space<hbm>>) target(%arg10 : memref<32x256xf32, #tpu.memory_space<vmem>>) target_semaphore(%arg18 : memref<!tpu.dma_semaphore, #tpu.memory_space<semaphore_mem>>)
        %dma_start3A_223 = arith.constant 0 : i32
        %dma_start3A_224 = tpu.memref_slice %arg9[%sub3A_215, %dma_start3A_223] : memref<64x32xi32, #tpu.memory_space<vmem>> -> memref<1x32xi32, #tpu.memory_space<vmem>>
        %dma_start3A_225 = tpu.memref_squeeze %dma_start3A_224 : memref<1x32xi32, #tpu.memory_space<vmem>> -> memref<32xi32, #tpu.memory_space<vmem>>
        %dma_start3A_226 = arith.constant 0 : i32
        %dma_start3A_227 = arith.constant 0 : i32
        %dma_start3A_228 = tpu.memref_slice %arg5[%dma_start3A_226, %dma_start3A_227] : memref<10000x256xf32, #tpu.memory_space<hbm>> -> memref<10000x256xf32, #tpu.memory_space<hbm>>
        tpu.enqueue_indirect_dma source(%dma_start3A_228 : memref<10000x256xf32, #tpu.memory_space<hbm>>) target(%arg14 : memref<32x256xf32, #tpu.memory_space<vmem>>) offsets(%dma_start3A_225 : memref<32xi32, #tpu.memory_space<vmem>>) semaphore(%arg22 : memref<!tpu.dma_semaphore, #tpu.memory_space<semaphore_mem>>)
      } else {
      }
      %dma_wait3A_113 = arith.constant 0 : i32
      %dma_wait3A_114 = tpu.memref_slice %arg2[%mul3A_2, %dma_wait3A_113] : memref<65536x256xf32, #tpu.memory_space<hbm>> -> memref<32x256xf32, #tpu.memory_space<hbm>>
      %dma_wait3A_115 = arith.constant 0 : i32
      %dma_wait3A_116 = tpu.memref_slice %arg2[%mul3A_2, %dma_wait3A_115] : memref<65536x256xf32, #tpu.memory_space<hbm>> -> memref<32x256xf32, #tpu.memory_space<hbm>>
      tpu.wait_dma2 semaphore(%arg19 : memref<!tpu.dma_semaphore, #tpu.memory_space<semaphore_mem>>) src(%dma_wait3A_116 : memref<32x256xf32, #tpu.memory_space<hbm>>) dst(%arg11 : memref<32x256xf32, #tpu.memory_space<vmem>>)
      %dma_wait3A_117 = arith.constant 0 : i32
      %dma_wait3A_118 = tpu.memref_slice %arg9[%add3A_103, %dma_wait3A_117] : memref<64x32xi32, #tpu.memory_space<vmem>> -> memref<1x32xi32, #tpu.memory_space<vmem>>
      %dma_wait3A_119 = tpu.memref_squeeze %dma_wait3A_118 : memref<1x32xi32, #tpu.memory_space<vmem>> -> memref<32xi32, #tpu.memory_space<vmem>>
      %dma_wait3A_120 = arith.constant 0 : i32
      %dma_wait3A_121 = arith.constant 0 : i32
      %dma_wait3A_122 = tpu.memref_slice %arg5[%dma_wait3A_120, %dma_wait3A_121] : memref<10000x256xf32, #tpu.memory_space<hbm>> -> memref<10000x256xf32, #tpu.memory_space<hbm>>
      tpu.wait_indirect_dma semaphore(%arg23 : memref<!tpu.dma_semaphore, #tpu.memory_space<semaphore_mem>>) src(%dma_wait3A_122 : memref<10000x256xf32, #tpu.memory_space<hbm>>) dst(%arg15 : memref<32x256xf32, #tpu.memory_space<vmem>>)
      %scan3A_123 = arith.constant 0 : i32
      %scan3A_124 = arith.constant 0 : i32
      %scan3A_125 = arith.constant 16 : i32
      %scan3A_126 = arith.addi %scan3A_124, %scan3A_125 : i32
      %scan3A_127 = arith.constant 1 : i32
      scf.for %scan3A_208 = %scan3A_124 to %scan3A_126 step %scan3A_127  : i32 {
        %mul3A_209 = arith.constant 2 : i32
        %mul3A_210 = arith.muli %scan3A_208, %mul3A_209 : i32
        %add3A_211 = arith.constant 0 : i32
        %add3A_212 = arith.addi %mul3A_210, %add3A_211 : i32
        %get3A = arith.index_cast %add3A_212 : i32 to index
        %get3A_213 = arith.constant 0 : index
        %get3A_214 = tpu.vector_load %arg15[%get3A, %get3A_213] {strides = array<i32>} : memref<32x256xf32, #tpu.memory_space<vmem>>, vector<1x16xf32>,
        %get3A_215 = vector.shape_cast %get3A_214 : vector<1x16xf32> to vector<16xf32>
        %get3A_216 = arith.index_cast %add3A_212 : i32 to index
        %get3A_217 = arith.constant 0 : index
        %get3A_218 = tpu.vector_load %arg11[%get3A_216, %get3A_217] {strides = array<i32>} : memref<32x256xf32, #tpu.memory_space<vmem>>, vector<1x16xf32>,
        %get3A_219 = vector.shape_cast %get3A_218 : vector<1x16xf32> to vector<16xf32>
        %add3A_220 = arith.addf %get3A_215, %get3A_219 : vector<16xf32>
        %swap3A = arith.index_cast %add3A_212 : i32 to index
        %swap3A_221 = arith.constant 0 : index
        %swap3A_222 = tpu.vector_load %arg15[%swap3A, %swap3A_221] {strides = array<i32>} : memref<32x256xf32, #tpu.memory_space<vmem>>, vector<1x16xf32>,
        %swap3A_223 = vector.shape_cast %swap3A_222 : vector<1x16xf32> to vector<16xf32>
        %swap3A_224 = vector.shape_cast %add3A_220 : vector<16xf32> to vector<1x16xf32>
        tpu.vector_store %arg15[%swap3A, %swap3A_221], %swap3A_224 {strides = array<i32>} : memref<32x256xf32, #tpu.memory_space<vmem>>, vector<1x16xf32>,
        %get3A_225 = arith.index_cast %add3A_212 : i32 to index
        %get3A_226 = arith.constant 16 : index
        %get3A_227 = tpu.vector_load %arg15[%get3A_225, %get3A_226] {strides = array<i32>} : memref<32x256xf32, #tpu.memory_space<vmem>>, vector<1x16xf32>,
        %get3A_228 = vector.shape_cast %get3A_227 : vector<1x16xf32> to vector<16xf32>
        %get3A_229 = arith.index_cast %add3A_212 : i32 to index
        %get3A_230 = arith.constant 16 : index
        %get3A_231 = tpu.vector_load %arg11[%get3A_229, %get3A_230] {strides = array<i32>} : memref<32x256xf32, #tpu.memory_space<vmem>>, vector<1x16xf32>,
        %get3A_232 = vector.shape_cast %get3A_231 : vector<1x16xf32> to vector<16xf32>
        %add3A_233 = arith.addf %get3A_228, %get3A_232 : vector<16xf32>
        %swap3A_234 = arith.index_cast %add3A_212 : i32 to index
        %swap3A_235 = arith.constant 16 : index
        %swap3A_236 = tpu.vector_load %arg15[%swap3A_234, %swap3A_235] {strides = array<i32>} : memref<32x256xf32, #tpu.memory_space<vmem>>, vector<1x16xf32>,
        %swap3A_237 = vector.shape_cast %swap3A_236 : vector<1x16xf32> to vector<16xf32>
        %swap3A_238 = vector.shape_cast %add3A_233 : vector<16xf32> to vector<1x16xf32>
        tpu.vector_store %arg15[%swap3A_234, %swap3A_235], %swap3A_238 {strides = array<i32>} : memref<32x256xf32, #tpu.memory_space<vmem>>, vector<1x16xf32>,
        %get3A_239 = arith.index_cast %add3A_212 : i32 to index
        %get3A_240 = arith.constant 32 : index
        %get3A_241 = tpu.vector_load %arg15[%get3A_239, %get3A_240] {strides = array<i32>} : memref<32x256xf32, #tpu.memory_space<vmem>>, vector<1x16xf32>,
        %get3A_242 = vector.shape_cast %get3A_241 : vector<1x16xf32> to vector<16xf32>
        %get3A_243 = arith.index_cast %add3A_212 : i32 to index
        %get3A_244 = arith.constant 32 : index
        %get3A_245 = tpu.vector_load %arg11[%get3A_243, %get3A_244] {strides = array<i32>} : memref<32x256xf32, #tpu.memory_space<vmem>>, vector<1x16xf32>,
        %get3A_246 = vector.shape_cast %get3A_245 : vector<1x16xf32> to vector<16xf32>
        %add3A_247 = arith.addf %get3A_242, %get3A_246 : vector<16xf32>
        %swap3A_248 = arith.index_cast %add3A_212 : i32 to index
        %swap3A_249 = arith.constant 32 : index
        %swap3A_250 = tpu.vector_load %arg15[%swap3A_248, %swap3A_249] {strides = array<i32>} : memref<32x256xf32, #tpu.memory_space<vmem>>, vector<1x16xf32>,
        %swap3A_251 = vector.shape_cast %swap3A_250 : vector<1x16xf32> to vector<16xf32>
        %swap3A_252 = vector.shape_cast %add3A_247 : vector<16xf32> to vector<1x16xf32>
        tpu.vector_store %arg15[%swap3A_248, %swap3A_249], %swap3A_252 {strides = array<i32>} : memref<32x256xf32, #tpu.memory_space<vmem>>, vector<1x16xf32>,
        %get3A_253 = arith.index_cast %add3A_212 : i32 to index
        %get3A_254 = arith.constant 48 : index
        %get3A_255 = tpu.vector_load %arg15[%get3A_253, %get3A_254] {strides = array<i32>} : memref<32x256xf32, #tpu.memory_space<vmem>>, vector<1x16xf32>,
        %get3A_256 = vector.shape_cast %get3A_255 : vector<1x16xf32> to vector<16xf32>
        %get3A_257 = arith.index_cast %add3A_212 : i32 to index
        %get3A_258 = arith.constant 48 : index
        %get3A_259 = tpu.vector_load %arg11[%get3A_257, %get3A_258] {strides = array<i32>} : memref<32x256xf32, #tpu.memory_space<vmem>>, vector<1x16xf32>,
        %get3A_260 = vector.shape_cast %get3A_259 : vector<1x16xf32> to vector<16xf32>
        %add3A_261 = arith.addf %get3A_256, %get3A_260 : vector<16xf32>
        %swap3A_262 = arith.index_cast %add3A_212 : i32 to index
        %swap3A_263 = arith.constant 48 : index
        %swap3A_264 = tpu.vector_load %arg15[%swap3A_262, %swap3A_263] {strides = array<i32>} : memref<32x256xf32, #tpu.memory_space<vmem>>, vector<1x16xf32>,
        %swap3A_265 = vector.shape_cast %swap3A_264 : vector<1x16xf32> to vector<16xf32>
        %swap3A_266 = vector.shape_cast %add3A_261 : vector<16xf32> to vector<1x16xf32>
        tpu.vector_store %arg15[%swap3A_262, %swap3A_263], %swap3A_266 {strides = array<i32>} : memref<32x256xf32, #tpu.memory_space<vmem>>, vector<1x16xf32>,
        %get3A_267 = arith.index_cast %add3A_212 : i32 to index
        %get3A_268 = arith.constant 64 : index
        %get3A_269 = tpu.vector_load %arg15[%get3A_267, %get3A_268] {strides = array<i32>} : memref<32x256xf32, #tpu.memory_space<vmem>>, vector<1x16xf32>,
        %get3A_270 = vector.shape_cast %get3A_269 : vector<1x16xf32> to vector<16xf32>
        %get3A_271 = arith.index_cast %add3A_212 : i32 to index
        %get3A_272 = arith.constant 64 : index
        %get3A_273 = tpu.vector_load %arg11[%get3A_271, %get3A_272] {strides = array<i32>} : memref<32x256xf32, #tpu.memory_space<vmem>>, vector<1x16xf32>,
        %get3A_274 = vector.shape_cast %get3A_273 : vector<1x16xf32> to vector<16xf32>
        %add3A_275 = arith.addf %get3A_270, %get3A_274 : vector<16xf32>
        %swap3A_276 = arith.index_cast %add3A_212 : i32 to index
        %swap3A_277 = arith.constant 64 : index
        %swap3A_278 = tpu.vector_load %arg15[%swap3A_276, %swap3A_277] {strides = array<i32>} : memref<32x256xf32, #tpu.memory_space<vmem>>, vector<1x16xf32>,
        %swap3A_279 = vector.shape_cast %swap3A_278 : vector<1x16xf32> to vector<16xf32>
        %swap3A_280 = vector.shape_cast %add3A_275 : vector<16xf32> to vector<1x16xf32>
        tpu.vector_store %arg15[%swap3A_276, %swap3A_277], %swap3A_280 {strides = array<i32>} : memref<32x256xf32, #tpu.memory_space<vmem>>, vector<1x16xf32>,
        %get3A_281 = arith.index_cast %add3A_212 : i32 to index
        %get3A_282 = arith.constant 80 : index
        %get3A_283 = tpu.vector_load %arg15[%get3A_281, %get3A_282] {strides = array<i32>} : memref<32x256xf32, #tpu.memory_space<vmem>>, vector<1x16xf32>,
        %get3A_284 = vector.shape_cast %get3A_283 : vector<1x16xf32> to vector<16xf32>
        %get3A_285 = arith.index_cast %add3A_212 : i32 to index
        %get3A_286 = arith.constant 80 : index
        %get3A_287 = tpu.vector_load %arg11[%get3A_285, %get3A_286] {strides = array<i32>} : memref<32x256xf32, #tpu.memory_space<vmem>>, vector<1x16xf32>,
        %get3A_288 = vector.shape_cast %get3A_287 : vector<1x16xf32> to vector<16xf32>
        %add3A_289 = arith.addf %get3A_284, %get3A_288 : vector<16xf32>
        %swap3A_290 = arith.index_cast %add3A_212 : i32 to index
        %swap3A_291 = arith.constant 80 : index
        %swap3A_292 = tpu.vector_load %arg15[%swap3A_290, %swap3A_291] {strides = array<i32>} : memref<32x256xf32, #tpu.memory_space<vmem>>, vector<1x16xf32>,
        %swap3A_293 = vector.shape_cast %swap3A_292 : vector<1x16xf32> to vector<16xf32>
        %swap3A_294 = vector.shape_cast %add3A_289 : vector<16xf32> to vector<1x16xf32>
        tpu.vector_store %arg15[%swap3A_290, %swap3A_291], %swap3A_294 {strides = array<i32>} : memref<32x256xf32, #tpu.memory_space<vmem>>, vector<1x16xf32>,
        %get3A_295 = arith.index_cast %add3A_212 : i32 to index
        %get3A_296 = arith.constant 96 : index
        %get3A_297 = tpu.vector_load %arg15[%get3A_295, %get3A_296] {strides = array<i32>} : memref<32x256xf32, #tpu.memory_space<vmem>>, vector<1x16xf32>,
        %get3A_298 = vector.shape_cast %get3A_297 : vector<1x16xf32> to vector<16xf32>
        %get3A_299 = arith.index_cast %add3A_212 : i32 to index
        %get3A_300 = arith.constant 96 : index
        %get3A_301 = tpu.vector_load %arg11[%get3A_299, %get3A_300] {strides = array<i32>} : memref<32x256xf32, #tpu.memory_space<vmem>>, vector<1x16xf32>,
        %get3A_302 = vector.shape_cast %get3A_301 : vector<1x16xf32> to vector<16xf32>
        %add3A_303 = arith.addf %get3A_298, %get3A_302 : vector<16xf32>
        %swap3A_304 = arith.index_cast %add3A_212 : i32 to index
        %swap3A_305 = arith.constant 96 : index
        %swap3A_306 = tpu.vector_load %arg15[%swap3A_304, %swap3A_305] {strides = array<i32>} : memref<32x256xf32, #tpu.memory_space<vmem>>, vector<1x16xf32>,
        %swap3A_307 = vector.shape_cast %swap3A_306 : vector<1x16xf32> to vector<16xf32>
        %swap3A_308 = vector.shape_cast %add3A_303 : vector<16xf32> to vector<1x16xf32>
        tpu.vector_store %arg15[%swap3A_304, %swap3A_305], %swap3A_308 {strides = array<i32>} : memref<32x256xf32, #tpu.memory_space<vmem>>, vector<1x16xf32>,
        %get3A_309 = arith.index_cast %add3A_212 : i32 to index
        %get3A_310 = arith.constant 112 : index
        %get3A_311 = tpu.vector_load %arg15[%get3A_309, %get3A_310] {strides = array<i32>} : memref<32x256xf32, #tpu.memory_space<vmem>>, vector<1x16xf32>,
        %get3A_312 = vector.shape_cast %get3A_311 : vector<1x16xf32> to vector<16xf32>
        %get3A_313 = arith.index_cast %add3A_212 : i32 to index
        %get3A_314 = arith.constant 112 : index
        %get3A_315 = tpu.vector_load %arg11[%get3A_313, %get3A_314] {strides = array<i32>} : memref<32x256xf32, #tpu.memory_space<vmem>>, vector<1x16xf32>,
        %get3A_316 = vector.shape_cast %get3A_315 : vector<1x16xf32> to vector<16xf32>
        %add3A_317 = arith.addf %get3A_312, %get3A_316 : vector<16xf32>
        %swap3A_318 = arith.index_cast %add3A_212 : i32 to index
        %swap3A_319 = arith.constant 112 : index
        %swap3A_320 = tpu.vector_load %arg15[%swap3A_318, %swap3A_319] {strides = array<i32>} : memref<32x256xf32, #tpu.memory_space<vmem>>, vector<1x16xf32>,
        %swap3A_321 = vector.shape_cast %swap3A_320 : vector<1x16xf32> to vector<16xf32>
        %swap3A_322 = vector.shape_cast %add3A_317 : vector<16xf32> to vector<1x16xf32>
        tpu.vector_store %arg15[%swap3A_318, %swap3A_319], %swap3A_322 {strides = array<i32>} : memref<32x256xf32, #tpu.memory_space<vmem>>, vector<1x16xf32>,
        %get3A_323 = arith.index_cast %add3A_212 : i32 to index
        %get3A_324 = arith.constant 128 : index
        %get3A_325 = tpu.vector_load %arg15[%get3A_323, %get3A_324] {strides = array<i32>} : memref<32x256xf32, #tpu.memory_space<vmem>>, vector<1x16xf32>,
        %get3A_326 = vector.shape_cast %get3A_325 : vector<1x16xf32> to vector<16xf32>
        %get3A_327 = arith.index_cast %add3A_212 : i32 to index
        %get3A_328 = arith.constant 128 : index
        %get3A_329 = tpu.vector_load %arg11[%get3A_327, %get3A_328] {strides = array<i32>} : memref<32x256xf32, #tpu.memory_space<vmem>>, vector<1x16xf32>,
        %get3A_330 = vector.shape_cast %get3A_329 : vector<1x16xf32> to vector<16xf32>
        %add3A_331 = arith.addf %get3A_326, %get3A_330 : vector<16xf32>
        %swap3A_332 = arith.index_cast %add3A_212 : i32 to index
        %swap3A_333 = arith.constant 128 : index
        %swap3A_334 = tpu.vector_load %arg15[%swap3A_332, %swap3A_333] {strides = array<i32>} : memref<32x256xf32, #tpu.memory_space<vmem>>, vector<1x16xf32>,
        %swap3A_335 = vector.shape_cast %swap3A_334 : vector<1x16xf32> to vector<16xf32>
        %swap3A_336 = vector.shape_cast %add3A_331 : vector<16xf32> to vector<1x16xf32>
        tpu.vector_store %arg15[%swap3A_332, %swap3A_333], %swap3A_336 {strides = array<i32>} : memref<32x256xf32, #tpu.memory_space<vmem>>, vector<1x16xf32>,
        %get3A_337 = arith.index_cast %add3A_212 : i32 to index
        %get3A_338 = arith.constant 144 : index
        %get3A_339 = tpu.vector_load %arg15[%get3A_337, %get3A_338] {strides = array<i32>} : memref<32x256xf32, #tpu.memory_space<vmem>>, vector<1x16xf32>,
        %get3A_340 = vector.shape_cast %get3A_339 : vector<1x16xf32> to vector<16xf32>
        %get3A_341 = arith.index_cast %add3A_212 : i32 to index
        %get3A_342 = arith.constant 144 : index
        %get3A_343 = tpu.vector_load %arg11[%get3A_341, %get3A_342] {strides = array<i32>} : memref<32x256xf32, #tpu.memory_space<vmem>>, vector<1x16xf32>,
        %get3A_344 = vector.shape_cast %get3A_343 : vector<1x16xf32> to vector<16xf32>
        %add3A_345 = arith.addf %get3A_340, %get3A_344 : vector<16xf32>
        %swap3A_346 = arith.index_cast %add3A_212 : i32 to index
        %swap3A_347 = arith.constant 144 : index
        %swap3A_348 = tpu.vector_load %arg15[%swap3A_346, %swap3A_347] {strides = array<i32>} : memref<32x256xf32, #tpu.memory_space<vmem>>, vector<1x16xf32>,
        %swap3A_349 = vector.shape_cast %swap3A_348 : vector<1x16xf32> to vector<16xf32>
        %swap3A_350 = vector.shape_cast %add3A_345 : vector<16xf32> to vector<1x16xf32>
        tpu.vector_store %arg15[%swap3A_346, %swap3A_347], %swap3A_350 {strides = array<i32>} : memref<32x256xf32, #tpu.memory_space<vmem>>, vector<1x16xf32>,
        %get3A_351 = arith.index_cast %add3A_212 : i32 to index
        %get3A_352 = arith.constant 160 : index
        %get3A_353 = tpu.vector_load %arg15[%get3A_351, %get3A_352] {strides = array<i32>} : memref<32x256xf32, #tpu.memory_space<vmem>>, vector<1x16xf32>,
        %get3A_354 = vector.shape_cast %get3A_353 : vector<1x16xf32> to vector<16xf32>
        %get3A_355 = arith.index_cast %add3A_212 : i32 to index
        %get3A_356 = arith.constant 160 : index
        %get3A_357 = tpu.vector_load %arg11[%get3A_355, %get3A_356] {strides = array<i32>} : memref<32x256xf32, #tpu.memory_space<vmem>>, vector<1x16xf32>,
        %get3A_358 = vector.shape_cast %get3A_357 : vector<1x16xf32> to vector<16xf32>
        %add3A_359 = arith.addf %get3A_354, %get3A_358 : vector<16xf32>
        %swap3A_360 = arith.index_cast %add3A_212 : i32 to index
        %swap3A_361 = arith.constant 160 : index
        %swap3A_362 = tpu.vector_load %arg15[%swap3A_360, %swap3A_361] {strides = array<i32>} : memref<32x256xf32, #tpu.memory_space<vmem>>, vector<1x16xf32>,
        %swap3A_363 = vector.shape_cast %swap3A_362 : vector<1x16xf32> to vector<16xf32>
        %swap3A_364 = vector.shape_cast %add3A_359 : vector<16xf32> to vector<1x16xf32>
        tpu.vector_store %arg15[%swap3A_360, %swap3A_361], %swap3A_364 {strides = array<i32>} : memref<32x256xf32, #tpu.memory_space<vmem>>, vector<1x16xf32>,
        %get3A_365 = arith.index_cast %add3A_212 : i32 to index
        %get3A_366 = arith.constant 176 : index
        %get3A_367 = tpu.vector_load %arg15[%get3A_365, %get3A_366] {strides = array<i32>} : memref<32x256xf32, #tpu.memory_space<vmem>>, vector<1x16xf32>,
        %get3A_368 = vector.shape_cast %get3A_367 : vector<1x16xf32> to vector<16xf32>
        %get3A_369 = arith.index_cast %add3A_212 : i32 to index
        %get3A_370 = arith.constant 176 : index
        %get3A_371 = tpu.vector_load %arg11[%get3A_369, %get3A_370] {strides = array<i32>} : memref<32x256xf32, #tpu.memory_space<vmem>>, vector<1x16xf32>,
        %get3A_372 = vector.shape_cast %get3A_371 : vector<1x16xf32> to vector<16xf32>
        %add3A_373 = arith.addf %get3A_368, %get3A_372 : vector<16xf32>
        %swap3A_374 = arith.index_cast %add3A_212 : i32 to index
        %swap3A_375 = arith.constant 176 : index
        %swap3A_376 = tpu.vector_load %arg15[%swap3A_374, %swap3A_375] {strides = array<i32>} : memref<32x256xf32, #tpu.memory_space<vmem>>, vector<1x16xf32>,
        %swap3A_377 = vector.shape_cast %swap3A_376 : vector<1x16xf32> to vector<16xf32>
        %swap3A_378 = vector.shape_cast %add3A_373 : vector<16xf32> to vector<1x16xf32>
        tpu.vector_store %arg15[%swap3A_374, %swap3A_375], %swap3A_378 {strides = array<i32>} : memref<32x256xf32, #tpu.memory_space<vmem>>, vector<1x16xf32>,
        %get3A_379 = arith.index_cast %add3A_212 : i32 to index
        %get3A_380 = arith.constant 192 : index
        %get3A_381 = tpu.vector_load %arg15[%get3A_379, %get3A_380] {strides = array<i32>} : memref<32x256xf32, #tpu.memory_space<vmem>>, vector<1x16xf32>,
        %get3A_382 = vector.shape_cast %get3A_381 : vector<1x16xf32> to vector<16xf32>
        %get3A_383 = arith.index_cast %add3A_212 : i32 to index
        %get3A_384 = arith.constant 192 : index
        %get3A_385 = tpu.vector_load %arg11[%get3A_383, %get3A_384] {strides = array<i32>} : memref<32x256xf32, #tpu.memory_space<vmem>>, vector<1x16xf32>,
        %get3A_386 = vector.shape_cast %get3A_385 : vector<1x16xf32> to vector<16xf32>
        %add3A_387 = arith.addf %get3A_382, %get3A_386 : vector<16xf32>
        %swap3A_388 = arith.index_cast %add3A_212 : i32 to index
        %swap3A_389 = arith.constant 192 : index
        %swap3A_390 = tpu.vector_load %arg15[%swap3A_388, %swap3A_389] {strides = array<i32>} : memref<32x256xf32, #tpu.memory_space<vmem>>, vector<1x16xf32>,
        %swap3A_391 = vector.shape_cast %swap3A_390 : vector<1x16xf32> to vector<16xf32>
        %swap3A_392 = vector.shape_cast %add3A_387 : vector<16xf32> to vector<1x16xf32>
        tpu.vector_store %arg15[%swap3A_388, %swap3A_389], %swap3A_392 {strides = array<i32>} : memref<32x256xf32, #tpu.memory_space<vmem>>, vector<1x16xf32>,
        %get3A_393 = arith.index_cast %add3A_212 : i32 to index
        %get3A_394 = arith.constant 208 : index
        %get3A_395 = tpu.vector_load %arg15[%get3A_393, %get3A_394] {strides = array<i32>} : memref<32x256xf32, #tpu.memory_space<vmem>>, vector<1x16xf32>,
        %get3A_396 = vector.shape_cast %get3A_395 : vector<1x16xf32> to vector<16xf32>
        %get3A_397 = arith.index_cast %add3A_212 : i32 to index
        %get3A_398 = arith.constant 208 : index
        %get3A_399 = tpu.vector_load %arg11[%get3A_397, %get3A_398] {strides = array<i32>} : memref<32x256xf32, #tpu.memory_space<vmem>>, vector<1x16xf32>,
        %get3A_400 = vector.shape_cast %get3A_399 : vector<1x16xf32> to vector<16xf32>
        %add3A_401 = arith.addf %get3A_396, %get3A_400 : vector<16xf32>
        %swap3A_402 = arith.index_cast %add3A_212 : i32 to index
        %swap3A_403 = arith.constant 208 : index
        %swap3A_404 = tpu.vector_load %arg15[%swap3A_402, %swap3A_403] {strides = array<i32>} : memref<32x256xf32, #tpu.memory_space<vmem>>, vector<1x16xf32>,
        %swap3A_405 = vector.shape_cast %swap3A_404 : vector<1x16xf32> to vector<16xf32>
        %swap3A_406 = vector.shape_cast %add3A_401 : vector<16xf32> to vector<1x16xf32>
        tpu.vector_store %arg15[%swap3A_402, %swap3A_403], %swap3A_406 {strides = array<i32>} : memref<32x256xf32, #tpu.memory_space<vmem>>, vector<1x16xf32>,
        %get3A_407 = arith.index_cast %add3A_212 : i32 to index
        %get3A_408 = arith.constant 224 : index
        %get3A_409 = tpu.vector_load %arg15[%get3A_407, %get3A_408] {strides = array<i32>} : memref<32x256xf32, #tpu.memory_space<vmem>>, vector<1x16xf32>,
        %get3A_410 = vector.shape_cast %get3A_409 : vector<1x16xf32> to vector<16xf32>
        %get3A_411 = arith.index_cast %add3A_212 : i32 to index
        %get3A_412 = arith.constant 224 : index
        %get3A_413 = tpu.vector_load %arg11[%get3A_411, %get3A_412] {strides = array<i32>} : memref<32x256xf32, #tpu.memory_space<vmem>>, vector<1x16xf32>,
        %get3A_414 = vector.shape_cast %get3A_413 : vector<1x16xf32> to vector<16xf32>
        %add3A_415 = arith.addf %get3A_410, %get3A_414 : vector<16xf32>
        %swap3A_416 = arith.index_cast %add3A_212 : i32 to index
        %swap3A_417 = arith.constant 224 : index
        %swap3A_418 = tpu.vector_load %arg15[%swap3A_416, %swap3A_417] {strides = array<i32>} : memref<32x256xf32, #tpu.memory_space<vmem>>, vector<1x16xf32>,
        %swap3A_419 = vector.shape_cast %swap3A_418 : vector<1x16xf32> to vector<16xf32>
        %swap3A_420 = vector.shape_cast %add3A_415 : vector<16xf32> to vector<1x16xf32>
        tpu.vector_store %arg15[%swap3A_416, %swap3A_417], %swap3A_420 {strides = array<i32>} : memref<32x256xf32, #tpu.memory_space<vmem>>, vector<1x16xf32>,
        %get3A_421 = arith.index_cast %add3A_212 : i32 to index
        %get3A_422 = arith.constant 240 : index
        %get3A_423 = tpu.vector_load %arg15[%get3A_421, %get3A_422] {strides = array<i32>} : memref<32x256xf32, #tpu.memory_space<vmem>>, vector<1x16xf32>,
        %get3A_424 = vector.shape_cast %get3A_423 : vector<1x16xf32> to vector<16xf32>
        %get3A_425 = arith.index_cast %add3A_212 : i32 to index
        %get3A_426 = arith.constant 240 : index
        %get3A_427 = tpu.vector_load %arg11[%get3A_425, %get3A_426] {strides = array<i32>} : memref<32x256xf32, #tpu.memory_space<vmem>>, vector<1x16xf32>,
        %get3A_428 = vector.shape_cast %get3A_427 : vector<1x16xf32> to vector<16xf32>
        %add3A_429 = arith.addf %get3A_424, %get3A_428 : vector<16xf32>
        %swap3A_430 = arith.index_cast %add3A_212 : i32 to index
        %swap3A_431 = arith.constant 240 : index
        %swap3A_432 = tpu.vector_load %arg15[%swap3A_430, %swap3A_431] {strides = array<i32>} : memref<32x256xf32, #tpu.memory_space<vmem>>, vector<1x16xf32>,
        %swap3A_433 = vector.shape_cast %swap3A_432 : vector<1x16xf32> to vector<16xf32>
        %swap3A_434 = vector.shape_cast %add3A_429 : vector<16xf32> to vector<1x16xf32>
        tpu.vector_store %arg15[%swap3A_430, %swap3A_431], %swap3A_434 {strides = array<i32>} : memref<32x256xf32, #tpu.memory_space<vmem>>, vector<1x16xf32>,
        %mul3A_435 = arith.constant 2 : i32
        %mul3A_436 = arith.muli %scan3A_208, %mul3A_435 : i32
        %add3A_437 = arith.constant 1 : i32
        %add3A_438 = arith.addi %mul3A_436, %add3A_437 : i32
        %get3A_439 = arith.index_cast %add3A_438 : i32 to index
        %get3A_440 = arith.constant 0 : index
        %get3A_441 = tpu.vector_load %arg15[%get3A_439, %get3A_440] {strides = array<i32>} : memref<32x256xf32, #tpu.memory_space<vmem>>, vector<1x16xf32>,
        %get3A_442 = vector.shape_cast %get3A_441 : vector<1x16xf32> to vector<16xf32>
        %get3A_443 = arith.index_cast %add3A_438 : i32 to index
        %get3A_444 = arith.constant 0 : index
        %get3A_445 = tpu.vector_load %arg11[%get3A_443, %get3A_444] {strides = array<i32>} : memref<32x256xf32, #tpu.memory_space<vmem>>, vector<1x16xf32>,
        %get3A_446 = vector.shape_cast %get3A_445 : vector<1x16xf32> to vector<16xf32>
        %add3A_447 = arith.addf %get3A_442, %get3A_446 : vector<16xf32>
        %swap3A_448 = arith.index_cast %add3A_438 : i32 to index
        %swap3A_449 = arith.constant 0 : index
        %swap3A_450 = tpu.vector_load %arg15[%swap3A_448, %swap3A_449] {strides = array<i32>} : memref<32x256xf32, #tpu.memory_space<vmem>>, vector<1x16xf32>,
        %swap3A_451 = vector.shape_cast %swap3A_450 : vector<1x16xf32> to vector<16xf32>
        %swap3A_452 = vector.shape_cast %add3A_447 : vector<16xf32> to vector<1x16xf32>
        tpu.vector_store %arg15[%swap3A_448, %swap3A_449], %swap3A_452 {strides = array<i32>} : memref<32x256xf32, #tpu.memory_space<vmem>>, vector<1x16xf32>,
        %get3A_453 = arith.index_cast %add3A_438 : i32 to index
        %get3A_454 = arith.constant 16 : index
        %get3A_455 = tpu.vector_load %arg15[%get3A_453, %get3A_454] {strides = array<i32>} : memref<32x256xf32, #tpu.memory_space<vmem>>, vector<1x16xf32>,
        %get3A_456 = vector.shape_cast %get3A_455 : vector<1x16xf32> to vector<16xf32>
        %get3A_457 = arith.index_cast %add3A_438 : i32 to index
        %get3A_458 = arith.constant 16 : index
        %get3A_459 = tpu.vector_load %arg11[%get3A_457, %get3A_458] {strides = array<i32>} : memref<32x256xf32, #tpu.memory_space<vmem>>, vector<1x16xf32>,
        %get3A_460 = vector.shape_cast %get3A_459 : vector<1x16xf32> to vector<16xf32>
        %add3A_461 = arith.addf %get3A_456, %get3A_460 : vector<16xf32>
        %swap3A_462 = arith.index_cast %add3A_438 : i32 to index
        %swap3A_463 = arith.constant 16 : index
        %swap3A_464 = tpu.vector_load %arg15[%swap3A_462, %swap3A_463] {strides = array<i32>} : memref<32x256xf32, #tpu.memory_space<vmem>>, vector<1x16xf32>,
        %swap3A_465 = vector.shape_cast %swap3A_464 : vector<1x16xf32> to vector<16xf32>
        %swap3A_466 = vector.shape_cast %add3A_461 : vector<16xf32> to vector<1x16xf32>
        tpu.vector_store %arg15[%swap3A_462, %swap3A_463], %swap3A_466 {strides = array<i32>} : memref<32x256xf32, #tpu.memory_space<vmem>>, vector<1x16xf32>,
        %get3A_467 = arith.index_cast %add3A_438 : i32 to index
        %get3A_468 = arith.constant 32 : index
        %get3A_469 = tpu.vector_load %arg15[%get3A_467, %get3A_468] {strides = array<i32>} : memref<32x256xf32, #tpu.memory_space<vmem>>, vector<1x16xf32>,
        %get3A_470 = vector.shape_cast %get3A_469 : vector<1x16xf32> to vector<16xf32>
        %get3A_471 = arith.index_cast %add3A_438 : i32 to index
        %get3A_472 = arith.constant 32 : index
        %get3A_473 = tpu.vector_load %arg11[%get3A_471, %get3A_472] {strides = array<i32>} : memref<32x256xf32, #tpu.memory_space<vmem>>, vector<1x16xf32>,
        %get3A_474 = vector.shape_cast %get3A_473 : vector<1x16xf32> to vector<16xf32>
        %add3A_475 = arith.addf %get3A_470, %get3A_474 : vector<16xf32>
        %swap3A_476 = arith.index_cast %add3A_438 : i32 to index
        %swap3A_477 = arith.constant 32 : index
        %swap3A_478 = tpu.vector_load %arg15[%swap3A_476, %swap3A_477] {strides = array<i32>} : memref<32x256xf32, #tpu.memory_space<vmem>>, vector<1x16xf32>,
        %swap3A_479 = vector.shape_cast %swap3A_478 : vector<1x16xf32> to vector<16xf32>
        %swap3A_480 = vector.shape_cast %add3A_475 : vector<16xf32> to vector<1x16xf32>
        tpu.vector_store %arg15[%swap3A_476, %swap3A_477], %swap3A_480 {strides = array<i32>} : memref<32x256xf32, #tpu.memory_space<vmem>>, vector<1x16xf32>,
        %get3A_481 = arith.index_cast %add3A_438 : i32 to index
        %get3A_482 = arith.constant 48 : index
        %get3A_483 = tpu.vector_load %arg15[%get3A_481, %get3A_482] {strides = array<i32>} : memref<32x256xf32, #tpu.memory_space<vmem>>, vector<1x16xf32>,
        %get3A_484 = vector.shape_cast %get3A_483 : vector<1x16xf32> to vector<16xf32>
        %get3A_485 = arith.index_cast %add3A_438 : i32 to index
        %get3A_486 = arith.constant 48 : index
        %get3A_487 = tpu.vector_load %arg11[%get3A_485, %get3A_486] {strides = array<i32>} : memref<32x256xf32, #tpu.memory_space<vmem>>, vector<1x16xf32>,
        %get3A_488 = vector.shape_cast %get3A_487 : vector<1x16xf32> to vector<16xf32>
        %add3A_489 = arith.addf %get3A_484, %get3A_488 : vector<16xf32>
        %swap3A_490 = arith.index_cast %add3A_438 : i32 to index
        %swap3A_491 = arith.constant 48 : index
        %swap3A_492 = tpu.vector_load %arg15[%swap3A_490, %swap3A_491] {strides = array<i32>} : memref<32x256xf32, #tpu.memory_space<vmem>>, vector<1x16xf32>,
        %swap3A_493 = vector.shape_cast %swap3A_492 : vector<1x16xf32> to vector<16xf32>
        %swap3A_494 = vector.shape_cast %add3A_489 : vector<16xf32> to vector<1x16xf32>
        tpu.vector_store %arg15[%swap3A_490, %swap3A_491], %swap3A_494 {strides = array<i32>} : memref<32x256xf32, #tpu.memory_space<vmem>>, vector<1x16xf32>,
        %get3A_495 = arith.index_cast %add3A_438 : i32 to index
        %get3A_496 = arith.constant 64 : index
        %get3A_497 = tpu.vector_load %arg15[%get3A_495, %get3A_496] {strides = array<i32>} : memref<32x256xf32, #tpu.memory_space<vmem>>, vector<1x16xf32>,
        %get3A_498 = vector.shape_cast %get3A_497 : vector<1x16xf32> to vector<16xf32>
        %get3A_499 = arith.index_cast %add3A_438 : i32 to index
        %get3A_500 = arith.constant 64 : index
        %get3A_501 = tpu.vector_load %arg11[%get3A_499, %get3A_500] {strides = array<i32>} : memref<32x256xf32, #tpu.memory_space<vmem>>, vector<1x16xf32>,
        %get3A_502 = vector.shape_cast %get3A_501 : vector<1x16xf32> to vector<16xf32>
        %add3A_503 = arith.addf %get3A_498, %get3A_502 : vector<16xf32>
        %swap3A_504 = arith.index_cast %add3A_438 : i32 to index
        %swap3A_505 = arith.constant 64 : index
        %swap3A_506 = tpu.vector_load %arg15[%swap3A_504, %swap3A_505] {strides = array<i32>} : memref<32x256xf32, #tpu.memory_space<vmem>>, vector<1x16xf32>,
        %swap3A_507 = vector.shape_cast %swap3A_506 : vector<1x16xf32> to vector<16xf32>
        %swap3A_508 = vector.shape_cast %add3A_503 : vector<16xf32> to vector<1x16xf32>
        tpu.vector_store %arg15[%swap3A_504, %swap3A_505], %swap3A_508 {strides = array<i32>} : memref<32x256xf32, #tpu.memory_space<vmem>>, vector<1x16xf32>,
        %get3A_509 = arith.index_cast %add3A_438 : i32 to index
        %get3A_510 = arith.constant 80 : index
        %get3A_511 = tpu.vector_load %arg15[%get3A_509, %get3A_510] {strides = array<i32>} : memref<32x256xf32, #tpu.memory_space<vmem>>, vector<1x16xf32>,
        %get3A_512 = vector.shape_cast %get3A_511 : vector<1x16xf32> to vector<16xf32>
        %get3A_513 = arith.index_cast %add3A_438 : i32 to index
        %get3A_514 = arith.constant 80 : index
        %get3A_515 = tpu.vector_load %arg11[%get3A_513, %get3A_514] {strides = array<i32>} : memref<32x256xf32, #tpu.memory_space<vmem>>, vector<1x16xf32>,
        %get3A_516 = vector.shape_cast %get3A_515 : vector<1x16xf32> to vector<16xf32>
        %add3A_517 = arith.addf %get3A_512, %get3A_516 : vector<16xf32>
        %swap3A_518 = arith.index_cast %add3A_438 : i32 to index
        %swap3A_519 = arith.constant 80 : index
        %swap3A_520 = tpu.vector_load %arg15[%swap3A_518, %swap3A_519] {strides = array<i32>} : memref<32x256xf32, #tpu.memory_space<vmem>>, vector<1x16xf32>,
        %swap3A_521 = vector.shape_cast %swap3A_520 : vector<1x16xf32> to vector<16xf32>
        %swap3A_522 = vector.shape_cast %add3A_517 : vector<16xf32> to vector<1x16xf32>
        tpu.vector_store %arg15[%swap3A_518, %swap3A_519], %swap3A_522 {strides = array<i32>} : memref<32x256xf32, #tpu.memory_space<vmem>>, vector<1x16xf32>,
        %get3A_523 = arith.index_cast %add3A_438 : i32 to index
        %get3A_524 = arith.constant 96 : index
        %get3A_525 = tpu.vector_load %arg15[%get3A_523, %get3A_524] {strides = array<i32>} : memref<32x256xf32, #tpu.memory_space<vmem>>, vector<1x16xf32>,
        %get3A_526 = vector.shape_cast %get3A_525 : vector<1x16xf32> to vector<16xf32>
        %get3A_527 = arith.index_cast %add3A_438 : i32 to index
        %get3A_528 = arith.constant 96 : index
        %get3A_529 = tpu.vector_load %arg11[%get3A_527, %get3A_528] {strides = array<i32>} : memref<32x256xf32, #tpu.memory_space<vmem>>, vector<1x16xf32>,
        %get3A_530 = vector.shape_cast %get3A_529 : vector<1x16xf32> to vector<16xf32>
        %add3A_531 = arith.addf %get3A_526, %get3A_530 : vector<16xf32>
        %swap3A_532 = arith.index_cast %add3A_438 : i32 to index
        %swap3A_533 = arith.constant 96 : index
        %swap3A_534 = tpu.vector_load %arg15[%swap3A_532, %swap3A_533] {strides = array<i32>} : memref<32x256xf32, #tpu.memory_space<vmem>>, vector<1x16xf32>,
        %swap3A_535 = vector.shape_cast %swap3A_534 : vector<1x16xf32> to vector<16xf32>
        %swap3A_536 = vector.shape_cast %add3A_531 : vector<16xf32> to vector<1x16xf32>
        tpu.vector_store %arg15[%swap3A_532, %swap3A_533], %swap3A_536 {strides = array<i32>} : memref<32x256xf32, #tpu.memory_space<vmem>>, vector<1x16xf32>,
        %get3A_537 = arith.index_cast %add3A_438 : i32 to index
        %get3A_538 = arith.constant 112 : index
        %get3A_539 = tpu.vector_load %arg15[%get3A_537, %get3A_538] {strides = array<i32>} : memref<32x256xf32, #tpu.memory_space<vmem>>, vector<1x16xf32>,
        %get3A_540 = vector.shape_cast %get3A_539 : vector<1x16xf32> to vector<16xf32>
        %get3A_541 = arith.index_cast %add3A_438 : i32 to index
        %get3A_542 = arith.constant 112 : index
        %get3A_543 = tpu.vector_load %arg11[%get3A_541, %get3A_542] {strides = array<i32>} : memref<32x256xf32, #tpu.memory_space<vmem>>, vector<1x16xf32>,
        %get3A_544 = vector.shape_cast %get3A_543 : vector<1x16xf32> to vector<16xf32>
        %add3A_545 = arith.addf %get3A_540, %get3A_544 : vector<16xf32>
        %swap3A_546 = arith.index_cast %add3A_438 : i32 to index
        %swap3A_547 = arith.constant 112 : index
        %swap3A_548 = tpu.vector_load %arg15[%swap3A_546, %swap3A_547] {strides = array<i32>} : memref<32x256xf32, #tpu.memory_space<vmem>>, vector<1x16xf32>,
        %swap3A_549 = vector.shape_cast %swap3A_548 : vector<1x16xf32> to vector<16xf32>
        %swap3A_550 = vector.shape_cast %add3A_545 : vector<16xf32> to vector<1x16xf32>
        tpu.vector_store %arg15[%swap3A_546, %swap3A_547], %swap3A_550 {strides = array<i32>} : memref<32x256xf32, #tpu.memory_space<vmem>>, vector<1x16xf32>,
        %get3A_551 = arith.index_cast %add3A_438 : i32 to index
        %get3A_552 = arith.constant 128 : index
        %get3A_553 = tpu.vector_load %arg15[%get3A_551, %get3A_552] {strides = array<i32>} : memref<32x256xf32, #tpu.memory_space<vmem>>, vector<1x16xf32>,
        %get3A_554 = vector.shape_cast %get3A_553 : vector<1x16xf32> to vector<16xf32>
        %get3A_555 = arith.index_cast %add3A_438 : i32 to index
        %get3A_556 = arith.constant 128 : index
        %get3A_557 = tpu.vector_load %arg11[%get3A_555, %get3A_556] {strides = array<i32>} : memref<32x256xf32, #tpu.memory_space<vmem>>, vector<1x16xf32>,
        %get3A_558 = vector.shape_cast %get3A_557 : vector<1x16xf32> to vector<16xf32>
        %add3A_559 = arith.addf %get3A_554, %get3A_558 : vector<16xf32>
        %swap3A_560 = arith.index_cast %add3A_438 : i32 to index
        %swap3A_561 = arith.constant 128 : index
        %swap3A_562 = tpu.vector_load %arg15[%swap3A_560, %swap3A_561] {strides = array<i32>} : memref<32x256xf32, #tpu.memory_space<vmem>>, vector<1x16xf32>,
        %swap3A_563 = vector.shape_cast %swap3A_562 : vector<1x16xf32> to vector<16xf32>
        %swap3A_564 = vector.shape_cast %add3A_559 : vector<16xf32> to vector<1x16xf32>
        tpu.vector_store %arg15[%swap3A_560, %swap3A_561], %swap3A_564 {strides = array<i32>} : memref<32x256xf32, #tpu.memory_space<vmem>>, vector<1x16xf32>,
        %get3A_565 = arith.index_cast %add3A_438 : i32 to index
        %get3A_566 = arith.constant 144 : index
        %get3A_567 = tpu.vector_load %arg15[%get3A_565, %get3A_566] {strides = array<i32>} : memref<32x256xf32, #tpu.memory_space<vmem>>, vector<1x16xf32>,
        %get3A_568 = vector.shape_cast %get3A_567 : vector<1x16xf32> to vector<16xf32>
        %get3A_569 = arith.index_cast %add3A_438 : i32 to index
        %get3A_570 = arith.constant 144 : index
        %get3A_571 = tpu.vector_load %arg11[%get3A_569, %get3A_570] {strides = array<i32>} : memref<32x256xf32, #tpu.memory_space<vmem>>, vector<1x16xf32>,
        %get3A_572 = vector.shape_cast %get3A_571 : vector<1x16xf32> to vector<16xf32>
        %add3A_573 = arith.addf %get3A_568, %get3A_572 : vector<16xf32>
        %swap3A_574 = arith.index_cast %add3A_438 : i32 to index
        %swap3A_575 = arith.constant 144 : index
        %swap3A_576 = tpu.vector_load %arg15[%swap3A_574, %swap3A_575] {strides = array<i32>} : memref<32x256xf32, #tpu.memory_space<vmem>>, vector<1x16xf32>,
        %swap3A_577 = vector.shape_cast %swap3A_576 : vector<1x16xf32> to vector<16xf32>
        %swap3A_578 = vector.shape_cast %add3A_573 : vector<16xf32> to vector<1x16xf32>
        tpu.vector_store %arg15[%swap3A_574, %swap3A_575], %swap3A_578 {strides = array<i32>} : memref<32x256xf32, #tpu.memory_space<vmem>>, vector<1x16xf32>,
        %get3A_579 = arith.index_cast %add3A_438 : i32 to index
        %get3A_580 = arith.constant 160 : index
        %get3A_581 = tpu.vector_load %arg15[%get3A_579, %get3A_580] {strides = array<i32>} : memref<32x256xf32, #tpu.memory_space<vmem>>, vector<1x16xf32>,
        %get3A_582 = vector.shape_cast %get3A_581 : vector<1x16xf32> to vector<16xf32>
        %get3A_583 = arith.index_cast %add3A_438 : i32 to index
        %get3A_584 = arith.constant 160 : index
        %get3A_585 = tpu.vector_load %arg11[%get3A_583, %get3A_584] {strides = array<i32>} : memref<32x256xf32, #tpu.memory_space<vmem>>, vector<1x16xf32>,
        %get3A_586 = vector.shape_cast %get3A_585 : vector<1x16xf32> to vector<16xf32>
        %add3A_587 = arith.addf %get3A_582, %get3A_586 : vector<16xf32>
        %swap3A_588 = arith.index_cast %add3A_438 : i32 to index
        %swap3A_589 = arith.constant 160 : index
        %swap3A_590 = tpu.vector_load %arg15[%swap3A_588, %swap3A_589] {strides = array<i32>} : memref<32x256xf32, #tpu.memory_space<vmem>>, vector<1x16xf32>,
        %swap3A_591 = vector.shape_cast %swap3A_590 : vector<1x16xf32> to vector<16xf32>
        %swap3A_592 = vector.shape_cast %add3A_587 : vector<16xf32> to vector<1x16xf32>
        tpu.vector_store %arg15[%swap3A_588, %swap3A_589], %swap3A_592 {strides = array<i32>} : memref<32x256xf32, #tpu.memory_space<vmem>>, vector<1x16xf32>,
        %get3A_593 = arith.index_cast %add3A_438 : i32 to index
        %get3A_594 = arith.constant 176 : index
        %get3A_595 = tpu.vector_load %arg15[%get3A_593, %get3A_594] {strides = array<i32>} : memref<32x256xf32, #tpu.memory_space<vmem>>, vector<1x16xf32>,
        %get3A_596 = vector.shape_cast %get3A_595 : vector<1x16xf32> to vector<16xf32>
        %get3A_597 = arith.index_cast %add3A_438 : i32 to index
        %get3A_598 = arith.constant 176 : index
        %get3A_599 = tpu.vector_load %arg11[%get3A_597, %get3A_598] {strides = array<i32>} : memref<32x256xf32, #tpu.memory_space<vmem>>, vector<1x16xf32>,
        %get3A_600 = vector.shape_cast %get3A_599 : vector<1x16xf32> to vector<16xf32>
        %add3A_601 = arith.addf %get3A_596, %get3A_600 : vector<16xf32>
        %swap3A_602 = arith.index_cast %add3A_438 : i32 to index
        %swap3A_603 = arith.constant 176 : index
        %swap3A_604 = tpu.vector_load %arg15[%swap3A_602, %swap3A_603] {strides = array<i32>} : memref<32x256xf32, #tpu.memory_space<vmem>>, vector<1x16xf32>,
        %swap3A_605 = vector.shape_cast %swap3A_604 : vector<1x16xf32> to vector<16xf32>
        %swap3A_606 = vector.shape_cast %add3A_601 : vector<16xf32> to vector<1x16xf32>
        tpu.vector_store %arg15[%swap3A_602, %swap3A_603], %swap3A_606 {strides = array<i32>} : memref<32x256xf32, #tpu.memory_space<vmem>>, vector<1x16xf32>,
        %get3A_607 = arith.index_cast %add3A_438 : i32 to index
        %get3A_608 = arith.constant 192 : index
        %get3A_609 = tpu.vector_load %arg15[%get3A_607, %get3A_608] {strides = array<i32>} : memref<32x256xf32, #tpu.memory_space<vmem>>, vector<1x16xf32>,
        %get3A_610 = vector.shape_cast %get3A_609 : vector<1x16xf32> to vector<16xf32>
        %get3A_611 = arith.index_cast %add3A_438 : i32 to index
        %get3A_612 = arith.constant 192 : index
        %get3A_613 = tpu.vector_load %arg11[%get3A_611, %get3A_612] {strides = array<i32>} : memref<32x256xf32, #tpu.memory_space<vmem>>, vector<1x16xf32>,
        %get3A_614 = vector.shape_cast %get3A_613 : vector<1x16xf32> to vector<16xf32>
        %add3A_615 = arith.addf %get3A_610, %get3A_614 : vector<16xf32>
        %swap3A_616 = arith.index_cast %add3A_438 : i32 to index
        %swap3A_617 = arith.constant 192 : index
        %swap3A_618 = tpu.vector_load %arg15[%swap3A_616, %swap3A_617] {strides = array<i32>} : memref<32x256xf32, #tpu.memory_space<vmem>>, vector<1x16xf32>,
        %swap3A_619 = vector.shape_cast %swap3A_618 : vector<1x16xf32> to vector<16xf32>
        %swap3A_620 = vector.shape_cast %add3A_615 : vector<16xf32> to vector<1x16xf32>
        tpu.vector_store %arg15[%swap3A_616, %swap3A_617], %swap3A_620 {strides = array<i32>} : memref<32x256xf32, #tpu.memory_space<vmem>>, vector<1x16xf32>,
        %get3A_621 = arith.index_cast %add3A_438 : i32 to index
        %get3A_622 = arith.constant 208 : index
        %get3A_623 = tpu.vector_load %arg15[%get3A_621, %get3A_622] {strides = array<i32>} : memref<32x256xf32, #tpu.memory_space<vmem>>, vector<1x16xf32>,
        %get3A_624 = vector.shape_cast %get3A_623 : vector<1x16xf32> to vector<16xf32>
        %get3A_625 = arith.index_cast %add3A_438 : i32 to index
        %get3A_626 = arith.constant 208 : index
        %get3A_627 = tpu.vector_load %arg11[%get3A_625, %get3A_626] {strides = array<i32>} : memref<32x256xf32, #tpu.memory_space<vmem>>, vector<1x16xf32>,
        %get3A_628 = vector.shape_cast %get3A_627 : vector<1x16xf32> to vector<16xf32>
        %add3A_629 = arith.addf %get3A_624, %get3A_628 : vector<16xf32>
        %swap3A_630 = arith.index_cast %add3A_438 : i32 to index
        %swap3A_631 = arith.constant 208 : index
        %swap3A_632 = tpu.vector_load %arg15[%swap3A_630, %swap3A_631] {strides = array<i32>} : memref<32x256xf32, #tpu.memory_space<vmem>>, vector<1x16xf32>,
        %swap3A_633 = vector.shape_cast %swap3A_632 : vector<1x16xf32> to vector<16xf32>
        %swap3A_634 = vector.shape_cast %add3A_629 : vector<16xf32> to vector<1x16xf32>
        tpu.vector_store %arg15[%swap3A_630, %swap3A_631], %swap3A_634 {strides = array<i32>} : memref<32x256xf32, #tpu.memory_space<vmem>>, vector<1x16xf32>,
        %get3A_635 = arith.index_cast %add3A_438 : i32 to index
        %get3A_636 = arith.constant 224 : index
        %get3A_637 = tpu.vector_load %arg15[%get3A_635, %get3A_636] {strides = array<i32>} : memref<32x256xf32, #tpu.memory_space<vmem>>, vector<1x16xf32>,
        %get3A_638 = vector.shape_cast %get3A_637 : vector<1x16xf32> to vector<16xf32>
        %get3A_639 = arith.index_cast %add3A_438 : i32 to index
        %get3A_640 = arith.constant 224 : index
        %get3A_641 = tpu.vector_load %arg11[%get3A_639, %get3A_640] {strides = array<i32>} : memref<32x256xf32, #tpu.memory_space<vmem>>, vector<1x16xf32>,
        %get3A_642 = vector.shape_cast %get3A_641 : vector<1x16xf32> to vector<16xf32>
        %add3A_643 = arith.addf %get3A_638, %get3A_642 : vector<16xf32>
        %swap3A_644 = arith.index_cast %add3A_438 : i32 to index
        %swap3A_645 = arith.constant 224 : index
        %swap3A_646 = tpu.vector_load %arg15[%swap3A_644, %swap3A_645] {strides = array<i32>} : memref<32x256xf32, #tpu.memory_space<vmem>>, vector<1x16xf32>,
        %swap3A_647 = vector.shape_cast %swap3A_646 : vector<1x16xf32> to vector<16xf32>
        %swap3A_648 = vector.shape_cast %add3A_643 : vector<16xf32> to vector<1x16xf32>
        tpu.vector_store %arg15[%swap3A_644, %swap3A_645], %swap3A_648 {strides = array<i32>} : memref<32x256xf32, #tpu.memory_space<vmem>>, vector<1x16xf32>,
        %get3A_649 = arith.index_cast %add3A_438 : i32 to index
        %get3A_650 = arith.constant 240 : index
        %get3A_651 = tpu.vector_load %arg15[%get3A_649, %get3A_650] {strides = array<i32>} : memref<32x256xf32, #tpu.memory_space<vmem>>, vector<1x16xf32>,
        %get3A_652 = vector.shape_cast %get3A_651 : vector<1x16xf32> to vector<16xf32>
        %get3A_653 = arith.index_cast %add3A_438 : i32 to index
        %get3A_654 = arith.constant 240 : index
        %get3A_655 = tpu.vector_load %arg11[%get3A_653, %get3A_654] {strides = array<i32>} : memref<32x256xf32, #tpu.memory_space<vmem>>, vector<1x16xf32>,
        %get3A_656 = vector.shape_cast %get3A_655 : vector<1x16xf32> to vector<16xf32>
        %add3A_657 = arith.addf %get3A_652, %get3A_656 : vector<16xf32>
        %swap3A_658 = arith.index_cast %add3A_438 : i32 to index
        %swap3A_659 = arith.constant 240 : index
        %swap3A_660 = tpu.vector_load %arg15[%swap3A_658, %swap3A_659] {strides = array<i32>} : memref<32x256xf32, #tpu.memory_space<vmem>>, vector<1x16xf32>,
        %swap3A_661 = vector.shape_cast %swap3A_660 : vector<1x16xf32> to vector<16xf32>
        %swap3A_662 = vector.shape_cast %add3A_657 : vector<16xf32> to vector<1x16xf32>
        tpu.vector_store %arg15[%swap3A_658, %swap3A_659], %swap3A_662 {strides = array<i32>} : memref<32x256xf32, #tpu.memory_space<vmem>>, vector<1x16xf32>,
      }
      %scan3A_128 = arith.constant 16 : i32
      %mul3A_129 = arith.constant 32 : i32
      %mul3A_130 = arith.muli %add3A_103, %mul3A_129 : i32
      %add3A_131 = arith.addi %mul3A_2, %mul3A_130 : i32
      %dma_start3A_132 = arith.constant 0 : i32
      %dma_start3A_133 = tpu.memref_slice %arg6[%add3A_131, %dma_start3A_132] : memref<65536x256xf32, #tpu.memory_space<hbm>> -> memref<32x256xf32, #tpu.memory_space<hbm>>
      %dma_start3A_134 = arith.constant 0 : i32
      %dma_start3A_135 = tpu.memref_slice %arg6[%add3A_131, %dma_start3A_134] : memref<65536x256xf32, #tpu.memory_space<hbm>> -> memref<32x256xf32, #tpu.memory_space<hbm>>
      tpu.enqueue_dma source(%arg15 : memref<32x256xf32, #tpu.memory_space<vmem>>) target(%dma_start3A_135 : memref<32x256xf32, #tpu.memory_space<hbm>>) target_semaphore(%arg27 : memref<!tpu.dma_semaphore, #tpu.memory_space<semaphore_mem>>)
      %mul3A_136 = arith.constant 4 : i32
      %mul3A_137 = arith.muli %scan3A_67, %mul3A_136 : i32
      %add3A_138 = arith.constant 2 : i32
      %add3A_139 = arith.addi %mul3A_137, %add3A_138 : i32
      %add3A_140 = arith.constant 4 : i32
      %add3A_141 = arith.addi %add3A_139, %add3A_140 : i32
      %sub3A_142 = arith.constant 1 : i32
      %sub3A_143 = arith.subi %add3A_141, %sub3A_142 : i32
      %lt3A_144 = arith.constant 64 : i32
      %lt3A_145 = arith.cmpi slt, %sub3A_143, %lt3A_144 : i32
      %convert_element_type3A_146 = arith.extui %lt3A_145 : i1 to i32
      %cond3A_147 = arith.constant 0 : i32
      %cond3A_148 = arith.cmpi ne, %convert_element_type3A_146, %cond3A_147 : i32
      scf.if %cond3A_148 {
        %ge3A = arith.constant 1 : i32
        %ge3A_208 = arith.cmpi sge, %add3A_139, %ge3A : i32
        %convert_element_type3A_209 = arith.extui %ge3A_208 : i1 to i32
        %cond3A_210 = arith.constant 0 : i32
        %cond3A_211 = arith.cmpi ne, %convert_element_type3A_209, %cond3A_210 : i32
        scf.if %cond3A_211 {
          %dma_wait3A_229 = arith.constant 0 : i32
          %dma_wait3A_230 = tpu.memref_slice %arg6[%mul3A_2, %dma_wait3A_229] : memref<65536x256xf32, #tpu.memory_space<hbm>> -> memref<32x256xf32, #tpu.memory_space<hbm>>
          %dma_wait3A_231 = arith.constant 0 : i32
          %dma_wait3A_232 = tpu.memref_slice %arg6[%mul3A_2, %dma_wait3A_231] : memref<65536x256xf32, #tpu.memory_space<hbm>> -> memref<32x256xf32, #tpu.memory_space<hbm>>
          tpu.wait_dma2 semaphore(%arg27 : memref<!tpu.dma_semaphore, #tpu.memory_space<semaphore_mem>>) src(%arg15 : memref<32x256xf32, #tpu.memory_space<vmem>>) dst(%dma_wait3A_232 : memref<32x256xf32, #tpu.memory_space<hbm>>)
        } else {
        }
        %add3A_212 = arith.constant 4 : i32
        %add3A_213 = arith.addi %add3A_139, %add3A_212 : i32
        %sub3A_214 = arith.constant 1 : i32
        %sub3A_215 = arith.subi %add3A_213, %sub3A_214 : i32
        %mul3A_216 = arith.constant 32 : i32
        %mul3A_217 = arith.muli %sub3A_215, %mul3A_216 : i32
        %add3A_218 = arith.addi %mul3A_2, %mul3A_217 : i32
        %dma_start3A_219 = arith.constant 0 : i32
        %dma_start3A_220 = tpu.memref_slice %arg2[%add3A_218, %dma_start3A_219] : memref<65536x256xf32, #tpu.memory_space<hbm>> -> memref<32x256xf32, #tpu.memory_space<hbm>>
        %dma_start3A_221 = arith.constant 0 : i32
        %dma_start3A_222 = tpu.memref_slice %arg2[%add3A_218, %dma_start3A_221] : memref<65536x256xf32, #tpu.memory_space<hbm>> -> memref<32x256xf32, #tpu.memory_space<hbm>>
        tpu.enqueue_dma source(%dma_start3A_222 : memref<32x256xf32, #tpu.memory_space<hbm>>) target(%arg11 : memref<32x256xf32, #tpu.memory_space<vmem>>) target_semaphore(%arg19 : memref<!tpu.dma_semaphore, #tpu.memory_space<semaphore_mem>>)
        %dma_start3A_223 = arith.constant 0 : i32
        %dma_start3A_224 = tpu.memref_slice %arg9[%sub3A_215, %dma_start3A_223] : memref<64x32xi32, #tpu.memory_space<vmem>> -> memref<1x32xi32, #tpu.memory_space<vmem>>
        %dma_start3A_225 = tpu.memref_squeeze %dma_start3A_224 : memref<1x32xi32, #tpu.memory_space<vmem>> -> memref<32xi32, #tpu.memory_space<vmem>>
        %dma_start3A_226 = arith.constant 0 : i32
        %dma_start3A_227 = arith.constant 0 : i32
        %dma_start3A_228 = tpu.memref_slice %arg5[%dma_start3A_226, %dma_start3A_227] : memref<10000x256xf32, #tpu.memory_space<hbm>> -> memref<10000x256xf32, #tpu.memory_space<hbm>>
        tpu.enqueue_indirect_dma source(%dma_start3A_228 : memref<10000x256xf32, #tpu.memory_space<hbm>>) target(%arg15 : memref<32x256xf32, #tpu.memory_space<vmem>>) offsets(%dma_start3A_225 : memref<32xi32, #tpu.memory_space<vmem>>) semaphore(%arg23 : memref<!tpu.dma_semaphore, #tpu.memory_space<semaphore_mem>>)
      } else {
      }
      %dma_wait3A_149 = arith.constant 0 : i32
      %dma_wait3A_150 = tpu.memref_slice %arg2[%mul3A_2, %dma_wait3A_149] : memref<65536x256xf32, #tpu.memory_space<hbm>> -> memref<32x256xf32, #tpu.memory_space<hbm>>
      %dma_wait3A_151 = arith.constant 0 : i32
      %dma_wait3A_152 = tpu.memref_slice %arg2[%mul3A_2, %dma_wait3A_151] : memref<65536x256xf32, #tpu.memory_space<hbm>> -> memref<32x256xf32, #tpu.memory_space<hbm>>
      tpu.wait_dma2 semaphore(%arg20 : memref<!tpu.dma_semaphore, #tpu.memory_space<semaphore_mem>>) src(%dma_wait3A_152 : memref<32x256xf32, #tpu.memory_space<hbm>>) dst(%arg12 : memref<32x256xf32, #tpu.memory_space<vmem>>)
      %dma_wait3A_153 = arith.constant 0 : i32
      %dma_wait3A_154 = tpu.memref_slice %arg9[%add3A_139, %dma_wait3A_153] : memref<64x32xi32, #tpu.memory_space<vmem>> -> memref<1x32xi32, #tpu.memory_space<vmem>>
      %dma_wait3A_155 = tpu.memref_squeeze %dma_wait3A_154 : memref<1x32xi32, #tpu.memory_space<vmem>> -> memref<32xi32, #tpu.memory_space<vmem>>
      %dma_wait3A_156 = arith.constant 0 : i32
      %dma_wait3A_157 = arith.constant 0 : i32
      %dma_wait3A_158 = tpu.memref_slice %arg5[%dma_wait3A_156, %dma_wait3A_157] : memref<10000x256xf32, #tpu.memory_space<hbm>> -> memref<10000x256xf32, #tpu.memory_space<hbm>>
      tpu.wait_indirect_dma semaphore(%arg24 : memref<!tpu.dma_semaphore, #tpu.memory_space<semaphore_mem>>) src(%dma_wait3A_158 : memref<10000x256xf32, #tpu.memory_space<hbm>>) dst(%arg16 : memref<32x256xf32, #tpu.memory_space<vmem>>)
      %scan3A_159 = arith.constant 0 : i32
      %scan3A_160 = arith.constant 0 : i32
      %scan3A_161 = arith.constant 16 : i32
      %scan3A_162 = arith.addi %scan3A_160, %scan3A_161 : i32
      %scan3A_163 = arith.constant 1 : i32
      scf.for %scan3A_208 = %scan3A_160 to %scan3A_162 step %scan3A_163  : i32 {
        %mul3A_209 = arith.constant 2 : i32
        %mul3A_210 = arith.muli %scan3A_208, %mul3A_209 : i32
        %add3A_211 = arith.constant 0 : i32
        %add3A_212 = arith.addi %mul3A_210, %add3A_211 : i32
        %get3A = arith.index_cast %add3A_212 : i32 to index
        %get3A_213 = arith.constant 0 : index
        %get3A_214 = tpu.vector_load %arg16[%get3A, %get3A_213] {strides = array<i32>} : memref<32x256xf32, #tpu.memory_space<vmem>>, vector<1x16xf32>,
        %get3A_215 = vector.shape_cast %get3A_214 : vector<1x16xf32> to vector<16xf32>
        %get3A_216 = arith.index_cast %add3A_212 : i32 to index
        %get3A_217 = arith.constant 0 : index
        %get3A_218 = tpu.vector_load %arg12[%get3A_216, %get3A_217] {strides = array<i32>} : memref<32x256xf32, #tpu.memory_space<vmem>>, vector<1x16xf32>,
        %get3A_219 = vector.shape_cast %get3A_218 : vector<1x16xf32> to vector<16xf32>
        %add3A_220 = arith.addf %get3A_215, %get3A_219 : vector<16xf32>
        %swap3A = arith.index_cast %add3A_212 : i32 to index
        %swap3A_221 = arith.constant 0 : index
        %swap3A_222 = tpu.vector_load %arg16[%swap3A, %swap3A_221] {strides = array<i32>} : memref<32x256xf32, #tpu.memory_space<vmem>>, vector<1x16xf32>,
        %swap3A_223 = vector.shape_cast %swap3A_222 : vector<1x16xf32> to vector<16xf32>
        %swap3A_224 = vector.shape_cast %add3A_220 : vector<16xf32> to vector<1x16xf32>
        tpu.vector_store %arg16[%swap3A, %swap3A_221], %swap3A_224 {strides = array<i32>} : memref<32x256xf32, #tpu.memory_space<vmem>>, vector<1x16xf32>,
        %get3A_225 = arith.index_cast %add3A_212 : i32 to index
        %get3A_226 = arith.constant 16 : index
        %get3A_227 = tpu.vector_load %arg16[%get3A_225, %get3A_226] {strides = array<i32>} : memref<32x256xf32, #tpu.memory_space<vmem>>, vector<1x16xf32>,
        %get3A_228 = vector.shape_cast %get3A_227 : vector<1x16xf32> to vector<16xf32>
        %get3A_229 = arith.index_cast %add3A_212 : i32 to index
        %get3A_230 = arith.constant 16 : index
        %get3A_231 = tpu.vector_load %arg12[%get3A_229, %get3A_230] {strides = array<i32>} : memref<32x256xf32, #tpu.memory_space<vmem>>, vector<1x16xf32>,
        %get3A_232 = vector.shape_cast %get3A_231 : vector<1x16xf32> to vector<16xf32>
        %add3A_233 = arith.addf %get3A_228, %get3A_232 : vector<16xf32>
        %swap3A_234 = arith.index_cast %add3A_212 : i32 to index
        %swap3A_235 = arith.constant 16 : index
        %swap3A_236 = tpu.vector_load %arg16[%swap3A_234, %swap3A_235] {strides = array<i32>} : memref<32x256xf32, #tpu.memory_space<vmem>>, vector<1x16xf32>,
        %swap3A_237 = vector.shape_cast %swap3A_236 : vector<1x16xf32> to vector<16xf32>
        %swap3A_238 = vector.shape_cast %add3A_233 : vector<16xf32> to vector<1x16xf32>
        tpu.vector_store %arg16[%swap3A_234, %swap3A_235], %swap3A_238 {strides = array<i32>} : memref<32x256xf32, #tpu.memory_space<vmem>>, vector<1x16xf32>,
        %get3A_239 = arith.index_cast %add3A_212 : i32 to index
        %get3A_240 = arith.constant 32 : index
        %get3A_241 = tpu.vector_load %arg16[%get3A_239, %get3A_240] {strides = array<i32>} : memref<32x256xf32, #tpu.memory_space<vmem>>, vector<1x16xf32>,
        %get3A_242 = vector.shape_cast %get3A_241 : vector<1x16xf32> to vector<16xf32>
        %get3A_243 = arith.index_cast %add3A_212 : i32 to index
        %get3A_244 = arith.constant 32 : index
        %get3A_245 = tpu.vector_load %arg12[%get3A_243, %get3A_244] {strides = array<i32>} : memref<32x256xf32, #tpu.memory_space<vmem>>, vector<1x16xf32>,
        %get3A_246 = vector.shape_cast %get3A_245 : vector<1x16xf32> to vector<16xf32>
        %add3A_247 = arith.addf %get3A_242, %get3A_246 : vector<16xf32>
        %swap3A_248 = arith.index_cast %add3A_212 : i32 to index
        %swap3A_249 = arith.constant 32 : index
        %swap3A_250 = tpu.vector_load %arg16[%swap3A_248, %swap3A_249] {strides = array<i32>} : memref<32x256xf32, #tpu.memory_space<vmem>>, vector<1x16xf32>,
        %swap3A_251 = vector.shape_cast %swap3A_250 : vector<1x16xf32> to vector<16xf32>
        %swap3A_252 = vector.shape_cast %add3A_247 : vector<16xf32> to vector<1x16xf32>
        tpu.vector_store %arg16[%swap3A_248, %swap3A_249], %swap3A_252 {strides = array<i32>} : memref<32x256xf32, #tpu.memory_space<vmem>>, vector<1x16xf32>,
        %get3A_253 = arith.index_cast %add3A_212 : i32 to index
        %get3A_254 = arith.constant 48 : index
        %get3A_255 = tpu.vector_load %arg16[%get3A_253, %get3A_254] {strides = array<i32>} : memref<32x256xf32, #tpu.memory_space<vmem>>, vector<1x16xf32>,
        %get3A_256 = vector.shape_cast %get3A_255 : vector<1x16xf32> to vector<16xf32>
        %get3A_257 = arith.index_cast %add3A_212 : i32 to index
        %get3A_258 = arith.constant 48 : index
        %get3A_259 = tpu.vector_load %arg12[%get3A_257, %get3A_258] {strides = array<i32>} : memref<32x256xf32, #tpu.memory_space<vmem>>, vector<1x16xf32>,
        %get3A_260 = vector.shape_cast %get3A_259 : vector<1x16xf32> to vector<16xf32>
        %add3A_261 = arith.addf %get3A_256, %get3A_260 : vector<16xf32>
        %swap3A_262 = arith.index_cast %add3A_212 : i32 to index
        %swap3A_263 = arith.constant 48 : index
        %swap3A_264 = tpu.vector_load %arg16[%swap3A_262, %swap3A_263] {strides = array<i32>} : memref<32x256xf32, #tpu.memory_space<vmem>>, vector<1x16xf32>,
        %swap3A_265 = vector.shape_cast %swap3A_264 : vector<1x16xf32> to vector<16xf32>
        %swap3A_266 = vector.shape_cast %add3A_261 : vector<16xf32> to vector<1x16xf32>
        tpu.vector_store %arg16[%swap3A_262, %swap3A_263], %swap3A_266 {strides = array<i32>} : memref<32x256xf32, #tpu.memory_space<vmem>>, vector<1x16xf32>,
        %get3A_267 = arith.index_cast %add3A_212 : i32 to index
        %get3A_268 = arith.constant 64 : index
        %get3A_269 = tpu.vector_load %arg16[%get3A_267, %get3A_268] {strides = array<i32>} : memref<32x256xf32, #tpu.memory_space<vmem>>, vector<1x16xf32>,
        %get3A_270 = vector.shape_cast %get3A_269 : vector<1x16xf32> to vector<16xf32>
        %get3A_271 = arith.index_cast %add3A_212 : i32 to index
        %get3A_272 = arith.constant 64 : index
        %get3A_273 = tpu.vector_load %arg12[%get3A_271, %get3A_272] {strides = array<i32>} : memref<32x256xf32, #tpu.memory_space<vmem>>, vector<1x16xf32>,
        %get3A_274 = vector.shape_cast %get3A_273 : vector<1x16xf32> to vector<16xf32>
        %add3A_275 = arith.addf %get3A_270, %get3A_274 : vector<16xf32>
        %swap3A_276 = arith.index_cast %add3A_212 : i32 to index
        %swap3A_277 = arith.constant 64 : index
        %swap3A_278 = tpu.vector_load %arg16[%swap3A_276, %swap3A_277] {strides = array<i32>} : memref<32x256xf32, #tpu.memory_space<vmem>>, vector<1x16xf32>,
        %swap3A_279 = vector.shape_cast %swap3A_278 : vector<1x16xf32> to vector<16xf32>
        %swap3A_280 = vector.shape_cast %add3A_275 : vector<16xf32> to vector<1x16xf32>
        tpu.vector_store %arg16[%swap3A_276, %swap3A_277], %swap3A_280 {strides = array<i32>} : memref<32x256xf32, #tpu.memory_space<vmem>>, vector<1x16xf32>,
        %get3A_281 = arith.index_cast %add3A_212 : i32 to index
        %get3A_282 = arith.constant 80 : index
        %get3A_283 = tpu.vector_load %arg16[%get3A_281, %get3A_282] {strides = array<i32>} : memref<32x256xf32, #tpu.memory_space<vmem>>, vector<1x16xf32>,
        %get3A_284 = vector.shape_cast %get3A_283 : vector<1x16xf32> to vector<16xf32>
        %get3A_285 = arith.index_cast %add3A_212 : i32 to index
        %get3A_286 = arith.constant 80 : index
        %get3A_287 = tpu.vector_load %arg12[%get3A_285, %get3A_286] {strides = array<i32>} : memref<32x256xf32, #tpu.memory_space<vmem>>, vector<1x16xf32>,
        %get3A_288 = vector.shape_cast %get3A_287 : vector<1x16xf32> to vector<16xf32>
        %add3A_289 = arith.addf %get3A_284, %get3A_288 : vector<16xf32>
        %swap3A_290 = arith.index_cast %add3A_212 : i32 to index
        %swap3A_291 = arith.constant 80 : index
        %swap3A_292 = tpu.vector_load %arg16[%swap3A_290, %swap3A_291] {strides = array<i32>} : memref<32x256xf32, #tpu.memory_space<vmem>>, vector<1x16xf32>,
        %swap3A_293 = vector.shape_cast %swap3A_292 : vector<1x16xf32> to vector<16xf32>
        %swap3A_294 = vector.shape_cast %add3A_289 : vector<16xf32> to vector<1x16xf32>
        tpu.vector_store %arg16[%swap3A_290, %swap3A_291], %swap3A_294 {strides = array<i32>} : memref<32x256xf32, #tpu.memory_space<vmem>>, vector<1x16xf32>,
        %get3A_295 = arith.index_cast %add3A_212 : i32 to index
        %get3A_296 = arith.constant 96 : index
        %get3A_297 = tpu.vector_load %arg16[%get3A_295, %get3A_296] {strides = array<i32>} : memref<32x256xf32, #tpu.memory_space<vmem>>, vector<1x16xf32>,
        %get3A_298 = vector.shape_cast %get3A_297 : vector<1x16xf32> to vector<16xf32>
        %get3A_299 = arith.index_cast %add3A_212 : i32 to index
        %get3A_300 = arith.constant 96 : index
        %get3A_301 = tpu.vector_load %arg12[%get3A_299, %get3A_300] {strides = array<i32>} : memref<32x256xf32, #tpu.memory_space<vmem>>, vector<1x16xf32>,
        %get3A_302 = vector.shape_cast %get3A_301 : vector<1x16xf32> to vector<16xf32>
        %add3A_303 = arith.addf %get3A_298, %get3A_302 : vector<16xf32>
        %swap3A_304 = arith.index_cast %add3A_212 : i32 to index
        %swap3A_305 = arith.constant 96 : index
        %swap3A_306 = tpu.vector_load %arg16[%swap3A_304, %swap3A_305] {strides = array<i32>} : memref<32x256xf32, #tpu.memory_space<vmem>>, vector<1x16xf32>,
        %swap3A_307 = vector.shape_cast %swap3A_306 : vector<1x16xf32> to vector<16xf32>
        %swap3A_308 = vector.shape_cast %add3A_303 : vector<16xf32> to vector<1x16xf32>
        tpu.vector_store %arg16[%swap3A_304, %swap3A_305], %swap3A_308 {strides = array<i32>} : memref<32x256xf32, #tpu.memory_space<vmem>>, vector<1x16xf32>,
        %get3A_309 = arith.index_cast %add3A_212 : i32 to index
        %get3A_310 = arith.constant 112 : index
        %get3A_311 = tpu.vector_load %arg16[%get3A_309, %get3A_310] {strides = array<i32>} : memref<32x256xf32, #tpu.memory_space<vmem>>, vector<1x16xf32>,
        %get3A_312 = vector.shape_cast %get3A_311 : vector<1x16xf32> to vector<16xf32>
        %get3A_313 = arith.index_cast %add3A_212 : i32 to index
        %get3A_314 = arith.constant 112 : index
        %get3A_315 = tpu.vector_load %arg12[%get3A_313, %get3A_314] {strides = array<i32>} : memref<32x256xf32, #tpu.memory_space<vmem>>, vector<1x16xf32>,
        %get3A_316 = vector.shape_cast %get3A_315 : vector<1x16xf32> to vector<16xf32>
        %add3A_317 = arith.addf %get3A_312, %get3A_316 : vector<16xf32>
        %swap3A_318 = arith.index_cast %add3A_212 : i32 to index
        %swap3A_319 = arith.constant 112 : index
        %swap3A_320 = tpu.vector_load %arg16[%swap3A_318, %swap3A_319] {strides = array<i32>} : memref<32x256xf32, #tpu.memory_space<vmem>>, vector<1x16xf32>,
        %swap3A_321 = vector.shape_cast %swap3A_320 : vector<1x16xf32> to vector<16xf32>
        %swap3A_322 = vector.shape_cast %add3A_317 : vector<16xf32> to vector<1x16xf32>
        tpu.vector_store %arg16[%swap3A_318, %swap3A_319], %swap3A_322 {strides = array<i32>} : memref<32x256xf32, #tpu.memory_space<vmem>>, vector<1x16xf32>,
        %get3A_323 = arith.index_cast %add3A_212 : i32 to index
        %get3A_324 = arith.constant 128 : index
        %get3A_325 = tpu.vector_load %arg16[%get3A_323, %get3A_324] {strides = array<i32>} : memref<32x256xf32, #tpu.memory_space<vmem>>, vector<1x16xf32>,
        %get3A_326 = vector.shape_cast %get3A_325 : vector<1x16xf32> to vector<16xf32>
        %get3A_327 = arith.index_cast %add3A_212 : i32 to index
        %get3A_328 = arith.constant 128 : index
        %get3A_329 = tpu.vector_load %arg12[%get3A_327, %get3A_328] {strides = array<i32>} : memref<32x256xf32, #tpu.memory_space<vmem>>, vector<1x16xf32>,
        %get3A_330 = vector.shape_cast %get3A_329 : vector<1x16xf32> to vector<16xf32>
        %add3A_331 = arith.addf %get3A_326, %get3A_330 : vector<16xf32>
        %swap3A_332 = arith.index_cast %add3A_212 : i32 to index
        %swap3A_333 = arith.constant 128 : index
        %swap3A_334 = tpu.vector_load %arg16[%swap3A_332, %swap3A_333] {strides = array<i32>} : memref<32x256xf32, #tpu.memory_space<vmem>>, vector<1x16xf32>,
        %swap3A_335 = vector.shape_cast %swap3A_334 : vector<1x16xf32> to vector<16xf32>
        %swap3A_336 = vector.shape_cast %add3A_331 : vector<16xf32> to vector<1x16xf32>
        tpu.vector_store %arg16[%swap3A_332, %swap3A_333], %swap3A_336 {strides = array<i32>} : memref<32x256xf32, #tpu.memory_space<vmem>>, vector<1x16xf32>,
        %get3A_337 = arith.index_cast %add3A_212 : i32 to index
        %get3A_338 = arith.constant 144 : index
        %get3A_339 = tpu.vector_load %arg16[%get3A_337, %get3A_338] {strides = array<i32>} : memref<32x256xf32, #tpu.memory_space<vmem>>, vector<1x16xf32>,
        %get3A_340 = vector.shape_cast %get3A_339 : vector<1x16xf32> to vector<16xf32>
        %get3A_341 = arith.index_cast %add3A_212 : i32 to index
        %get3A_342 = arith.constant 144 : index
        %get3A_343 = tpu.vector_load %arg12[%get3A_341, %get3A_342] {strides = array<i32>} : memref<32x256xf32, #tpu.memory_space<vmem>>, vector<1x16xf32>,
        %get3A_344 = vector.shape_cast %get3A_343 : vector<1x16xf32> to vector<16xf32>
        %add3A_345 = arith.addf %get3A_340, %get3A_344 : vector<16xf32>
        %swap3A_346 = arith.index_cast %add3A_212 : i32 to index
        %swap3A_347 = arith.constant 144 : index
        %swap3A_348 = tpu.vector_load %arg16[%swap3A_346, %swap3A_347] {strides = array<i32>} : memref<32x256xf32, #tpu.memory_space<vmem>>, vector<1x16xf32>,
        %swap3A_349 = vector.shape_cast %swap3A_348 : vector<1x16xf32> to vector<16xf32>
        %swap3A_350 = vector.shape_cast %add3A_345 : vector<16xf32> to vector<1x16xf32>
        tpu.vector_store %arg16[%swap3A_346, %swap3A_347], %swap3A_350 {strides = array<i32>} : memref<32x256xf32, #tpu.memory_space<vmem>>, vector<1x16xf32>,
        %get3A_351 = arith.index_cast %add3A_212 : i32 to index
        %get3A_352 = arith.constant 160 : index
        %get3A_353 = tpu.vector_load %arg16[%get3A_351, %get3A_352] {strides = array<i32>} : memref<32x256xf32, #tpu.memory_space<vmem>>, vector<1x16xf32>,
        %get3A_354 = vector.shape_cast %get3A_353 : vector<1x16xf32> to vector<16xf32>
        %get3A_355 = arith.index_cast %add3A_212 : i32 to index
        %get3A_356 = arith.constant 160 : index
        %get3A_357 = tpu.vector_load %arg12[%get3A_355, %get3A_356] {strides = array<i32>} : memref<32x256xf32, #tpu.memory_space<vmem>>, vector<1x16xf32>,
        %get3A_358 = vector.shape_cast %get3A_357 : vector<1x16xf32> to vector<16xf32>
        %add3A_359 = arith.addf %get3A_354, %get3A_358 : vector<16xf32>
        %swap3A_360 = arith.index_cast %add3A_212 : i32 to index
        %swap3A_361 = arith.constant 160 : index
        %swap3A_362 = tpu.vector_load %arg16[%swap3A_360, %swap3A_361] {strides = array<i32>} : memref<32x256xf32, #tpu.memory_space<vmem>>, vector<1x16xf32>,
        %swap3A_363 = vector.shape_cast %swap3A_362 : vector<1x16xf32> to vector<16xf32>
        %swap3A_364 = vector.shape_cast %add3A_359 : vector<16xf32> to vector<1x16xf32>
        tpu.vector_store %arg16[%swap3A_360, %swap3A_361], %swap3A_364 {strides = array<i32>} : memref<32x256xf32, #tpu.memory_space<vmem>>, vector<1x16xf32>,
        %get3A_365 = arith.index_cast %add3A_212 : i32 to index
        %get3A_366 = arith.constant 176 : index
        %get3A_367 = tpu.vector_load %arg16[%get3A_365, %get3A_366] {strides = array<i32>} : memref<32x256xf32, #tpu.memory_space<vmem>>, vector<1x16xf32>,
        %get3A_368 = vector.shape_cast %get3A_367 : vector<1x16xf32> to vector<16xf32>
        %get3A_369 = arith.index_cast %add3A_212 : i32 to index
        %get3A_370 = arith.constant 176 : index
        %get3A_371 = tpu.vector_load %arg12[%get3A_369, %get3A_370] {strides = array<i32>} : memref<32x256xf32, #tpu.memory_space<vmem>>, vector<1x16xf32>,
        %get3A_372 = vector.shape_cast %get3A_371 : vector<1x16xf32> to vector<16xf32>
        %add3A_373 = arith.addf %get3A_368, %get3A_372 : vector<16xf32>
        %swap3A_374 = arith.index_cast %add3A_212 : i32 to index
        %swap3A_375 = arith.constant 176 : index
        %swap3A_376 = tpu.vector_load %arg16[%swap3A_374, %swap3A_375] {strides = array<i32>} : memref<32x256xf32, #tpu.memory_space<vmem>>, vector<1x16xf32>,
        %swap3A_377 = vector.shape_cast %swap3A_376 : vector<1x16xf32> to vector<16xf32>
        %swap3A_378 = vector.shape_cast %add3A_373 : vector<16xf32> to vector<1x16xf32>
        tpu.vector_store %arg16[%swap3A_374, %swap3A_375], %swap3A_378 {strides = array<i32>} : memref<32x256xf32, #tpu.memory_space<vmem>>, vector<1x16xf32>,
        %get3A_379 = arith.index_cast %add3A_212 : i32 to index
        %get3A_380 = arith.constant 192 : index
        %get3A_381 = tpu.vector_load %arg16[%get3A_379, %get3A_380] {strides = array<i32>} : memref<32x256xf32, #tpu.memory_space<vmem>>, vector<1x16xf32>,
        %get3A_382 = vector.shape_cast %get3A_381 : vector<1x16xf32> to vector<16xf32>
        %get3A_383 = arith.index_cast %add3A_212 : i32 to index
        %get3A_384 = arith.constant 192 : index
        %get3A_385 = tpu.vector_load %arg12[%get3A_383, %get3A_384] {strides = array<i32>} : memref<32x256xf32, #tpu.memory_space<vmem>>, vector<1x16xf32>,
        %get3A_386 = vector.shape_cast %get3A_385 : vector<1x16xf32> to vector<16xf32>
        %add3A_387 = arith.addf %get3A_382, %get3A_386 : vector<16xf32>
        %swap3A_388 = arith.index_cast %add3A_212 : i32 to index
        %swap3A_389 = arith.constant 192 : index
        %swap3A_390 = tpu.vector_load %arg16[%swap3A_388, %swap3A_389] {strides = array<i32>} : memref<32x256xf32, #tpu.memory_space<vmem>>, vector<1x16xf32>,
        %swap3A_391 = vector.shape_cast %swap3A_390 : vector<1x16xf32> to vector<16xf32>
        %swap3A_392 = vector.shape_cast %add3A_387 : vector<16xf32> to vector<1x16xf32>
        tpu.vector_store %arg16[%swap3A_388, %swap3A_389], %swap3A_392 {strides = array<i32>} : memref<32x256xf32, #tpu.memory_space<vmem>>, vector<1x16xf32>,
        %get3A_393 = arith.index_cast %add3A_212 : i32 to index
        %get3A_394 = arith.constant 208 : index
        %get3A_395 = tpu.vector_load %arg16[%get3A_393, %get3A_394] {strides = array<i32>} : memref<32x256xf32, #tpu.memory_space<vmem>>, vector<1x16xf32>,
        %get3A_396 = vector.shape_cast %get3A_395 : vector<1x16xf32> to vector<16xf32>
        %get3A_397 = arith.index_cast %add3A_212 : i32 to index
        %get3A_398 = arith.constant 208 : index
        %get3A_399 = tpu.vector_load %arg12[%get3A_397, %get3A_398] {strides = array<i32>} : memref<32x256xf32, #tpu.memory_space<vmem>>, vector<1x16xf32>,
        %get3A_400 = vector.shape_cast %get3A_399 : vector<1x16xf32> to vector<16xf32>
        %add3A_401 = arith.addf %get3A_396, %get3A_400 : vector<16xf32>
        %swap3A_402 = arith.index_cast %add3A_212 : i32 to index
        %swap3A_403 = arith.constant 208 : index
        %swap3A_404 = tpu.vector_load %arg16[%swap3A_402, %swap3A_403] {strides = array<i32>} : memref<32x256xf32, #tpu.memory_space<vmem>>, vector<1x16xf32>,
        %swap3A_405 = vector.shape_cast %swap3A_404 : vector<1x16xf32> to vector<16xf32>
        %swap3A_406 = vector.shape_cast %add3A_401 : vector<16xf32> to vector<1x16xf32>
        tpu.vector_store %arg16[%swap3A_402, %swap3A_403], %swap3A_406 {strides = array<i32>} : memref<32x256xf32, #tpu.memory_space<vmem>>, vector<1x16xf32>,
        %get3A_407 = arith.index_cast %add3A_212 : i32 to index
        %get3A_408 = arith.constant 224 : index
        %get3A_409 = tpu.vector_load %arg16[%get3A_407, %get3A_408] {strides = array<i32>} : memref<32x256xf32, #tpu.memory_space<vmem>>, vector<1x16xf32>,
        %get3A_410 = vector.shape_cast %get3A_409 : vector<1x16xf32> to vector<16xf32>
        %get3A_411 = arith.index_cast %add3A_212 : i32 to index
        %get3A_412 = arith.constant 224 : index
        %get3A_413 = tpu.vector_load %arg12[%get3A_411, %get3A_412] {strides = array<i32>} : memref<32x256xf32, #tpu.memory_space<vmem>>, vector<1x16xf32>,
        %get3A_414 = vector.shape_cast %get3A_413 : vector<1x16xf32> to vector<16xf32>
        %add3A_415 = arith.addf %get3A_410, %get3A_414 : vector<16xf32>
        %swap3A_416 = arith.index_cast %add3A_212 : i32 to index
        %swap3A_417 = arith.constant 224 : index
        %swap3A_418 = tpu.vector_load %arg16[%swap3A_416, %swap3A_417] {strides = array<i32>} : memref<32x256xf32, #tpu.memory_space<vmem>>, vector<1x16xf32>,
        %swap3A_419 = vector.shape_cast %swap3A_418 : vector<1x16xf32> to vector<16xf32>
        %swap3A_420 = vector.shape_cast %add3A_415 : vector<16xf32> to vector<1x16xf32>
        tpu.vector_store %arg16[%swap3A_416, %swap3A_417], %swap3A_420 {strides = array<i32>} : memref<32x256xf32, #tpu.memory_space<vmem>>, vector<1x16xf32>,
        %get3A_421 = arith.index_cast %add3A_212 : i32 to index
        %get3A_422 = arith.constant 240 : index
        %get3A_423 = tpu.vector_load %arg16[%get3A_421, %get3A_422] {strides = array<i32>} : memref<32x256xf32, #tpu.memory_space<vmem>>, vector<1x16xf32>,
        %get3A_424 = vector.shape_cast %get3A_423 : vector<1x16xf32> to vector<16xf32>
        %get3A_425 = arith.index_cast %add3A_212 : i32 to index
        %get3A_426 = arith.constant 240 : index
        %get3A_427 = tpu.vector_load %arg12[%get3A_425, %get3A_426] {strides = array<i32>} : memref<32x256xf32, #tpu.memory_space<vmem>>, vector<1x16xf32>,
        %get3A_428 = vector.shape_cast %get3A_427 : vector<1x16xf32> to vector<16xf32>
        %add3A_429 = arith.addf %get3A_424, %get3A_428 : vector<16xf32>
        %swap3A_430 = arith.index_cast %add3A_212 : i32 to index
        %swap3A_431 = arith.constant 240 : index
        %swap3A_432 = tpu.vector_load %arg16[%swap3A_430, %swap3A_431] {strides = array<i32>} : memref<32x256xf32, #tpu.memory_space<vmem>>, vector<1x16xf32>,
        %swap3A_433 = vector.shape_cast %swap3A_432 : vector<1x16xf32> to vector<16xf32>
        %swap3A_434 = vector.shape_cast %add3A_429 : vector<16xf32> to vector<1x16xf32>
        tpu.vector_store %arg16[%swap3A_430, %swap3A_431], %swap3A_434 {strides = array<i32>} : memref<32x256xf32, #tpu.memory_space<vmem>>, vector<1x16xf32>,
        %mul3A_435 = arith.constant 2 : i32
        %mul3A_436 = arith.muli %scan3A_208, %mul3A_435 : i32
        %add3A_437 = arith.constant 1 : i32
        %add3A_438 = arith.addi %mul3A_436, %add3A_437 : i32
        %get3A_439 = arith.index_cast %add3A_438 : i32 to index
        %get3A_440 = arith.constant 0 : index
        %get3A_441 = tpu.vector_load %arg16[%get3A_439, %get3A_440] {strides = array<i32>} : memref<32x256xf32, #tpu.memory_space<vmem>>, vector<1x16xf32>,
        %get3A_442 = vector.shape_cast %get3A_441 : vector<1x16xf32> to vector<16xf32>
        %get3A_443 = arith.index_cast %add3A_438 : i32 to index
        %get3A_444 = arith.constant 0 : index
        %get3A_445 = tpu.vector_load %arg12[%get3A_443, %get3A_444] {strides = array<i32>} : memref<32x256xf32, #tpu.memory_space<vmem>>, vector<1x16xf32>,
        %get3A_446 = vector.shape_cast %get3A_445 : vector<1x16xf32> to vector<16xf32>
        %add3A_447 = arith.addf %get3A_442, %get3A_446 : vector<16xf32>
        %swap3A_448 = arith.index_cast %add3A_438 : i32 to index
        %swap3A_449 = arith.constant 0 : index
        %swap3A_450 = tpu.vector_load %arg16[%swap3A_448, %swap3A_449] {strides = array<i32>} : memref<32x256xf32, #tpu.memory_space<vmem>>, vector<1x16xf32>,
        %swap3A_451 = vector.shape_cast %swap3A_450 : vector<1x16xf32> to vector<16xf32>
        %swap3A_452 = vector.shape_cast %add3A_447 : vector<16xf32> to vector<1x16xf32>
        tpu.vector_store %arg16[%swap3A_448, %swap3A_449], %swap3A_452 {strides = array<i32>} : memref<32x256xf32, #tpu.memory_space<vmem>>, vector<1x16xf32>,
        %get3A_453 = arith.index_cast %add3A_438 : i32 to index
        %get3A_454 = arith.constant 16 : index
        %get3A_455 = tpu.vector_load %arg16[%get3A_453, %get3A_454] {strides = array<i32>} : memref<32x256xf32, #tpu.memory_space<vmem>>, vector<1x16xf32>,
        %get3A_456 = vector.shape_cast %get3A_455 : vector<1x16xf32> to vector<16xf32>
        %get3A_457 = arith.index_cast %add3A_438 : i32 to index
        %get3A_458 = arith.constant 16 : index
        %get3A_459 = tpu.vector_load %arg12[%get3A_457, %get3A_458] {strides = array<i32>} : memref<32x256xf32, #tpu.memory_space<vmem>>, vector<1x16xf32>,
        %get3A_460 = vector.shape_cast %get3A_459 : vector<1x16xf32> to vector<16xf32>
        %add3A_461 = arith.addf %get3A_456, %get3A_460 : vector<16xf32>
        %swap3A_462 = arith.index_cast %add3A_438 : i32 to index
        %swap3A_463 = arith.constant 16 : index
        %swap3A_464 = tpu.vector_load %arg16[%swap3A_462, %swap3A_463] {strides = array<i32>} : memref<32x256xf32, #tpu.memory_space<vmem>>, vector<1x16xf32>,
        %swap3A_465 = vector.shape_cast %swap3A_464 : vector<1x16xf32> to vector<16xf32>
        %swap3A_466 = vector.shape_cast %add3A_461 : vector<16xf32> to vector<1x16xf32>
        tpu.vector_store %arg16[%swap3A_462, %swap3A_463], %swap3A_466 {strides = array<i32>} : memref<32x256xf32, #tpu.memory_space<vmem>>, vector<1x16xf32>,
        %get3A_467 = arith.index_cast %add3A_438 : i32 to index
        %get3A_468 = arith.constant 32 : index
        %get3A_469 = tpu.vector_load %arg16[%get3A_467, %get3A_468] {strides = array<i32>} : memref<32x256xf32, #tpu.memory_space<vmem>>, vector<1x16xf32>,
        %get3A_470 = vector.shape_cast %get3A_469 : vector<1x16xf32> to vector<16xf32>
        %get3A_471 = arith.index_cast %add3A_438 : i32 to index
        %get3A_472 = arith.constant 32 : index
        %get3A_473 = tpu.vector_load %arg12[%get3A_471, %get3A_472] {strides = array<i32>} : memref<32x256xf32, #tpu.memory_space<vmem>>, vector<1x16xf32>,
        %get3A_474 = vector.shape_cast %get3A_473 : vector<1x16xf32> to vector<16xf32>
        %add3A_475 = arith.addf %get3A_470, %get3A_474 : vector<16xf32>
        %swap3A_476 = arith.index_cast %add3A_438 : i32 to index
        %swap3A_477 = arith.constant 32 : index
        %swap3A_478 = tpu.vector_load %arg16[%swap3A_476, %swap3A_477] {strides = array<i32>} : memref<32x256xf32, #tpu.memory_space<vmem>>, vector<1x16xf32>,
        %swap3A_479 = vector.shape_cast %swap3A_478 : vector<1x16xf32> to vector<16xf32>
        %swap3A_480 = vector.shape_cast %add3A_475 : vector<16xf32> to vector<1x16xf32>
        tpu.vector_store %arg16[%swap3A_476, %swap3A_477], %swap3A_480 {strides = array<i32>} : memref<32x256xf32, #tpu.memory_space<vmem>>, vector<1x16xf32>,
        %get3A_481 = arith.index_cast %add3A_438 : i32 to index
        %get3A_482 = arith.constant 48 : index
        %get3A_483 = tpu.vector_load %arg16[%get3A_481, %get3A_482] {strides = array<i32>} : memref<32x256xf32, #tpu.memory_space<vmem>>, vector<1x16xf32>,
        %get3A_484 = vector.shape_cast %get3A_483 : vector<1x16xf32> to vector<16xf32>
        %get3A_485 = arith.index_cast %add3A_438 : i32 to index
        %get3A_486 = arith.constant 48 : index
        %get3A_487 = tpu.vector_load %arg12[%get3A_485, %get3A_486] {strides = array<i32>} : memref<32x256xf32, #tpu.memory_space<vmem>>, vector<1x16xf32>,
        %get3A_488 = vector.shape_cast %get3A_487 : vector<1x16xf32> to vector<16xf32>
        %add3A_489 = arith.addf %get3A_484, %get3A_488 : vector<16xf32>
        %swap3A_490 = arith.index_cast %add3A_438 : i32 to index
        %swap3A_491 = arith.constant 48 : index
        %swap3A_492 = tpu.vector_load %arg16[%swap3A_490, %swap3A_491] {strides = array<i32>} : memref<32x256xf32, #tpu.memory_space<vmem>>, vector<1x16xf32>,
        %swap3A_493 = vector.shape_cast %swap3A_492 : vector<1x16xf32> to vector<16xf32>
        %swap3A_494 = vector.shape_cast %add3A_489 : vector<16xf32> to vector<1x16xf32>
        tpu.vector_store %arg16[%swap3A_490, %swap3A_491], %swap3A_494 {strides = array<i32>} : memref<32x256xf32, #tpu.memory_space<vmem>>, vector<1x16xf32>,
        %get3A_495 = arith.index_cast %add3A_438 : i32 to index
        %get3A_496 = arith.constant 64 : index
        %get3A_497 = tpu.vector_load %arg16[%get3A_495, %get3A_496] {strides = array<i32>} : memref<32x256xf32, #tpu.memory_space<vmem>>, vector<1x16xf32>,
        %get3A_498 = vector.shape_cast %get3A_497 : vector<1x16xf32> to vector<16xf32>
        %get3A_499 = arith.index_cast %add3A_438 : i32 to index
        %get3A_500 = arith.constant 64 : index
        %get3A_501 = tpu.vector_load %arg12[%get3A_499, %get3A_500] {strides = array<i32>} : memref<32x256xf32, #tpu.memory_space<vmem>>, vector<1x16xf32>,
        %get3A_502 = vector.shape_cast %get3A_501 : vector<1x16xf32> to vector<16xf32>
        %add3A_503 = arith.addf %get3A_498, %get3A_502 : vector<16xf32>
        %swap3A_504 = arith.index_cast %add3A_438 : i32 to index
        %swap3A_505 = arith.constant 64 : index
        %swap3A_506 = tpu.vector_load %arg16[%swap3A_504, %swap3A_505] {strides = array<i32>} : memref<32x256xf32, #tpu.memory_space<vmem>>, vector<1x16xf32>,
        %swap3A_507 = vector.shape_cast %swap3A_506 : vector<1x16xf32> to vector<16xf32>
        %swap3A_508 = vector.shape_cast %add3A_503 : vector<16xf32> to vector<1x16xf32>
        tpu.vector_store %arg16[%swap3A_504, %swap3A_505], %swap3A_508 {strides = array<i32>} : memref<32x256xf32, #tpu.memory_space<vmem>>, vector<1x16xf32>,
        %get3A_509 = arith.index_cast %add3A_438 : i32 to index
        %get3A_510 = arith.constant 80 : index
        %get3A_511 = tpu.vector_load %arg16[%get3A_509, %get3A_510] {strides = array<i32>} : memref<32x256xf32, #tpu.memory_space<vmem>>, vector<1x16xf32>,
        %get3A_512 = vector.shape_cast %get3A_511 : vector<1x16xf32> to vector<16xf32>
        %get3A_513 = arith.index_cast %add3A_438 : i32 to index
        %get3A_514 = arith.constant 80 : index
        %get3A_515 = tpu.vector_load %arg12[%get3A_513, %get3A_514] {strides = array<i32>} : memref<32x256xf32, #tpu.memory_space<vmem>>, vector<1x16xf32>,
        %get3A_516 = vector.shape_cast %get3A_515 : vector<1x16xf32> to vector<16xf32>
        %add3A_517 = arith.addf %get3A_512, %get3A_516 : vector<16xf32>
        %swap3A_518 = arith.index_cast %add3A_438 : i32 to index
        %swap3A_519 = arith.constant 80 : index
        %swap3A_520 = tpu.vector_load %arg16[%swap3A_518, %swap3A_519] {strides = array<i32>} : memref<32x256xf32, #tpu.memory_space<vmem>>, vector<1x16xf32>,
        %swap3A_521 = vector.shape_cast %swap3A_520 : vector<1x16xf32> to vector<16xf32>
        %swap3A_522 = vector.shape_cast %add3A_517 : vector<16xf32> to vector<1x16xf32>
        tpu.vector_store %arg16[%swap3A_518, %swap3A_519], %swap3A_522 {strides = array<i32>} : memref<32x256xf32, #tpu.memory_space<vmem>>, vector<1x16xf32>,
        %get3A_523 = arith.index_cast %add3A_438 : i32 to index
        %get3A_524 = arith.constant 96 : index
        %get3A_525 = tpu.vector_load %arg16[%get3A_523, %get3A_524] {strides = array<i32>} : memref<32x256xf32, #tpu.memory_space<vmem>>, vector<1x16xf32>,
        %get3A_526 = vector.shape_cast %get3A_525 : vector<1x16xf32> to vector<16xf32>
        %get3A_527 = arith.index_cast %add3A_438 : i32 to index
        %get3A_528 = arith.constant 96 : index
        %get3A_529 = tpu.vector_load %arg12[%get3A_527, %get3A_528] {strides = array<i32>} : memref<32x256xf32, #tpu.memory_space<vmem>>, vector<1x16xf32>,
        %get3A_530 = vector.shape_cast %get3A_529 : vector<1x16xf32> to vector<16xf32>
        %add3A_531 = arith.addf %get3A_526, %get3A_530 : vector<16xf32>
        %swap3A_532 = arith.index_cast %add3A_438 : i32 to index
        %swap3A_533 = arith.constant 96 : index
        %swap3A_534 = tpu.vector_load %arg16[%swap3A_532, %swap3A_533] {strides = array<i32>} : memref<32x256xf32, #tpu.memory_space<vmem>>, vector<1x16xf32>,
        %swap3A_535 = vector.shape_cast %swap3A_534 : vector<1x16xf32> to vector<16xf32>
        %swap3A_536 = vector.shape_cast %add3A_531 : vector<16xf32> to vector<1x16xf32>
        tpu.vector_store %arg16[%swap3A_532, %swap3A_533], %swap3A_536 {strides = array<i32>} : memref<32x256xf32, #tpu.memory_space<vmem>>, vector<1x16xf32>,
        %get3A_537 = arith.index_cast %add3A_438 : i32 to index
        %get3A_538 = arith.constant 112 : index
        %get3A_539 = tpu.vector_load %arg16[%get3A_537, %get3A_538] {strides = array<i32>} : memref<32x256xf32, #tpu.memory_space<vmem>>, vector<1x16xf32>,
        %get3A_540 = vector.shape_cast %get3A_539 : vector<1x16xf32> to vector<16xf32>
        %get3A_541 = arith.index_cast %add3A_438 : i32 to index
        %get3A_542 = arith.constant 112 : index
        %get3A_543 = tpu.vector_load %arg12[%get3A_541, %get3A_542] {strides = array<i32>} : memref<32x256xf32, #tpu.memory_space<vmem>>, vector<1x16xf32>,
        %get3A_544 = vector.shape_cast %get3A_543 : vector<1x16xf32> to vector<16xf32>
        %add3A_545 = arith.addf %get3A_540, %get3A_544 : vector<16xf32>
        %swap3A_546 = arith.index_cast %add3A_438 : i32 to index
        %swap3A_547 = arith.constant 112 : index
        %swap3A_548 = tpu.vector_load %arg16[%swap3A_546, %swap3A_547] {strides = array<i32>} : memref<32x256xf32, #tpu.memory_space<vmem>>, vector<1x16xf32>,
        %swap3A_549 = vector.shape_cast %swap3A_548 : vector<1x16xf32> to vector<16xf32>
        %swap3A_550 = vector.shape_cast %add3A_545 : vector<16xf32> to vector<1x16xf32>
        tpu.vector_store %arg16[%swap3A_546, %swap3A_547], %swap3A_550 {strides = array<i32>} : memref<32x256xf32, #tpu.memory_space<vmem>>, vector<1x16xf32>,
        %get3A_551 = arith.index_cast %add3A_438 : i32 to index
        %get3A_552 = arith.constant 128 : index
        %get3A_553 = tpu.vector_load %arg16[%get3A_551, %get3A_552] {strides = array<i32>} : memref<32x256xf32, #tpu.memory_space<vmem>>, vector<1x16xf32>,
        %get3A_554 = vector.shape_cast %get3A_553 : vector<1x16xf32> to vector<16xf32>
        %get3A_555 = arith.index_cast %add3A_438 : i32 to index
        %get3A_556 = arith.constant 128 : index
        %get3A_557 = tpu.vector_load %arg12[%get3A_555, %get3A_556] {strides = array<i32>} : memref<32x256xf32, #tpu.memory_space<vmem>>, vector<1x16xf32>,
        %get3A_558 = vector.shape_cast %get3A_557 : vector<1x16xf32> to vector<16xf32>
        %add3A_559 = arith.addf %get3A_554, %get3A_558 : vector<16xf32>
        %swap3A_560 = arith.index_cast %add3A_438 : i32 to index
        %swap3A_561 = arith.constant 128 : index
        %swap3A_562 = tpu.vector_load %arg16[%swap3A_560, %swap3A_561] {strides = array<i32>} : memref<32x256xf32, #tpu.memory_space<vmem>>, vector<1x16xf32>,
        %swap3A_563 = vector.shape_cast %swap3A_562 : vector<1x16xf32> to vector<16xf32>
        %swap3A_564 = vector.shape_cast %add3A_559 : vector<16xf32> to vector<1x16xf32>
        tpu.vector_store %arg16[%swap3A_560, %swap3A_561], %swap3A_564 {strides = array<i32>} : memref<32x256xf32, #tpu.memory_space<vmem>>, vector<1x16xf32>,
        %get3A_565 = arith.index_cast %add3A_438 : i32 to index
        %get3A_566 = arith.constant 144 : index
        %get3A_567 = tpu.vector_load %arg16[%get3A_565, %get3A_566] {strides = array<i32>} : memref<32x256xf32, #tpu.memory_space<vmem>>, vector<1x16xf32>,
        %get3A_568 = vector.shape_cast %get3A_567 : vector<1x16xf32> to vector<16xf32>
        %get3A_569 = arith.index_cast %add3A_438 : i32 to index
        %get3A_570 = arith.constant 144 : index
        %get3A_571 = tpu.vector_load %arg12[%get3A_569, %get3A_570] {strides = array<i32>} : memref<32x256xf32, #tpu.memory_space<vmem>>, vector<1x16xf32>,
        %get3A_572 = vector.shape_cast %get3A_571 : vector<1x16xf32> to vector<16xf32>
        %add3A_573 = arith.addf %get3A_568, %get3A_572 : vector<16xf32>
        %swap3A_574 = arith.index_cast %add3A_438 : i32 to index
        %swap3A_575 = arith.constant 144 : index
        %swap3A_576 = tpu.vector_load %arg16[%swap3A_574, %swap3A_575] {strides = array<i32>} : memref<32x256xf32, #tpu.memory_space<vmem>>, vector<1x16xf32>,
        %swap3A_577 = vector.shape_cast %swap3A_576 : vector<1x16xf32> to vector<16xf32>
        %swap3A_578 = vector.shape_cast %add3A_573 : vector<16xf32> to vector<1x16xf32>
        tpu.vector_store %arg16[%swap3A_574, %swap3A_575], %swap3A_578 {strides = array<i32>} : memref<32x256xf32, #tpu.memory_space<vmem>>, vector<1x16xf32>,
        %get3A_579 = arith.index_cast %add3A_438 : i32 to index
        %get3A_580 = arith.constant 160 : index
        %get3A_581 = tpu.vector_load %arg16[%get3A_579, %get3A_580] {strides = array<i32>} : memref<32x256xf32, #tpu.memory_space<vmem>>, vector<1x16xf32>,
        %get3A_582 = vector.shape_cast %get3A_581 : vector<1x16xf32> to vector<16xf32>
        %get3A_583 = arith.index_cast %add3A_438 : i32 to index
        %get3A_584 = arith.constant 160 : index
        %get3A_585 = tpu.vector_load %arg12[%get3A_583, %get3A_584] {strides = array<i32>} : memref<32x256xf32, #tpu.memory_space<vmem>>, vector<1x16xf32>,
        %get3A_586 = vector.shape_cast %get3A_585 : vector<1x16xf32> to vector<16xf32>
        %add3A_587 = arith.addf %get3A_582, %get3A_586 : vector<16xf32>
        %swap3A_588 = arith.index_cast %add3A_438 : i32 to index
        %swap3A_589 = arith.constant 160 : index
        %swap3A_590 = tpu.vector_load %arg16[%swap3A_588, %swap3A_589] {strides = array<i32>} : memref<32x256xf32, #tpu.memory_space<vmem>>, vector<1x16xf32>,
        %swap3A_591 = vector.shape_cast %swap3A_590 : vector<1x16xf32> to vector<16xf32>
        %swap3A_592 = vector.shape_cast %add3A_587 : vector<16xf32> to vector<1x16xf32>
        tpu.vector_store %arg16[%swap3A_588, %swap3A_589], %swap3A_592 {strides = array<i32>} : memref<32x256xf32, #tpu.memory_space<vmem>>, vector<1x16xf32>,
        %get3A_593 = arith.index_cast %add3A_438 : i32 to index
        %get3A_594 = arith.constant 176 : index
        %get3A_595 = tpu.vector_load %arg16[%get3A_593, %get3A_594] {strides = array<i32>} : memref<32x256xf32, #tpu.memory_space<vmem>>, vector<1x16xf32>,
        %get3A_596 = vector.shape_cast %get3A_595 : vector<1x16xf32> to vector<16xf32>
        %get3A_597 = arith.index_cast %add3A_438 : i32 to index
        %get3A_598 = arith.constant 176 : index
        %get3A_599 = tpu.vector_load %arg12[%get3A_597, %get3A_598] {strides = array<i32>} : memref<32x256xf32, #tpu.memory_space<vmem>>, vector<1x16xf32>,
        %get3A_600 = vector.shape_cast %get3A_599 : vector<1x16xf32> to vector<16xf32>
        %add3A_601 = arith.addf %get3A_596, %get3A_600 : vector<16xf32>
        %swap3A_602 = arith.index_cast %add3A_438 : i32 to index
        %swap3A_603 = arith.constant 176 : index
        %swap3A_604 = tpu.vector_load %arg16[%swap3A_602, %swap3A_603] {strides = array<i32>} : memref<32x256xf32, #tpu.memory_space<vmem>>, vector<1x16xf32>,
        %swap3A_605 = vector.shape_cast %swap3A_604 : vector<1x16xf32> to vector<16xf32>
        %swap3A_606 = vector.shape_cast %add3A_601 : vector<16xf32> to vector<1x16xf32>
        tpu.vector_store %arg16[%swap3A_602, %swap3A_603], %swap3A_606 {strides = array<i32>} : memref<32x256xf32, #tpu.memory_space<vmem>>, vector<1x16xf32>,
        %get3A_607 = arith.index_cast %add3A_438 : i32 to index
        %get3A_608 = arith.constant 192 : index
        %get3A_609 = tpu.vector_load %arg16[%get3A_607, %get3A_608] {strides = array<i32>} : memref<32x256xf32, #tpu.memory_space<vmem>>, vector<1x16xf32>,
        %get3A_610 = vector.shape_cast %get3A_609 : vector<1x16xf32> to vector<16xf32>
        %get3A_611 = arith.index_cast %add3A_438 : i32 to index
        %get3A_612 = arith.constant 192 : index
        %get3A_613 = tpu.vector_load %arg12[%get3A_611, %get3A_612] {strides = array<i32>} : memref<32x256xf32, #tpu.memory_space<vmem>>, vector<1x16xf32>,
        %get3A_614 = vector.shape_cast %get3A_613 : vector<1x16xf32> to vector<16xf32>
        %add3A_615 = arith.addf %get3A_610, %get3A_614 : vector<16xf32>
        %swap3A_616 = arith.index_cast %add3A_438 : i32 to index
        %swap3A_617 = arith.constant 192 : index
        %swap3A_618 = tpu.vector_load %arg16[%swap3A_616, %swap3A_617] {strides = array<i32>} : memref<32x256xf32, #tpu.memory_space<vmem>>, vector<1x16xf32>,
        %swap3A_619 = vector.shape_cast %swap3A_618 : vector<1x16xf32> to vector<16xf32>
        %swap3A_620 = vector.shape_cast %add3A_615 : vector<16xf32> to vector<1x16xf32>
        tpu.vector_store %arg16[%swap3A_616, %swap3A_617], %swap3A_620 {strides = array<i32>} : memref<32x256xf32, #tpu.memory_space<vmem>>, vector<1x16xf32>,
        %get3A_621 = arith.index_cast %add3A_438 : i32 to index
        %get3A_622 = arith.constant 208 : index
        %get3A_623 = tpu.vector_load %arg16[%get3A_621, %get3A_622] {strides = array<i32>} : memref<32x256xf32, #tpu.memory_space<vmem>>, vector<1x16xf32>,
        %get3A_624 = vector.shape_cast %get3A_623 : vector<1x16xf32> to vector<16xf32>
        %get3A_625 = arith.index_cast %add3A_438 : i32 to index
        %get3A_626 = arith.constant 208 : index
        %get3A_627 = tpu.vector_load %arg12[%get3A_625, %get3A_626] {strides = array<i32>} : memref<32x256xf32, #tpu.memory_space<vmem>>, vector<1x16xf32>,
        %get3A_628 = vector.shape_cast %get3A_627 : vector<1x16xf32> to vector<16xf32>
        %add3A_629 = arith.addf %get3A_624, %get3A_628 : vector<16xf32>
        %swap3A_630 = arith.index_cast %add3A_438 : i32 to index
        %swap3A_631 = arith.constant 208 : index
        %swap3A_632 = tpu.vector_load %arg16[%swap3A_630, %swap3A_631] {strides = array<i32>} : memref<32x256xf32, #tpu.memory_space<vmem>>, vector<1x16xf32>,
        %swap3A_633 = vector.shape_cast %swap3A_632 : vector<1x16xf32> to vector<16xf32>
        %swap3A_634 = vector.shape_cast %add3A_629 : vector<16xf32> to vector<1x16xf32>
        tpu.vector_store %arg16[%swap3A_630, %swap3A_631], %swap3A_634 {strides = array<i32>} : memref<32x256xf32, #tpu.memory_space<vmem>>, vector<1x16xf32>,
        %get3A_635 = arith.index_cast %add3A_438 : i32 to index
        %get3A_636 = arith.constant 224 : index
        %get3A_637 = tpu.vector_load %arg16[%get3A_635, %get3A_636] {strides = array<i32>} : memref<32x256xf32, #tpu.memory_space<vmem>>, vector<1x16xf32>,
        %get3A_638 = vector.shape_cast %get3A_637 : vector<1x16xf32> to vector<16xf32>
        %get3A_639 = arith.index_cast %add3A_438 : i32 to index
        %get3A_640 = arith.constant 224 : index
        %get3A_641 = tpu.vector_load %arg12[%get3A_639, %get3A_640] {strides = array<i32>} : memref<32x256xf32, #tpu.memory_space<vmem>>, vector<1x16xf32>,
        %get3A_642 = vector.shape_cast %get3A_641 : vector<1x16xf32> to vector<16xf32>
        %add3A_643 = arith.addf %get3A_638, %get3A_642 : vector<16xf32>
        %swap3A_644 = arith.index_cast %add3A_438 : i32 to index
        %swap3A_645 = arith.constant 224 : index
        %swap3A_646 = tpu.vector_load %arg16[%swap3A_644, %swap3A_645] {strides = array<i32>} : memref<32x256xf32, #tpu.memory_space<vmem>>, vector<1x16xf32>,
        %swap3A_647 = vector.shape_cast %swap3A_646 : vector<1x16xf32> to vector<16xf32>
        %swap3A_648 = vector.shape_cast %add3A_643 : vector<16xf32> to vector<1x16xf32>
        tpu.vector_store %arg16[%swap3A_644, %swap3A_645], %swap3A_648 {strides = array<i32>} : memref<32x256xf32, #tpu.memory_space<vmem>>, vector<1x16xf32>,
        %get3A_649 = arith.index_cast %add3A_438 : i32 to index
        %get3A_650 = arith.constant 240 : index
        %get3A_651 = tpu.vector_load %arg16[%get3A_649, %get3A_650] {strides = array<i32>} : memref<32x256xf32, #tpu.memory_space<vmem>>, vector<1x16xf32>,
        %get3A_652 = vector.shape_cast %get3A_651 : vector<1x16xf32> to vector<16xf32>
        %get3A_653 = arith.index_cast %add3A_438 : i32 to index
        %get3A_654 = arith.constant 240 : index
        %get3A_655 = tpu.vector_load %arg12[%get3A_653, %get3A_654] {strides = array<i32>} : memref<32x256xf32, #tpu.memory_space<vmem>>, vector<1x16xf32>,
        %get3A_656 = vector.shape_cast %get3A_655 : vector<1x16xf32> to vector<16xf32>
        %add3A_657 = arith.addf %get3A_652, %get3A_656 : vector<16xf32>
        %swap3A_658 = arith.index_cast %add3A_438 : i32 to index
        %swap3A_659 = arith.constant 240 : index
        %swap3A_660 = tpu.vector_load %arg16[%swap3A_658, %swap3A_659] {strides = array<i32>} : memref<32x256xf32, #tpu.memory_space<vmem>>, vector<1x16xf32>,
        %swap3A_661 = vector.shape_cast %swap3A_660 : vector<1x16xf32> to vector<16xf32>
        %swap3A_662 = vector.shape_cast %add3A_657 : vector<16xf32> to vector<1x16xf32>
        tpu.vector_store %arg16[%swap3A_658, %swap3A_659], %swap3A_662 {strides = array<i32>} : memref<32x256xf32, #tpu.memory_space<vmem>>, vector<1x16xf32>,
      }
      %scan3A_164 = arith.constant 16 : i32
      %mul3A_165 = arith.constant 32 : i32
      %mul3A_166 = arith.muli %add3A_139, %mul3A_165 : i32
      %add3A_167 = arith.addi %mul3A_2, %mul3A_166 : i32
      %dma_start3A_168 = arith.constant 0 : i32
      %dma_start3A_169 = tpu.memref_slice %arg6[%add3A_167, %dma_start3A_168] : memref<65536x256xf32, #tpu.memory_space<hbm>> -> memref<32x256xf32, #tpu.memory_space<hbm>>
      %dma_start3A_170 = arith.constant 0 : i32
      %dma_start3A_171 = tpu.memref_slice %arg6[%add3A_167, %dma_start3A_170] : memref<65536x256xf32, #tpu.memory_space<hbm>> -> memref<32x256xf32, #tpu.memory_space<hbm>>
      tpu.enqueue_dma source(%arg16 : memref<32x256xf32, #tpu.memory_space<vmem>>) target(%dma_start3A_171 : memref<32x256xf32, #tpu.memory_space<hbm>>) target_semaphore(%arg28 : memref<!tpu.dma_semaphore, #tpu.memory_space<semaphore_mem>>)
      %mul3A_172 = arith.constant 4 : i32
      %mul3A_173 = arith.muli %scan3A_67, %mul3A_172 : i32
      %add3A_174 = arith.constant 3 : i32
      %add3A_175 = arith.addi %mul3A_173, %add3A_174 : i32
      %add3A_176 = arith.constant 4 : i32
      %add3A_177 = arith.addi %add3A_175, %add3A_176 : i32
      %sub3A_178 = arith.constant 1 : i32
      %sub3A_179 = arith.subi %add3A_177, %sub3A_178 : i32
      %lt3A_180 = arith.constant 64 : i32
      %lt3A_181 = arith.cmpi slt, %sub3A_179, %lt3A_180 : i32
      %convert_element_type3A_182 = arith.extui %lt3A_181 : i1 to i32
      %cond3A_183 = arith.constant 0 : i32
      %cond3A_184 = arith.cmpi ne, %convert_element_type3A_182, %cond3A_183 : i32
      scf.if %cond3A_184 {
        %ge3A = arith.constant 1 : i32
        %ge3A_208 = arith.cmpi sge, %add3A_175, %ge3A : i32
        %convert_element_type3A_209 = arith.extui %ge3A_208 : i1 to i32
        %cond3A_210 = arith.constant 0 : i32
        %cond3A_211 = arith.cmpi ne, %convert_element_type3A_209, %cond3A_210 : i32
        scf.if %cond3A_211 {
          %dma_wait3A_229 = arith.constant 0 : i32
          %dma_wait3A_230 = tpu.memref_slice %arg6[%mul3A_2, %dma_wait3A_229] : memref<65536x256xf32, #tpu.memory_space<hbm>> -> memref<32x256xf32, #tpu.memory_space<hbm>>
          %dma_wait3A_231 = arith.constant 0 : i32
          %dma_wait3A_232 = tpu.memref_slice %arg6[%mul3A_2, %dma_wait3A_231] : memref<65536x256xf32, #tpu.memory_space<hbm>> -> memref<32x256xf32, #tpu.memory_space<hbm>>
          tpu.wait_dma2 semaphore(%arg28 : memref<!tpu.dma_semaphore, #tpu.memory_space<semaphore_mem>>) src(%arg16 : memref<32x256xf32, #tpu.memory_space<vmem>>) dst(%dma_wait3A_232 : memref<32x256xf32, #tpu.memory_space<hbm>>)
        } else {
        }
        %add3A_212 = arith.constant 4 : i32
        %add3A_213 = arith.addi %add3A_175, %add3A_212 : i32
        %sub3A_214 = arith.constant 1 : i32
        %sub3A_215 = arith.subi %add3A_213, %sub3A_214 : i32
        %mul3A_216 = arith.constant 32 : i32
        %mul3A_217 = arith.muli %sub3A_215, %mul3A_216 : i32
        %add3A_218 = arith.addi %mul3A_2, %mul3A_217 : i32
        %dma_start3A_219 = arith.constant 0 : i32
        %dma_start3A_220 = tpu.memref_slice %arg2[%add3A_218, %dma_start3A_219] : memref<65536x256xf32, #tpu.memory_space<hbm>> -> memref<32x256xf32, #tpu.memory_space<hbm>>
        %dma_start3A_221 = arith.constant 0 : i32
        %dma_start3A_222 = tpu.memref_slice %arg2[%add3A_218, %dma_start3A_221] : memref<65536x256xf32, #tpu.memory_space<hbm>> -> memref<32x256xf32, #tpu.memory_space<hbm>>
        tpu.enqueue_dma source(%dma_start3A_222 : memref<32x256xf32, #tpu.memory_space<hbm>>) target(%arg12 : memref<32x256xf32, #tpu.memory_space<vmem>>) target_semaphore(%arg20 : memref<!tpu.dma_semaphore, #tpu.memory_space<semaphore_mem>>)
        %dma_start3A_223 = arith.constant 0 : i32
        %dma_start3A_224 = tpu.memref_slice %arg9[%sub3A_215, %dma_start3A_223] : memref<64x32xi32, #tpu.memory_space<vmem>> -> memref<1x32xi32, #tpu.memory_space<vmem>>
        %dma_start3A_225 = tpu.memref_squeeze %dma_start3A_224 : memref<1x32xi32, #tpu.memory_space<vmem>> -> memref<32xi32, #tpu.memory_space<vmem>>
        %dma_start3A_226 = arith.constant 0 : i32
        %dma_start3A_227 = arith.constant 0 : i32
        %dma_start3A_228 = tpu.memref_slice %arg5[%dma_start3A_226, %dma_start3A_227] : memref<10000x256xf32, #tpu.memory_space<hbm>> -> memref<10000x256xf32, #tpu.memory_space<hbm>>
        tpu.enqueue_indirect_dma source(%dma_start3A_228 : memref<10000x256xf32, #tpu.memory_space<hbm>>) target(%arg16 : memref<32x256xf32, #tpu.memory_space<vmem>>) offsets(%dma_start3A_225 : memref<32xi32, #tpu.memory_space<vmem>>) semaphore(%arg24 : memref<!tpu.dma_semaphore, #tpu.memory_space<semaphore_mem>>)
      } else {
      }
      %dma_wait3A_185 = arith.constant 0 : i32
      %dma_wait3A_186 = tpu.memref_slice %arg2[%mul3A_2, %dma_wait3A_185] : memref<65536x256xf32, #tpu.memory_space<hbm>> -> memref<32x256xf32, #tpu.memory_space<hbm>>
      %dma_wait3A_187 = arith.constant 0 : i32
      %dma_wait3A_188 = tpu.memref_slice %arg2[%mul3A_2, %dma_wait3A_187] : memref<65536x256xf32, #tpu.memory_space<hbm>> -> memref<32x256xf32, #tpu.memory_space<hbm>>
      tpu.wait_dma2 semaphore(%arg21 : memref<!tpu.dma_semaphore, #tpu.memory_space<semaphore_mem>>) src(%dma_wait3A_188 : memref<32x256xf32, #tpu.memory_space<hbm>>) dst(%arg13 : memref<32x256xf32, #tpu.memory_space<vmem>>)
      %dma_wait3A_189 = arith.constant 0 : i32
      %dma_wait3A_190 = tpu.memref_slice %arg9[%add3A_175, %dma_wait3A_189] : memref<64x32xi32, #tpu.memory_space<vmem>> -> memref<1x32xi32, #tpu.memory_space<vmem>>
      %dma_wait3A_191 = tpu.memref_squeeze %dma_wait3A_190 : memref<1x32xi32, #tpu.memory_space<vmem>> -> memref<32xi32, #tpu.memory_space<vmem>>
      %dma_wait3A_192 = arith.constant 0 : i32
      %dma_wait3A_193 = arith.constant 0 : i32
      %dma_wait3A_194 = tpu.memref_slice %arg5[%dma_wait3A_192, %dma_wait3A_193] : memref<10000x256xf32, #tpu.memory_space<hbm>> -> memref<10000x256xf32, #tpu.memory_space<hbm>>
      tpu.wait_indirect_dma semaphore(%arg25 : memref<!tpu.dma_semaphore, #tpu.memory_space<semaphore_mem>>) src(%dma_wait3A_194 : memref<10000x256xf32, #tpu.memory_space<hbm>>) dst(%arg17 : memref<32x256xf32, #tpu.memory_space<vmem>>)
      %scan3A_195 = arith.constant 0 : i32
      %scan3A_196 = arith.constant 0 : i32
      %scan3A_197 = arith.constant 16 : i32
      %scan3A_198 = arith.addi %scan3A_196, %scan3A_197 : i32
      %scan3A_199 = arith.constant 1 : i32
      scf.for %scan3A_208 = %scan3A_196 to %scan3A_198 step %scan3A_199  : i32 {
        %mul3A_209 = arith.constant 2 : i32
        %mul3A_210 = arith.muli %scan3A_208, %mul3A_209 : i32
        %add3A_211 = arith.constant 0 : i32
        %add3A_212 = arith.addi %mul3A_210, %add3A_211 : i32
        %get3A = arith.index_cast %add3A_212 : i32 to index
        %get3A_213 = arith.constant 0 : index
        %get3A_214 = tpu.vector_load %arg17[%get3A, %get3A_213] {strides = array<i32>} : memref<32x256xf32, #tpu.memory_space<vmem>>, vector<1x16xf32>,
        %get3A_215 = vector.shape_cast %get3A_214 : vector<1x16xf32> to vector<16xf32>
        %get3A_216 = arith.index_cast %add3A_212 : i32 to index
        %get3A_217 = arith.constant 0 : index
        %get3A_218 = tpu.vector_load %arg13[%get3A_216, %get3A_217] {strides = array<i32>} : memref<32x256xf32, #tpu.memory_space<vmem>>, vector<1x16xf32>,
        %get3A_219 = vector.shape_cast %get3A_218 : vector<1x16xf32> to vector<16xf32>
        %add3A_220 = arith.addf %get3A_215, %get3A_219 : vector<16xf32>
        %swap3A = arith.index_cast %add3A_212 : i32 to index
        %swap3A_221 = arith.constant 0 : index
        %swap3A_222 = tpu.vector_load %arg17[%swap3A, %swap3A_221] {strides = array<i32>} : memref<32x256xf32, #tpu.memory_space<vmem>>, vector<1x16xf32>,
        %swap3A_223 = vector.shape_cast %swap3A_222 : vector<1x16xf32> to vector<16xf32>
        %swap3A_224 = vector.shape_cast %add3A_220 : vector<16xf32> to vector<1x16xf32>
        tpu.vector_store %arg17[%swap3A, %swap3A_221], %swap3A_224 {strides = array<i32>} : memref<32x256xf32, #tpu.memory_space<vmem>>, vector<1x16xf32>,
        %get3A_225 = arith.index_cast %add3A_212 : i32 to index
        %get3A_226 = arith.constant 16 : index
        %get3A_227 = tpu.vector_load %arg17[%get3A_225, %get3A_226] {strides = array<i32>} : memref<32x256xf32, #tpu.memory_space<vmem>>, vector<1x16xf32>,
        %get3A_228 = vector.shape_cast %get3A_227 : vector<1x16xf32> to vector<16xf32>
        %get3A_229 = arith.index_cast %add3A_212 : i32 to index
        %get3A_230 = arith.constant 16 : index
        %get3A_231 = tpu.vector_load %arg13[%get3A_229, %get3A_230] {strides = array<i32>} : memref<32x256xf32, #tpu.memory_space<vmem>>, vector<1x16xf32>,
        %get3A_232 = vector.shape_cast %get3A_231 : vector<1x16xf32> to vector<16xf32>
        %add3A_233 = arith.addf %get3A_228, %get3A_232 : vector<16xf32>
        %swap3A_234 = arith.index_cast %add3A_212 : i32 to index
        %swap3A_235 = arith.constant 16 : index
        %swap3A_236 = tpu.vector_load %arg17[%swap3A_234, %swap3A_235] {strides = array<i32>} : memref<32x256xf32, #tpu.memory_space<vmem>>, vector<1x16xf32>,
        %swap3A_237 = vector.shape_cast %swap3A_236 : vector<1x16xf32> to vector<16xf32>
        %swap3A_238 = vector.shape_cast %add3A_233 : vector<16xf32> to vector<1x16xf32>
        tpu.vector_store %arg17[%swap3A_234, %swap3A_235], %swap3A_238 {strides = array<i32>} : memref<32x256xf32, #tpu.memory_space<vmem>>, vector<1x16xf32>,
        %get3A_239 = arith.index_cast %add3A_212 : i32 to index
        %get3A_240 = arith.constant 32 : index
        %get3A_241 = tpu.vector_load %arg17[%get3A_239, %get3A_240] {strides = array<i32>} : memref<32x256xf32, #tpu.memory_space<vmem>>, vector<1x16xf32>,
        %get3A_242 = vector.shape_cast %get3A_241 : vector<1x16xf32> to vector<16xf32>
        %get3A_243 = arith.index_cast %add3A_212 : i32 to index
        %get3A_244 = arith.constant 32 : index
        %get3A_245 = tpu.vector_load %arg13[%get3A_243, %get3A_244] {strides = array<i32>} : memref<32x256xf32, #tpu.memory_space<vmem>>, vector<1x16xf32>,
        %get3A_246 = vector.shape_cast %get3A_245 : vector<1x16xf32> to vector<16xf32>
        %add3A_247 = arith.addf %get3A_242, %get3A_246 : vector<16xf32>
        %swap3A_248 = arith.index_cast %add3A_212 : i32 to index
        %swap3A_249 = arith.constant 32 : index
        %swap3A_250 = tpu.vector_load %arg17[%swap3A_248, %swap3A_249] {strides = array<i32>} : memref<32x256xf32, #tpu.memory_space<vmem>>, vector<1x16xf32>,
        %swap3A_251 = vector.shape_cast %swap3A_250 : vector<1x16xf32> to vector<16xf32>
        %swap3A_252 = vector.shape_cast %add3A_247 : vector<16xf32> to vector<1x16xf32>
        tpu.vector_store %arg17[%swap3A_248, %swap3A_249], %swap3A_252 {strides = array<i32>} : memref<32x256xf32, #tpu.memory_space<vmem>>, vector<1x16xf32>,
        %get3A_253 = arith.index_cast %add3A_212 : i32 to index
        %get3A_254 = arith.constant 48 : index
        %get3A_255 = tpu.vector_load %arg17[%get3A_253, %get3A_254] {strides = array<i32>} : memref<32x256xf32, #tpu.memory_space<vmem>>, vector<1x16xf32>,
        %get3A_256 = vector.shape_cast %get3A_255 : vector<1x16xf32> to vector<16xf32>
        %get3A_257 = arith.index_cast %add3A_212 : i32 to index
        %get3A_258 = arith.constant 48 : index
        %get3A_259 = tpu.vector_load %arg13[%get3A_257, %get3A_258] {strides = array<i32>} : memref<32x256xf32, #tpu.memory_space<vmem>>, vector<1x16xf32>,
        %get3A_260 = vector.shape_cast %get3A_259 : vector<1x16xf32> to vector<16xf32>
        %add3A_261 = arith.addf %get3A_256, %get3A_260 : vector<16xf32>
        %swap3A_262 = arith.index_cast %add3A_212 : i32 to index
        %swap3A_263 = arith.constant 48 : index
        %swap3A_264 = tpu.vector_load %arg17[%swap3A_262, %swap3A_263] {strides = array<i32>} : memref<32x256xf32, #tpu.memory_space<vmem>>, vector<1x16xf32>,
        %swap3A_265 = vector.shape_cast %swap3A_264 : vector<1x16xf32> to vector<16xf32>
        %swap3A_266 = vector.shape_cast %add3A_261 : vector<16xf32> to vector<1x16xf32>
        tpu.vector_store %arg17[%swap3A_262, %swap3A_263], %swap3A_266 {strides = array<i32>} : memref<32x256xf32, #tpu.memory_space<vmem>>, vector<1x16xf32>,
        %get3A_267 = arith.index_cast %add3A_212 : i32 to index
        %get3A_268 = arith.constant 64 : index
        %get3A_269 = tpu.vector_load %arg17[%get3A_267, %get3A_268] {strides = array<i32>} : memref<32x256xf32, #tpu.memory_space<vmem>>, vector<1x16xf32>,
        %get3A_270 = vector.shape_cast %get3A_269 : vector<1x16xf32> to vector<16xf32>
        %get3A_271 = arith.index_cast %add3A_212 : i32 to index
        %get3A_272 = arith.constant 64 : index
        %get3A_273 = tpu.vector_load %arg13[%get3A_271, %get3A_272] {strides = array<i32>} : memref<32x256xf32, #tpu.memory_space<vmem>>, vector<1x16xf32>,
        %get3A_274 = vector.shape_cast %get3A_273 : vector<1x16xf32> to vector<16xf32>
        %add3A_275 = arith.addf %get3A_270, %get3A_274 : vector<16xf32>
        %swap3A_276 = arith.index_cast %add3A_212 : i32 to index
        %swap3A_277 = arith.constant 64 : index
        %swap3A_278 = tpu.vector_load %arg17[%swap3A_276, %swap3A_277] {strides = array<i32>} : memref<32x256xf32, #tpu.memory_space<vmem>>, vector<1x16xf32>,
        %swap3A_279 = vector.shape_cast %swap3A_278 : vector<1x16xf32> to vector<16xf32>
        %swap3A_280 = vector.shape_cast %add3A_275 : vector<16xf32> to vector<1x16xf32>
        tpu.vector_store %arg17[%swap3A_276, %swap3A_277], %swap3A_280 {strides = array<i32>} : memref<32x256xf32, #tpu.memory_space<vmem>>, vector<1x16xf32>,
        %get3A_281 = arith.index_cast %add3A_212 : i32 to index
        %get3A_282 = arith.constant 80 : index
        %get3A_283 = tpu.vector_load %arg17[%get3A_281, %get3A_282] {strides = array<i32>} : memref<32x256xf32, #tpu.memory_space<vmem>>, vector<1x16xf32>,
        %get3A_284 = vector.shape_cast %get3A_283 : vector<1x16xf32> to vector<16xf32>
        %get3A_285 = arith.index_cast %add3A_212 : i32 to index
        %get3A_286 = arith.constant 80 : index
        %get3A_287 = tpu.vector_load %arg13[%get3A_285, %get3A_286] {strides = array<i32>} : memref<32x256xf32, #tpu.memory_space<vmem>>, vector<1x16xf32>,
        %get3A_288 = vector.shape_cast %get3A_287 : vector<1x16xf32> to vector<16xf32>
        %add3A_289 = arith.addf %get3A_284, %get3A_288 : vector<16xf32>
        %swap3A_290 = arith.index_cast %add3A_212 : i32 to index
        %swap3A_291 = arith.constant 80 : index
        %swap3A_292 = tpu.vector_load %arg17[%swap3A_290, %swap3A_291] {strides = array<i32>} : memref<32x256xf32, #tpu.memory_space<vmem>>, vector<1x16xf32>,
        %swap3A_293 = vector.shape_cast %swap3A_292 : vector<1x16xf32> to vector<16xf32>
        %swap3A_294 = vector.shape_cast %add3A_289 : vector<16xf32> to vector<1x16xf32>
        tpu.vector_store %arg17[%swap3A_290, %swap3A_291], %swap3A_294 {strides = array<i32>} : memref<32x256xf32, #tpu.memory_space<vmem>>, vector<1x16xf32>,
        %get3A_295 = arith.index_cast %add3A_212 : i32 to index
        %get3A_296 = arith.constant 96 : index
        %get3A_297 = tpu.vector_load %arg17[%get3A_295, %get3A_296] {strides = array<i32>} : memref<32x256xf32, #tpu.memory_space<vmem>>, vector<1x16xf32>,
        %get3A_298 = vector.shape_cast %get3A_297 : vector<1x16xf32> to vector<16xf32>
        %get3A_299 = arith.index_cast %add3A_212 : i32 to index
        %get3A_300 = arith.constant 96 : index
        %get3A_301 = tpu.vector_load %arg13[%get3A_299, %get3A_300] {strides = array<i32>} : memref<32x256xf32, #tpu.memory_space<vmem>>, vector<1x16xf32>,
        %get3A_302 = vector.shape_cast %get3A_301 : vector<1x16xf32> to vector<16xf32>
        %add3A_303 = arith.addf %get3A_298, %get3A_302 : vector<16xf32>
        %swap3A_304 = arith.index_cast %add3A_212 : i32 to index
        %swap3A_305 = arith.constant 96 : index
        %swap3A_306 = tpu.vector_load %arg17[%swap3A_304, %swap3A_305] {strides = array<i32>} : memref<32x256xf32, #tpu.memory_space<vmem>>, vector<1x16xf32>,
        %swap3A_307 = vector.shape_cast %swap3A_306 : vector<1x16xf32> to vector<16xf32>
        %swap3A_308 = vector.shape_cast %add3A_303 : vector<16xf32> to vector<1x16xf32>
        tpu.vector_store %arg17[%swap3A_304, %swap3A_305], %swap3A_308 {strides = array<i32>} : memref<32x256xf32, #tpu.memory_space<vmem>>, vector<1x16xf32>,
        %get3A_309 = arith.index_cast %add3A_212 : i32 to index
        %get3A_310 = arith.constant 112 : index
        %get3A_311 = tpu.vector_load %arg17[%get3A_309, %get3A_310] {strides = array<i32>} : memref<32x256xf32, #tpu.memory_space<vmem>>, vector<1x16xf32>,
        %get3A_312 = vector.shape_cast %get3A_311 : vector<1x16xf32> to vector<16xf32>
        %get3A_313 = arith.index_cast %add3A_212 : i32 to index
        %get3A_314 = arith.constant 112 : index
        %get3A_315 = tpu.vector_load %arg13[%get3A_313, %get3A_314] {strides = array<i32>} : memref<32x256xf32, #tpu.memory_space<vmem>>, vector<1x16xf32>,
        %get3A_316 = vector.shape_cast %get3A_315 : vector<1x16xf32> to vector<16xf32>
        %add3A_317 = arith.addf %get3A_312, %get3A_316 : vector<16xf32>
        %swap3A_318 = arith.index_cast %add3A_212 : i32 to index
        %swap3A_319 = arith.constant 112 : index
        %swap3A_320 = tpu.vector_load %arg17[%swap3A_318, %swap3A_319] {strides = array<i32>} : memref<32x256xf32, #tpu.memory_space<vmem>>, vector<1x16xf32>,
        %swap3A_321 = vector.shape_cast %swap3A_320 : vector<1x16xf32> to vector<16xf32>
        %swap3A_322 = vector.shape_cast %add3A_317 : vector<16xf32> to vector<1x16xf32>
        tpu.vector_store %arg17[%swap3A_318, %swap3A_319], %swap3A_322 {strides = array<i32>} : memref<32x256xf32, #tpu.memory_space<vmem>>, vector<1x16xf32>,
        %get3A_323 = arith.index_cast %add3A_212 : i32 to index
        %get3A_324 = arith.constant 128 : index
        %get3A_325 = tpu.vector_load %arg17[%get3A_323, %get3A_324] {strides = array<i32>} : memref<32x256xf32, #tpu.memory_space<vmem>>, vector<1x16xf32>,
        %get3A_326 = vector.shape_cast %get3A_325 : vector<1x16xf32> to vector<16xf32>
        %get3A_327 = arith.index_cast %add3A_212 : i32 to index
        %get3A_328 = arith.constant 128 : index
        %get3A_329 = tpu.vector_load %arg13[%get3A_327, %get3A_328] {strides = array<i32>} : memref<32x256xf32, #tpu.memory_space<vmem>>, vector<1x16xf32>,
        %get3A_330 = vector.shape_cast %get3A_329 : vector<1x16xf32> to vector<16xf32>
        %add3A_331 = arith.addf %get3A_326, %get3A_330 : vector<16xf32>
        %swap3A_332 = arith.index_cast %add3A_212 : i32 to index
        %swap3A_333 = arith.constant 128 : index
        %swap3A_334 = tpu.vector_load %arg17[%swap3A_332, %swap3A_333] {strides = array<i32>} : memref<32x256xf32, #tpu.memory_space<vmem>>, vector<1x16xf32>,
        %swap3A_335 = vector.shape_cast %swap3A_334 : vector<1x16xf32> to vector<16xf32>
        %swap3A_336 = vector.shape_cast %add3A_331 : vector<16xf32> to vector<1x16xf32>
        tpu.vector_store %arg17[%swap3A_332, %swap3A_333], %swap3A_336 {strides = array<i32>} : memref<32x256xf32, #tpu.memory_space<vmem>>, vector<1x16xf32>,
        %get3A_337 = arith.index_cast %add3A_212 : i32 to index
        %get3A_338 = arith.constant 144 : index
        %get3A_339 = tpu.vector_load %arg17[%get3A_337, %get3A_338] {strides = array<i32>} : memref<32x256xf32, #tpu.memory_space<vmem>>, vector<1x16xf32>,
        %get3A_340 = vector.shape_cast %get3A_339 : vector<1x16xf32> to vector<16xf32>
        %get3A_341 = arith.index_cast %add3A_212 : i32 to index
        %get3A_342 = arith.constant 144 : index
        %get3A_343 = tpu.vector_load %arg13[%get3A_341, %get3A_342] {strides = array<i32>} : memref<32x256xf32, #tpu.memory_space<vmem>>, vector<1x16xf32>,
        %get3A_344 = vector.shape_cast %get3A_343 : vector<1x16xf32> to vector<16xf32>
        %add3A_345 = arith.addf %get3A_340, %get3A_344 : vector<16xf32>
        %swap3A_346 = arith.index_cast %add3A_212 : i32 to index
        %swap3A_347 = arith.constant 144 : index
        %swap3A_348 = tpu.vector_load %arg17[%swap3A_346, %swap3A_347] {strides = array<i32>} : memref<32x256xf32, #tpu.memory_space<vmem>>, vector<1x16xf32>,
        %swap3A_349 = vector.shape_cast %swap3A_348 : vector<1x16xf32> to vector<16xf32>
        %swap3A_350 = vector.shape_cast %add3A_345 : vector<16xf32> to vector<1x16xf32>
        tpu.vector_store %arg17[%swap3A_346, %swap3A_347], %swap3A_350 {strides = array<i32>} : memref<32x256xf32, #tpu.memory_space<vmem>>, vector<1x16xf32>,
        %get3A_351 = arith.index_cast %add3A_212 : i32 to index
        %get3A_352 = arith.constant 160 : index
        %get3A_353 = tpu.vector_load %arg17[%get3A_351, %get3A_352] {strides = array<i32>} : memref<32x256xf32, #tpu.memory_space<vmem>>, vector<1x16xf32>,
        %get3A_354 = vector.shape_cast %get3A_353 : vector<1x16xf32> to vector<16xf32>
        %get3A_355 = arith.index_cast %add3A_212 : i32 to index
        %get3A_356 = arith.constant 160 : index
        %get3A_357 = tpu.vector_load %arg13[%get3A_355, %get3A_356] {strides = array<i32>} : memref<32x256xf32, #tpu.memory_space<vmem>>, vector<1x16xf32>,
        %get3A_358 = vector.shape_cast %get3A_357 : vector<1x16xf32> to vector<16xf32>
        %add3A_359 = arith.addf %get3A_354, %get3A_358 : vector<16xf32>
        %swap3A_360 = arith.index_cast %add3A_212 : i32 to index
        %swap3A_361 = arith.constant 160 : index
        %swap3A_362 = tpu.vector_load %arg17[%swap3A_360, %swap3A_361] {strides = array<i32>} : memref<32x256xf32, #tpu.memory_space<vmem>>, vector<1x16xf32>,
        %swap3A_363 = vector.shape_cast %swap3A_362 : vector<1x16xf32> to vector<16xf32>
        %swap3A_364 = vector.shape_cast %add3A_359 : vector<16xf32> to vector<1x16xf32>
        tpu.vector_store %arg17[%swap3A_360, %swap3A_361], %swap3A_364 {strides = array<i32>} : memref<32x256xf32, #tpu.memory_space<vmem>>, vector<1x16xf32>,
        %get3A_365 = arith.index_cast %add3A_212 : i32 to index
        %get3A_366 = arith.constant 176 : index
        %get3A_367 = tpu.vector_load %arg17[%get3A_365, %get3A_366] {strides = array<i32>} : memref<32x256xf32, #tpu.memory_space<vmem>>, vector<1x16xf32>,
        %get3A_368 = vector.shape_cast %get3A_367 : vector<1x16xf32> to vector<16xf32>
        %get3A_369 = arith.index_cast %add3A_212 : i32 to index
        %get3A_370 = arith.constant 176 : index
        %get3A_371 = tpu.vector_load %arg13[%get3A_369, %get3A_370] {strides = array<i32>} : memref<32x256xf32, #tpu.memory_space<vmem>>, vector<1x16xf32>,
        %get3A_372 = vector.shape_cast %get3A_371 : vector<1x16xf32> to vector<16xf32>
        %add3A_373 = arith.addf %get3A_368, %get3A_372 : vector<16xf32>
        %swap3A_374 = arith.index_cast %add3A_212 : i32 to index
        %swap3A_375 = arith.constant 176 : index
        %swap3A_376 = tpu.vector_load %arg17[%swap3A_374, %swap3A_375] {strides = array<i32>} : memref<32x256xf32, #tpu.memory_space<vmem>>, vector<1x16xf32>,
        %swap3A_377 = vector.shape_cast %swap3A_376 : vector<1x16xf32> to vector<16xf32>
        %swap3A_378 = vector.shape_cast %add3A_373 : vector<16xf32> to vector<1x16xf32>
        tpu.vector_store %arg17[%swap3A_374, %swap3A_375], %swap3A_378 {strides = array<i32>} : memref<32x256xf32, #tpu.memory_space<vmem>>, vector<1x16xf32>,
        %get3A_379 = arith.index_cast %add3A_212 : i32 to index
        %get3A_380 = arith.constant 192 : index
        %get3A_381 = tpu.vector_load %arg17[%get3A_379, %get3A_380] {strides = array<i32>} : memref<32x256xf32, #tpu.memory_space<vmem>>, vector<1x16xf32>,
        %get3A_382 = vector.shape_cast %get3A_381 : vector<1x16xf32> to vector<16xf32>
        %get3A_383 = arith.index_cast %add3A_212 : i32 to index
        %get3A_384 = arith.constant 192 : index
        %get3A_385 = tpu.vector_load %arg13[%get3A_383, %get3A_384] {strides = array<i32>} : memref<32x256xf32, #tpu.memory_space<vmem>>, vector<1x16xf32>,
        %get3A_386 = vector.shape_cast %get3A_385 : vector<1x16xf32> to vector<16xf32>
        %add3A_387 = arith.addf %get3A_382, %get3A_386 : vector<16xf32>
        %swap3A_388 = arith.index_cast %add3A_212 : i32 to index
        %swap3A_389 = arith.constant 192 : index
        %swap3A_390 = tpu.vector_load %arg17[%swap3A_388, %swap3A_389] {strides = array<i32>} : memref<32x256xf32, #tpu.memory_space<vmem>>, vector<1x16xf32>,
        %swap3A_391 = vector.shape_cast %swap3A_390 : vector<1x16xf32> to vector<16xf32>
        %swap3A_392 = vector.shape_cast %add3A_387 : vector<16xf32> to vector<1x16xf32>
        tpu.vector_store %arg17[%swap3A_388, %swap3A_389], %swap3A_392 {strides = array<i32>} : memref<32x256xf32, #tpu.memory_space<vmem>>, vector<1x16xf32>,
        %get3A_393 = arith.index_cast %add3A_212 : i32 to index
        %get3A_394 = arith.constant 208 : index
        %get3A_395 = tpu.vector_load %arg17[%get3A_393, %get3A_394] {strides = array<i32>} : memref<32x256xf32, #tpu.memory_space<vmem>>, vector<1x16xf32>,
        %get3A_396 = vector.shape_cast %get3A_395 : vector<1x16xf32> to vector<16xf32>
        %get3A_397 = arith.index_cast %add3A_212 : i32 to index
        %get3A_398 = arith.constant 208 : index
        %get3A_399 = tpu.vector_load %arg13[%get3A_397, %get3A_398] {strides = array<i32>} : memref<32x256xf32, #tpu.memory_space<vmem>>, vector<1x16xf32>,
        %get3A_400 = vector.shape_cast %get3A_399 : vector<1x16xf32> to vector<16xf32>
        %add3A_401 = arith.addf %get3A_396, %get3A_400 : vector<16xf32>
        %swap3A_402 = arith.index_cast %add3A_212 : i32 to index
        %swap3A_403 = arith.constant 208 : index
        %swap3A_404 = tpu.vector_load %arg17[%swap3A_402, %swap3A_403] {strides = array<i32>} : memref<32x256xf32, #tpu.memory_space<vmem>>, vector<1x16xf32>,
        %swap3A_405 = vector.shape_cast %swap3A_404 : vector<1x16xf32> to vector<16xf32>
        %swap3A_406 = vector.shape_cast %add3A_401 : vector<16xf32> to vector<1x16xf32>
        tpu.vector_store %arg17[%swap3A_402, %swap3A_403], %swap3A_406 {strides = array<i32>} : memref<32x256xf32, #tpu.memory_space<vmem>>, vector<1x16xf32>,
        %get3A_407 = arith.index_cast %add3A_212 : i32 to index
        %get3A_408 = arith.constant 224 : index
        %get3A_409 = tpu.vector_load %arg17[%get3A_407, %get3A_408] {strides = array<i32>} : memref<32x256xf32, #tpu.memory_space<vmem>>, vector<1x16xf32>,
        %get3A_410 = vector.shape_cast %get3A_409 : vector<1x16xf32> to vector<16xf32>
        %get3A_411 = arith.index_cast %add3A_212 : i32 to index
        %get3A_412 = arith.constant 224 : index
        %get3A_413 = tpu.vector_load %arg13[%get3A_411, %get3A_412] {strides = array<i32>} : memref<32x256xf32, #tpu.memory_space<vmem>>, vector<1x16xf32>,
        %get3A_414 = vector.shape_cast %get3A_413 : vector<1x16xf32> to vector<16xf32>
        %add3A_415 = arith.addf %get3A_410, %get3A_414 : vector<16xf32>
        %swap3A_416 = arith.index_cast %add3A_212 : i32 to index
        %swap3A_417 = arith.constant 224 : index
        %swap3A_418 = tpu.vector_load %arg17[%swap3A_416, %swap3A_417] {strides = array<i32>} : memref<32x256xf32, #tpu.memory_space<vmem>>, vector<1x16xf32>,
        %swap3A_419 = vector.shape_cast %swap3A_418 : vector<1x16xf32> to vector<16xf32>
        %swap3A_420 = vector.shape_cast %add3A_415 : vector<16xf32> to vector<1x16xf32>
        tpu.vector_store %arg17[%swap3A_416, %swap3A_417], %swap3A_420 {strides = array<i32>} : memref<32x256xf32, #tpu.memory_space<vmem>>, vector<1x16xf32>,
        %get3A_421 = arith.index_cast %add3A_212 : i32 to index
        %get3A_422 = arith.constant 240 : index
        %get3A_423 = tpu.vector_load %arg17[%get3A_421, %get3A_422] {strides = array<i32>} : memref<32x256xf32, #tpu.memory_space<vmem>>, vector<1x16xf32>,
        %get3A_424 = vector.shape_cast %get3A_423 : vector<1x16xf32> to vector<16xf32>
        %get3A_425 = arith.index_cast %add3A_212 : i32 to index
        %get3A_426 = arith.constant 240 : index
        %get3A_427 = tpu.vector_load %arg13[%get3A_425, %get3A_426] {strides = array<i32>} : memref<32x256xf32, #tpu.memory_space<vmem>>, vector<1x16xf32>,
        %get3A_428 = vector.shape_cast %get3A_427 : vector<1x16xf32> to vector<16xf32>
        %add3A_429 = arith.addf %get3A_424, %get3A_428 : vector<16xf32>
        %swap3A_430 = arith.index_cast %add3A_212 : i32 to index
        %swap3A_431 = arith.constant 240 : index
        %swap3A_432 = tpu.vector_load %arg17[%swap3A_430, %swap3A_431] {strides = array<i32>} : memref<32x256xf32, #tpu.memory_space<vmem>>, vector<1x16xf32>,
        %swap3A_433 = vector.shape_cast %swap3A_432 : vector<1x16xf32> to vector<16xf32>
        %swap3A_434 = vector.shape_cast %add3A_429 : vector<16xf32> to vector<1x16xf32>
        tpu.vector_store %arg17[%swap3A_430, %swap3A_431], %swap3A_434 {strides = array<i32>} : memref<32x256xf32, #tpu.memory_space<vmem>>, vector<1x16xf32>,
        %mul3A_435 = arith.constant 2 : i32
        %mul3A_436 = arith.muli %scan3A_208, %mul3A_435 : i32
        %add3A_437 = arith.constant 1 : i32
        %add3A_438 = arith.addi %mul3A_436, %add3A_437 : i32
        %get3A_439 = arith.index_cast %add3A_438 : i32 to index
        %get3A_440 = arith.constant 0 : index
        %get3A_441 = tpu.vector_load %arg17[%get3A_439, %get3A_440] {strides = array<i32>} : memref<32x256xf32, #tpu.memory_space<vmem>>, vector<1x16xf32>,
        %get3A_442 = vector.shape_cast %get3A_441 : vector<1x16xf32> to vector<16xf32>
        %get3A_443 = arith.index_cast %add3A_438 : i32 to index
        %get3A_444 = arith.constant 0 : index
        %get3A_445 = tpu.vector_load %arg13[%get3A_443, %get3A_444] {strides = array<i32>} : memref<32x256xf32, #tpu.memory_space<vmem>>, vector<1x16xf32>,
        %get3A_446 = vector.shape_cast %get3A_445 : vector<1x16xf32> to vector<16xf32>
        %add3A_447 = arith.addf %get3A_442, %get3A_446 : vector<16xf32>
        %swap3A_448 = arith.index_cast %add3A_438 : i32 to index
        %swap3A_449 = arith.constant 0 : index
        %swap3A_450 = tpu.vector_load %arg17[%swap3A_448, %swap3A_449] {strides = array<i32>} : memref<32x256xf32, #tpu.memory_space<vmem>>, vector<1x16xf32>,
        %swap3A_451 = vector.shape_cast %swap3A_450 : vector<1x16xf32> to vector<16xf32>
        %swap3A_452 = vector.shape_cast %add3A_447 : vector<16xf32> to vector<1x16xf32>
        tpu.vector_store %arg17[%swap3A_448, %swap3A_449], %swap3A_452 {strides = array<i32>} : memref<32x256xf32, #tpu.memory_space<vmem>>, vector<1x16xf32>,
        %get3A_453 = arith.index_cast %add3A_438 : i32 to index
        %get3A_454 = arith.constant 16 : index
        %get3A_455 = tpu.vector_load %arg17[%get3A_453, %get3A_454] {strides = array<i32>} : memref<32x256xf32, #tpu.memory_space<vmem>>, vector<1x16xf32>,
        %get3A_456 = vector.shape_cast %get3A_455 : vector<1x16xf32> to vector<16xf32>
        %get3A_457 = arith.index_cast %add3A_438 : i32 to index
        %get3A_458 = arith.constant 16 : index
        %get3A_459 = tpu.vector_load %arg13[%get3A_457, %get3A_458] {strides = array<i32>} : memref<32x256xf32, #tpu.memory_space<vmem>>, vector<1x16xf32>,
        %get3A_460 = vector.shape_cast %get3A_459 : vector<1x16xf32> to vector<16xf32>
        %add3A_461 = arith.addf %get3A_456, %get3A_460 : vector<16xf32>
        %swap3A_462 = arith.index_cast %add3A_438 : i32 to index
        %swap3A_463 = arith.constant 16 : index
        %swap3A_464 = tpu.vector_load %arg17[%swap3A_462, %swap3A_463] {strides = array<i32>} : memref<32x256xf32, #tpu.memory_space<vmem>>, vector<1x16xf32>,
        %swap3A_465 = vector.shape_cast %swap3A_464 : vector<1x16xf32> to vector<16xf32>
        %swap3A_466 = vector.shape_cast %add3A_461 : vector<16xf32> to vector<1x16xf32>
        tpu.vector_store %arg17[%swap3A_462, %swap3A_463], %swap3A_466 {strides = array<i32>} : memref<32x256xf32, #tpu.memory_space<vmem>>, vector<1x16xf32>,
        %get3A_467 = arith.index_cast %add3A_438 : i32 to index
        %get3A_468 = arith.constant 32 : index
        %get3A_469 = tpu.vector_load %arg17[%get3A_467, %get3A_468] {strides = array<i32>} : memref<32x256xf32, #tpu.memory_space<vmem>>, vector<1x16xf32>,
        %get3A_470 = vector.shape_cast %get3A_469 : vector<1x16xf32> to vector<16xf32>
        %get3A_471 = arith.index_cast %add3A_438 : i32 to index
        %get3A_472 = arith.constant 32 : index
        %get3A_473 = tpu.vector_load %arg13[%get3A_471, %get3A_472] {strides = array<i32>} : memref<32x256xf32, #tpu.memory_space<vmem>>, vector<1x16xf32>,
        %get3A_474 = vector.shape_cast %get3A_473 : vector<1x16xf32> to vector<16xf32>
        %add3A_475 = arith.addf %get3A_470, %get3A_474 : vector<16xf32>
        %swap3A_476 = arith.index_cast %add3A_438 : i32 to index
        %swap3A_477 = arith.constant 32 : index
        %swap3A_478 = tpu.vector_load %arg17[%swap3A_476, %swap3A_477] {strides = array<i32>} : memref<32x256xf32, #tpu.memory_space<vmem>>, vector<1x16xf32>,
        %swap3A_479 = vector.shape_cast %swap3A_478 : vector<1x16xf32> to vector<16xf32>
        %swap3A_480 = vector.shape_cast %add3A_475 : vector<16xf32> to vector<1x16xf32>
        tpu.vector_store %arg17[%swap3A_476, %swap3A_477], %swap3A_480 {strides = array<i32>} : memref<32x256xf32, #tpu.memory_space<vmem>>, vector<1x16xf32>,
        %get3A_481 = arith.index_cast %add3A_438 : i32 to index
        %get3A_482 = arith.constant 48 : index
        %get3A_483 = tpu.vector_load %arg17[%get3A_481, %get3A_482] {strides = array<i32>} : memref<32x256xf32, #tpu.memory_space<vmem>>, vector<1x16xf32>,
        %get3A_484 = vector.shape_cast %get3A_483 : vector<1x16xf32> to vector<16xf32>
        %get3A_485 = arith.index_cast %add3A_438 : i32 to index
        %get3A_486 = arith.constant 48 : index
        %get3A_487 = tpu.vector_load %arg13[%get3A_485, %get3A_486] {strides = array<i32>} : memref<32x256xf32, #tpu.memory_space<vmem>>, vector<1x16xf32>,
        %get3A_488 = vector.shape_cast %get3A_487 : vector<1x16xf32> to vector<16xf32>
        %add3A_489 = arith.addf %get3A_484, %get3A_488 : vector<16xf32>
        %swap3A_490 = arith.index_cast %add3A_438 : i32 to index
        %swap3A_491 = arith.constant 48 : index
        %swap3A_492 = tpu.vector_load %arg17[%swap3A_490, %swap3A_491] {strides = array<i32>} : memref<32x256xf32, #tpu.memory_space<vmem>>, vector<1x16xf32>,
        %swap3A_493 = vector.shape_cast %swap3A_492 : vector<1x16xf32> to vector<16xf32>
        %swap3A_494 = vector.shape_cast %add3A_489 : vector<16xf32> to vector<1x16xf32>
        tpu.vector_store %arg17[%swap3A_490, %swap3A_491], %swap3A_494 {strides = array<i32>} : memref<32x256xf32, #tpu.memory_space<vmem>>, vector<1x16xf32>,
        %get3A_495 = arith.index_cast %add3A_438 : i32 to index
        %get3A_496 = arith.constant 64 : index
        %get3A_497 = tpu.vector_load %arg17[%get3A_495, %get3A_496] {strides = array<i32>} : memref<32x256xf32, #tpu.memory_space<vmem>>, vector<1x16xf32>,
        %get3A_498 = vector.shape_cast %get3A_497 : vector<1x16xf32> to vector<16xf32>
        %get3A_499 = arith.index_cast %add3A_438 : i32 to index
        %get3A_500 = arith.constant 64 : index
        %get3A_501 = tpu.vector_load %arg13[%get3A_499, %get3A_500] {strides = array<i32>} : memref<32x256xf32, #tpu.memory_space<vmem>>, vector<1x16xf32>,
        %get3A_502 = vector.shape_cast %get3A_501 : vector<1x16xf32> to vector<16xf32>
        %add3A_503 = arith.addf %get3A_498, %get3A_502 : vector<16xf32>
        %swap3A_504 = arith.index_cast %add3A_438 : i32 to index
        %swap3A_505 = arith.constant 64 : index
        %swap3A_506 = tpu.vector_load %arg17[%swap3A_504, %swap3A_505] {strides = array<i32>} : memref<32x256xf32, #tpu.memory_space<vmem>>, vector<1x16xf32>,
        %swap3A_507 = vector.shape_cast %swap3A_506 : vector<1x16xf32> to vector<16xf32>
        %swap3A_508 = vector.shape_cast %add3A_503 : vector<16xf32> to vector<1x16xf32>
        tpu.vector_store %arg17[%swap3A_504, %swap3A_505], %swap3A_508 {strides = array<i32>} : memref<32x256xf32, #tpu.memory_space<vmem>>, vector<1x16xf32>,
        %get3A_509 = arith.index_cast %add3A_438 : i32 to index
        %get3A_510 = arith.constant 80 : index
        %get3A_511 = tpu.vector_load %arg17[%get3A_509, %get3A_510] {strides = array<i32>} : memref<32x256xf32, #tpu.memory_space<vmem>>, vector<1x16xf32>,
        %get3A_512 = vector.shape_cast %get3A_511 : vector<1x16xf32> to vector<16xf32>
        %get3A_513 = arith.index_cast %add3A_438 : i32 to index
        %get3A_514 = arith.constant 80 : index
        %get3A_515 = tpu.vector_load %arg13[%get3A_513, %get3A_514] {strides = array<i32>} : memref<32x256xf32, #tpu.memory_space<vmem>>, vector<1x16xf32>,
        %get3A_516 = vector.shape_cast %get3A_515 : vector<1x16xf32> to vector<16xf32>
        %add3A_517 = arith.addf %get3A_512, %get3A_516 : vector<16xf32>
        %swap3A_518 = arith.index_cast %add3A_438 : i32 to index
        %swap3A_519 = arith.constant 80 : index
        %swap3A_520 = tpu.vector_load %arg17[%swap3A_518, %swap3A_519] {strides = array<i32>} : memref<32x256xf32, #tpu.memory_space<vmem>>, vector<1x16xf32>,
        %swap3A_521 = vector.shape_cast %swap3A_520 : vector<1x16xf32> to vector<16xf32>
        %swap3A_522 = vector.shape_cast %add3A_517 : vector<16xf32> to vector<1x16xf32>
        tpu.vector_store %arg17[%swap3A_518, %swap3A_519], %swap3A_522 {strides = array<i32>} : memref<32x256xf32, #tpu.memory_space<vmem>>, vector<1x16xf32>,
        %get3A_523 = arith.index_cast %add3A_438 : i32 to index
        %get3A_524 = arith.constant 96 : index
        %get3A_525 = tpu.vector_load %arg17[%get3A_523, %get3A_524] {strides = array<i32>} : memref<32x256xf32, #tpu.memory_space<vmem>>, vector<1x16xf32>,
        %get3A_526 = vector.shape_cast %get3A_525 : vector<1x16xf32> to vector<16xf32>
        %get3A_527 = arith.index_cast %add3A_438 : i32 to index
        %get3A_528 = arith.constant 96 : index
        %get3A_529 = tpu.vector_load %arg13[%get3A_527, %get3A_528] {strides = array<i32>} : memref<32x256xf32, #tpu.memory_space<vmem>>, vector<1x16xf32>,
        %get3A_530 = vector.shape_cast %get3A_529 : vector<1x16xf32> to vector<16xf32>
        %add3A_531 = arith.addf %get3A_526, %get3A_530 : vector<16xf32>
        %swap3A_532 = arith.index_cast %add3A_438 : i32 to index
        %swap3A_533 = arith.constant 96 : index
        %swap3A_534 = tpu.vector_load %arg17[%swap3A_532, %swap3A_533] {strides = array<i32>} : memref<32x256xf32, #tpu.memory_space<vmem>>, vector<1x16xf32>,
        %swap3A_535 = vector.shape_cast %swap3A_534 : vector<1x16xf32> to vector<16xf32>
        %swap3A_536 = vector.shape_cast %add3A_531 : vector<16xf32> to vector<1x16xf32>
        tpu.vector_store %arg17[%swap3A_532, %swap3A_533], %swap3A_536 {strides = array<i32>} : memref<32x256xf32, #tpu.memory_space<vmem>>, vector<1x16xf32>,
        %get3A_537 = arith.index_cast %add3A_438 : i32 to index
        %get3A_538 = arith.constant 112 : index
        %get3A_539 = tpu.vector_load %arg17[%get3A_537, %get3A_538] {strides = array<i32>} : memref<32x256xf32, #tpu.memory_space<vmem>>, vector<1x16xf32>,
        %get3A_540 = vector.shape_cast %get3A_539 : vector<1x16xf32> to vector<16xf32>
        %get3A_541 = arith.index_cast %add3A_438 : i32 to index
        %get3A_542 = arith.constant 112 : index
        %get3A_543 = tpu.vector_load %arg13[%get3A_541, %get3A_542] {strides = array<i32>} : memref<32x256xf32, #tpu.memory_space<vmem>>, vector<1x16xf32>,
        %get3A_544 = vector.shape_cast %get3A_543 : vector<1x16xf32> to vector<16xf32>
        %add3A_545 = arith.addf %get3A_540, %get3A_544 : vector<16xf32>
        %swap3A_546 = arith.index_cast %add3A_438 : i32 to index
        %swap3A_547 = arith.constant 112 : index
        %swap3A_548 = tpu.vector_load %arg17[%swap3A_546, %swap3A_547] {strides = array<i32>} : memref<32x256xf32, #tpu.memory_space<vmem>>, vector<1x16xf32>,
        %swap3A_549 = vector.shape_cast %swap3A_548 : vector<1x16xf32> to vector<16xf32>
        %swap3A_550 = vector.shape_cast %add3A_545 : vector<16xf32> to vector<1x16xf32>
        tpu.vector_store %arg17[%swap3A_546, %swap3A_547], %swap3A_550 {strides = array<i32>} : memref<32x256xf32, #tpu.memory_space<vmem>>, vector<1x16xf32>,
        %get3A_551 = arith.index_cast %add3A_438 : i32 to index
        %get3A_552 = arith.constant 128 : index
        %get3A_553 = tpu.vector_load %arg17[%get3A_551, %get3A_552] {strides = array<i32>} : memref<32x256xf32, #tpu.memory_space<vmem>>, vector<1x16xf32>,
        %get3A_554 = vector.shape_cast %get3A_553 : vector<1x16xf32> to vector<16xf32>
        %get3A_555 = arith.index_cast %add3A_438 : i32 to index
        %get3A_556 = arith.constant 128 : index
        %get3A_557 = tpu.vector_load %arg13[%get3A_555, %get3A_556] {strides = array<i32>} : memref<32x256xf32, #tpu.memory_space<vmem>>, vector<1x16xf32>,
        %get3A_558 = vector.shape_cast %get3A_557 : vector<1x16xf32> to vector<16xf32>
        %add3A_559 = arith.addf %get3A_554, %get3A_558 : vector<16xf32>
        %swap3A_560 = arith.index_cast %add3A_438 : i32 to index
        %swap3A_561 = arith.constant 128 : index
        %swap3A_562 = tpu.vector_load %arg17[%swap3A_560, %swap3A_561] {strides = array<i32>} : memref<32x256xf32, #tpu.memory_space<vmem>>, vector<1x16xf32>,
        %swap3A_563 = vector.shape_cast %swap3A_562 : vector<1x16xf32> to vector<16xf32>
        %swap3A_564 = vector.shape_cast %add3A_559 : vector<16xf32> to vector<1x16xf32>
        tpu.vector_store %arg17[%swap3A_560, %swap3A_561], %swap3A_564 {strides = array<i32>} : memref<32x256xf32, #tpu.memory_space<vmem>>, vector<1x16xf32>,
        %get3A_565 = arith.index_cast %add3A_438 : i32 to index
        %get3A_566 = arith.constant 144 : index
        %get3A_567 = tpu.vector_load %arg17[%get3A_565, %get3A_566] {strides = array<i32>} : memref<32x256xf32, #tpu.memory_space<vmem>>, vector<1x16xf32>,
        %get3A_568 = vector.shape_cast %get3A_567 : vector<1x16xf32> to vector<16xf32>
        %get3A_569 = arith.index_cast %add3A_438 : i32 to index
        %get3A_570 = arith.constant 144 : index
        %get3A_571 = tpu.vector_load %arg13[%get3A_569, %get3A_570] {strides = array<i32>} : memref<32x256xf32, #tpu.memory_space<vmem>>, vector<1x16xf32>,
        %get3A_572 = vector.shape_cast %get3A_571 : vector<1x16xf32> to vector<16xf32>
        %add3A_573 = arith.addf %get3A_568, %get3A_572 : vector<16xf32>
        %swap3A_574 = arith.index_cast %add3A_438 : i32 to index
        %swap3A_575 = arith.constant 144 : index
        %swap3A_576 = tpu.vector_load %arg17[%swap3A_574, %swap3A_575] {strides = array<i32>} : memref<32x256xf32, #tpu.memory_space<vmem>>, vector<1x16xf32>,
        %swap3A_577 = vector.shape_cast %swap3A_576 : vector<1x16xf32> to vector<16xf32>
        %swap3A_578 = vector.shape_cast %add3A_573 : vector<16xf32> to vector<1x16xf32>
        tpu.vector_store %arg17[%swap3A_574, %swap3A_575], %swap3A_578 {strides = array<i32>} : memref<32x256xf32, #tpu.memory_space<vmem>>, vector<1x16xf32>,
        %get3A_579 = arith.index_cast %add3A_438 : i32 to index
        %get3A_580 = arith.constant 160 : index
        %get3A_581 = tpu.vector_load %arg17[%get3A_579, %get3A_580] {strides = array<i32>} : memref<32x256xf32, #tpu.memory_space<vmem>>, vector<1x16xf32>,
        %get3A_582 = vector.shape_cast %get3A_581 : vector<1x16xf32> to vector<16xf32>
        %get3A_583 = arith.index_cast %add3A_438 : i32 to index
        %get3A_584 = arith.constant 160 : index
        %get3A_585 = tpu.vector_load %arg13[%get3A_583, %get3A_584] {strides = array<i32>} : memref<32x256xf32, #tpu.memory_space<vmem>>, vector<1x16xf32>,
        %get3A_586 = vector.shape_cast %get3A_585 : vector<1x16xf32> to vector<16xf32>
        %add3A_587 = arith.addf %get3A_582, %get3A_586 : vector<16xf32>
        %swap3A_588 = arith.index_cast %add3A_438 : i32 to index
        %swap3A_589 = arith.constant 160 : index
        %swap3A_590 = tpu.vector_load %arg17[%swap3A_588, %swap3A_589] {strides = array<i32>} : memref<32x256xf32, #tpu.memory_space<vmem>>, vector<1x16xf32>,
        %swap3A_591 = vector.shape_cast %swap3A_590 : vector<1x16xf32> to vector<16xf32>
        %swap3A_592 = vector.shape_cast %add3A_587 : vector<16xf32> to vector<1x16xf32>
        tpu.vector_store %arg17[%swap3A_588, %swap3A_589], %swap3A_592 {strides = array<i32>} : memref<32x256xf32, #tpu.memory_space<vmem>>, vector<1x16xf32>,
        %get3A_593 = arith.index_cast %add3A_438 : i32 to index
        %get3A_594 = arith.constant 176 : index
        %get3A_595 = tpu.vector_load %arg17[%get3A_593, %get3A_594] {strides = array<i32>} : memref<32x256xf32, #tpu.memory_space<vmem>>, vector<1x16xf32>,
        %get3A_596 = vector.shape_cast %get3A_595 : vector<1x16xf32> to vector<16xf32>
        %get3A_597 = arith.index_cast %add3A_438 : i32 to index
        %get3A_598 = arith.constant 176 : index
        %get3A_599 = tpu.vector_load %arg13[%get3A_597, %get3A_598] {strides = array<i32>} : memref<32x256xf32, #tpu.memory_space<vmem>>, vector<1x16xf32>,
        %get3A_600 = vector.shape_cast %get3A_599 : vector<1x16xf32> to vector<16xf32>
        %add3A_601 = arith.addf %get3A_596, %get3A_600 : vector<16xf32>
        %swap3A_602 = arith.index_cast %add3A_438 : i32 to index
        %swap3A_603 = arith.constant 176 : index
        %swap3A_604 = tpu.vector_load %arg17[%swap3A_602, %swap3A_603] {strides = array<i32>} : memref<32x256xf32, #tpu.memory_space<vmem>>, vector<1x16xf32>,
        %swap3A_605 = vector.shape_cast %swap3A_604 : vector<1x16xf32> to vector<16xf32>
        %swap3A_606 = vector.shape_cast %add3A_601 : vector<16xf32> to vector<1x16xf32>
        tpu.vector_store %arg17[%swap3A_602, %swap3A_603], %swap3A_606 {strides = array<i32>} : memref<32x256xf32, #tpu.memory_space<vmem>>, vector<1x16xf32>,
        %get3A_607 = arith.index_cast %add3A_438 : i32 to index
        %get3A_608 = arith.constant 192 : index
        %get3A_609 = tpu.vector_load %arg17[%get3A_607, %get3A_608] {strides = array<i32>} : memref<32x256xf32, #tpu.memory_space<vmem>>, vector<1x16xf32>,
        %get3A_610 = vector.shape_cast %get3A_609 : vector<1x16xf32> to vector<16xf32>
        %get3A_611 = arith.index_cast %add3A_438 : i32 to index
        %get3A_612 = arith.constant 192 : index
        %get3A_613 = tpu.vector_load %arg13[%get3A_611, %get3A_612] {strides = array<i32>} : memref<32x256xf32, #tpu.memory_space<vmem>>, vector<1x16xf32>,
        %get3A_614 = vector.shape_cast %get3A_613 : vector<1x16xf32> to vector<16xf32>
        %add3A_615 = arith.addf %get3A_610, %get3A_614 : vector<16xf32>
        %swap3A_616 = arith.index_cast %add3A_438 : i32 to index
        %swap3A_617 = arith.constant 192 : index
        %swap3A_618 = tpu.vector_load %arg17[%swap3A_616, %swap3A_617] {strides = array<i32>} : memref<32x256xf32, #tpu.memory_space<vmem>>, vector<1x16xf32>,
        %swap3A_619 = vector.shape_cast %swap3A_618 : vector<1x16xf32> to vector<16xf32>
        %swap3A_620 = vector.shape_cast %add3A_615 : vector<16xf32> to vector<1x16xf32>
        tpu.vector_store %arg17[%swap3A_616, %swap3A_617], %swap3A_620 {strides = array<i32>} : memref<32x256xf32, #tpu.memory_space<vmem>>, vector<1x16xf32>,
        %get3A_621 = arith.index_cast %add3A_438 : i32 to index
        %get3A_622 = arith.constant 208 : index
        %get3A_623 = tpu.vector_load %arg17[%get3A_621, %get3A_622] {strides = array<i32>} : memref<32x256xf32, #tpu.memory_space<vmem>>, vector<1x16xf32>,
        %get3A_624 = vector.shape_cast %get3A_623 : vector<1x16xf32> to vector<16xf32>
        %get3A_625 = arith.index_cast %add3A_438 : i32 to index
        %get3A_626 = arith.constant 208 : index
        %get3A_627 = tpu.vector_load %arg13[%get3A_625, %get3A_626] {strides = array<i32>} : memref<32x256xf32, #tpu.memory_space<vmem>>, vector<1x16xf32>,
        %get3A_628 = vector.shape_cast %get3A_627 : vector<1x16xf32> to vector<16xf32>
        %add3A_629 = arith.addf %get3A_624, %get3A_628 : vector<16xf32>
        %swap3A_630 = arith.index_cast %add3A_438 : i32 to index
        %swap3A_631 = arith.constant 208 : index
        %swap3A_632 = tpu.vector_load %arg17[%swap3A_630, %swap3A_631] {strides = array<i32>} : memref<32x256xf32, #tpu.memory_space<vmem>>, vector<1x16xf32>,
        %swap3A_633 = vector.shape_cast %swap3A_632 : vector<1x16xf32> to vector<16xf32>
        %swap3A_634 = vector.shape_cast %add3A_629 : vector<16xf32> to vector<1x16xf32>
        tpu.vector_store %arg17[%swap3A_630, %swap3A_631], %swap3A_634 {strides = array<i32>} : memref<32x256xf32, #tpu.memory_space<vmem>>, vector<1x16xf32>,
        %get3A_635 = arith.index_cast %add3A_438 : i32 to index
        %get3A_636 = arith.constant 224 : index
        %get3A_637 = tpu.vector_load %arg17[%get3A_635, %get3A_636] {strides = array<i32>} : memref<32x256xf32, #tpu.memory_space<vmem>>, vector<1x16xf32>,
        %get3A_638 = vector.shape_cast %get3A_637 : vector<1x16xf32> to vector<16xf32>
        %get3A_639 = arith.index_cast %add3A_438 : i32 to index
        %get3A_640 = arith.constant 224 : index
        %get3A_641 = tpu.vector_load %arg13[%get3A_639, %get3A_640] {strides = array<i32>} : memref<32x256xf32, #tpu.memory_space<vmem>>, vector<1x16xf32>,
        %get3A_642 = vector.shape_cast %get3A_641 : vector<1x16xf32> to vector<16xf32>
        %add3A_643 = arith.addf %get3A_638, %get3A_642 : vector<16xf32>
        %swap3A_644 = arith.index_cast %add3A_438 : i32 to index
        %swap3A_645 = arith.constant 224 : index
        %swap3A_646 = tpu.vector_load %arg17[%swap3A_644, %swap3A_645] {strides = array<i32>} : memref<32x256xf32, #tpu.memory_space<vmem>>, vector<1x16xf32>,
        %swap3A_647 = vector.shape_cast %swap3A_646 : vector<1x16xf32> to vector<16xf32>
        %swap3A_648 = vector.shape_cast %add3A_643 : vector<16xf32> to vector<1x16xf32>
        tpu.vector_store %arg17[%swap3A_644, %swap3A_645], %swap3A_648 {strides = array<i32>} : memref<32x256xf32, #tpu.memory_space<vmem>>, vector<1x16xf32>,
        %get3A_649 = arith.index_cast %add3A_438 : i32 to index
        %get3A_650 = arith.constant 240 : index
        %get3A_651 = tpu.vector_load %arg17[%get3A_649, %get3A_650] {strides = array<i32>} : memref<32x256xf32, #tpu.memory_space<vmem>>, vector<1x16xf32>,
        %get3A_652 = vector.shape_cast %get3A_651 : vector<1x16xf32> to vector<16xf32>
        %get3A_653 = arith.index_cast %add3A_438 : i32 to index
        %get3A_654 = arith.constant 240 : index
        %get3A_655 = tpu.vector_load %arg13[%get3A_653, %get3A_654] {strides = array<i32>} : memref<32x256xf32, #tpu.memory_space<vmem>>, vector<1x16xf32>,
        %get3A_656 = vector.shape_cast %get3A_655 : vector<1x16xf32> to vector<16xf32>
        %add3A_657 = arith.addf %get3A_652, %get3A_656 : vector<16xf32>
        %swap3A_658 = arith.index_cast %add3A_438 : i32 to index
        %swap3A_659 = arith.constant 240 : index
        %swap3A_660 = tpu.vector_load %arg17[%swap3A_658, %swap3A_659] {strides = array<i32>} : memref<32x256xf32, #tpu.memory_space<vmem>>, vector<1x16xf32>,
        %swap3A_661 = vector.shape_cast %swap3A_660 : vector<1x16xf32> to vector<16xf32>
        %swap3A_662 = vector.shape_cast %add3A_657 : vector<16xf32> to vector<1x16xf32>
        tpu.vector_store %arg17[%swap3A_658, %swap3A_659], %swap3A_662 {strides = array<i32>} : memref<32x256xf32, #tpu.memory_space<vmem>>, vector<1x16xf32>,
      }
      %scan3A_200 = arith.constant 16 : i32
      %mul3A_201 = arith.constant 32 : i32
      %mul3A_202 = arith.muli %add3A_175, %mul3A_201 : i32
      %add3A_203 = arith.addi %mul3A_2, %mul3A_202 : i32
      %dma_start3A_204 = arith.constant 0 : i32
      %dma_start3A_205 = tpu.memref_slice %arg6[%add3A_203, %dma_start3A_204] : memref<65536x256xf32, #tpu.memory_space<hbm>> -> memref<32x256xf32, #tpu.memory_space<hbm>>
      %dma_start3A_206 = arith.constant 0 : i32
      %dma_start3A_207 = tpu.memref_slice %arg6[%add3A_203, %dma_start3A_206] : memref<65536x256xf32, #tpu.memory_space<hbm>> -> memref<32x256xf32, #tpu.memory_space<hbm>>
      tpu.enqueue_dma source(%arg17 : memref<32x256xf32, #tpu.memory_space<vmem>>) target(%dma_start3A_207 : memref<32x256xf32, #tpu.memory_space<hbm>>) target_semaphore(%arg29 : memref<!tpu.dma_semaphore, #tpu.memory_space<semaphore_mem>>)
    }
    %scan3A_51 = arith.constant 16 : i32
    %dma_wait3A = arith.constant 0 : i32
    %dma_wait3A_52 = tpu.memref_slice %arg6[%mul3A_2, %dma_wait3A] : memref<65536x256xf32, #tpu.memory_space<hbm>> -> memref<32x256xf32, #tpu.memory_space<hbm>>
    %dma_wait3A_53 = arith.constant 0 : i32
    %dma_wait3A_54 = tpu.memref_slice %arg6[%mul3A_2, %dma_wait3A_53] : memref<65536x256xf32, #tpu.memory_space<hbm>> -> memref<32x256xf32, #tpu.memory_space<hbm>>
    tpu.wait_dma2 semaphore(%arg26 : memref<!tpu.dma_semaphore, #tpu.memory_space<semaphore_mem>>) src(%arg14 : memref<32x256xf32, #tpu.memory_space<vmem>>) dst(%dma_wait3A_54 : memref<32x256xf32, #tpu.memory_space<hbm>>)
    %dma_wait3A_55 = arith.constant 0 : i32
    %dma_wait3A_56 = tpu.memref_slice %arg6[%mul3A_2, %dma_wait3A_55] : memref<65536x256xf32, #tpu.memory_space<hbm>> -> memref<32x256xf32, #tpu.memory_space<hbm>>
    %dma_wait3A_57 = arith.constant 0 : i32
    %dma_wait3A_58 = tpu.memref_slice %arg6[%mul3A_2, %dma_wait3A_57] : memref<65536x256xf32, #tpu.memory_space<hbm>> -> memref<32x256xf32, #tpu.memory_space<hbm>>
    tpu.wait_dma2 semaphore(%arg27 : memref<!tpu.dma_semaphore, #tpu.memory_space<semaphore_mem>>) src(%arg15 : memref<32x256xf32, #tpu.memory_space<vmem>>) dst(%dma_wait3A_58 : memref<32x256xf32, #tpu.memory_space<hbm>>)
    %dma_wait3A_59 = arith.constant 0 : i32
    %dma_wait3A_60 = tpu.memref_slice %arg6[%mul3A_2, %dma_wait3A_59] : memref<65536x256xf32, #tpu.memory_space<hbm>> -> memref<32x256xf32, #tpu.memory_space<hbm>>
    %dma_wait3A_61 = arith.constant 0 : i32
    %dma_wait3A_62 = tpu.memref_slice %arg6[%mul3A_2, %dma_wait3A_61] : memref<65536x256xf32, #tpu.memory_space<hbm>> -> memref<32x256xf32, #tpu.memory_space<hbm>>
    tpu.wait_dma2 semaphore(%arg28 : memref<!tpu.dma_semaphore, #tpu.memory_space<semaphore_mem>>) src(%arg16 : memref<32x256xf32, #tpu.memory_space<vmem>>) dst(%dma_wait3A_62 : memref<32x256xf32, #tpu.memory_space<hbm>>)
    %dma_wait3A_63 = arith.constant 0 : i32
    %dma_wait3A_64 = tpu.memref_slice %arg6[%mul3A_2, %dma_wait3A_63] : memref<65536x256xf32, #tpu.memory_space<hbm>> -> memref<32x256xf32, #tpu.memory_space<hbm>>
    %dma_wait3A_65 = arith.constant 0 : i32
    %dma_wait3A_66 = tpu.memref_slice %arg6[%mul3A_2, %dma_wait3A_65] : memref<65536x256xf32, #tpu.memory_space<hbm>> -> memref<32x256xf32, #tpu.memory_space<hbm>>
    tpu.wait_dma2 semaphore(%arg29 : memref<!tpu.dma_semaphore, #tpu.memory_space<semaphore_mem>>) src(%arg17 : memref<32x256xf32, #tpu.memory_space<vmem>>) dst(%dma_wait3A_66 : memref<32x256xf32, #tpu.memory_space<hbm>>)
    return
  }
}

</mosaic_0001>

<sc_bundles>
// kernel: _run.3.cloned.1.call-start
scs
__scs_entry_jumppad:
0x0: {  	(pc) =	sbr.rel $0x88, $3  }
0x1: {  	(tag) =	ssettag $0x0;
	lr =	simm.s32 $0x1  }
0x2: {  	[smem:$0x3F9D] =	sst lr;
	_ =	strace $0xD0000000  }
0x3: {  	_ = 	snop  }
0x4: {  	_ = 	snop  }
0x5: {  	_ = 	snop  }
0x6: {  	_ = 	snop  }
0x7: {  	_ = 	snop  }
__scs_overlays_trampoline_lowered:
0x8: {  	[smem:$0x3FAC] =	sst s0  }
0x9: {  	[smem:$0x3FAD] =	sst s1  }
0xa: {  	[smem:$0x3FAE] =	sst s2  }
0xb: {  	[smem:$0x3FAF] =	sst s3  }
0xc: {  	[smem:$0x3FB0] =	sst s4  }
0xd: {  	[smem:$0x3FB1] =	sst s5  }
0xe: {  	[smem:$0x3FB2] =	sst s6  }
0xf: {  	[smem:$0x3FB3] =	sst s7  }
0x10: {  	[smem:$0x3FB4] =	sst s8  }
0x11: {  	[smem:$0x3FB5] =	sst s9;
	s0 =	simm.s32 @!p0 $0x0  }
0x12: {  	s1 =	sld [smem:$0x3F9B];
	s0 =	simm.s32 @p0 $0x1  }
0x13: {  	[smem:$0x3FB6] =	sst s0;
	s0 =	simm.s32 @!p1 $0x0  }
0x14: {  	s2 =	sld [smem:$0x3F9A];
	s0 =	simm.s32 @p1 $0x1  }
0x15: {  	[smem:$0x3FB7] =	sst s0;
	s0 =	simm.s32 @!p2 $0x0  }
0x16: {  	s3 =	sld [smem:$0x3FDB];
	s0 =	simm.s32 @p2 $0x1  }
0x17: {  	s4 =	simm.s32 $0x1BF5;
	[smem:$0x3FB9] =	sst s0  }
0x18: {  	s0 =	sld [smem:$0x3F9C];
	_ =	swait.ge [sflag:s4], $0x0  }
0x19: {  	s7 =	sld [smem:$0x3F9D]  }
0x1a: {  	s8 =	sadd.s32 $0xFFFFE003, lr  }
0x1b: {  	s9 =	sadd.s32 $0xFFFFFEF7, lr;
	s5 =	simm.s32 $0xFFFFFFFF;
	p2 =	slt.u32 s8, $0xFFFFF086  }
0x1c: {  	p1 =	slt.u32 s9, $0xF7A;
	s5 =	simm.s32 @!p2 $0x0  }
0x1d: {  	s5 =	simm.s32 @p1 $0x1;
	p0 =	seq.s32 s7, s2  }
0x1e: {  	s7 =	smul.u32 @!p0 $0xF7A, s2;
	p2 =	seq.s32 @!p0 s5, $0x0  }
0x1f: {  	s9 =	smul.u32 $0xF7A, s1;
	s8 =	simm.s32 @!p0 $0x1BF5;
	p2 =	por !p2, p0  }
0x20: {  	[sflag:s8] =	ssyncset.s32 @!p0 $0xFFFFF086;
	s6 =	sadd.s32 @!p0 s3, s7;
	s7 =	simm.s32 @!p0 $0x108  }
0x21: {  	s3 =	sadd.s32 s3, s9;
	s6 =	sadd.s32 @!p0 $0x88, s6;
	s7 =	simm.s32 @p2 $0x1082  }
0x22: {  	[simem:s7], [sflag:s8] =	dma.local @!p0 [hbm:s6], $0xF7A  }
0x23: {  	s9 =	sor.u32 $0xD0000000, s2;
	s6 =	simm.s32 $0x108;
	_ =	swait.ge @!p0 [sflag:s8], $0x0  }
0x24: {  	s3 =	sadd.s32 $0x88, s3;
	s6 =	simm.s32 @!p1 $0x1082;
	[sflag:s4] =	ssyncset.s32 $0xFFFFF086  }
0x25: {  	[simem:s6], [sflag:s4] =	dma.local [hbm:s3], $0xF7A  }
0x26: {  	[smem:$0x3F9D] =	sst s1;
	(tag) =	ssettag s2;
	_ =	strace s9  }
0x27: {  	s1 =	sld [smem:$0x3FAD]  }
0x28: {  	s2 =	sld [smem:$0x3FAE]  }
0x29: {  	s4 =	sld [smem:$0x3FB0]  }
0x2a: {  	p0 =	seq.s32 s5, $0x0;
	s5 =	sld [smem:$0x3FB1]  }
0x2b: {  	s6 =	sld [smem:$0x3FB2]  }
0x2c: {  	s7 =	sld [smem:$0x3FB3]  }
0x2d: {  	s3 =	simm.s32 $0x108;
	s8 =	sld [smem:$0x3FB4]  }
0x2e: {  	s3 =	simm.s32 @!p0 $0x1082;
	s9 =	sld [smem:$0x3FB5]  }
0x2f: {  	lr =	sadd.s32 s0, s3;
	s0 =	sld [smem:$0x3FAC]  }
0x30: {  	s3 =	sld [smem:$0x3FAF]  }
0x31: {  	[smem:$0x3FB8] =	sst s10  }
0x32: {  	s10 =	sld [smem:$0x3FB6];
	_ =	sdelay $0x3  }
0x33: {  	p0 =	seq.s32 s10, $0x1;
	s10 =	sld [smem:$0x3FB8];
	_ =	sdelay $0x3  }
0x34: {  	[smem:$0x3FB8] =	sst s10  }
0x35: {  	s10 =	sld [smem:$0x3FB7];
	_ =	sdelay $0x3  }
0x36: {  	p1 =	seq.s32 s10, $0x1;
	s10 =	sld [smem:$0x3FB8];
	_ =	sdelay $0x3  }
0x37: {  	[smem:$0x3FB8] =	sst s10  }
0x38: {  	s10 =	sld [smem:$0x3FB9]  }
0x39: {  	_ = 	snop;
	(pc) =	sbr.ind lr, $3  }
0x3a: {  	_ = 	snop  }
0x3b: {  	_ = 	snop  }
0x3c: {  	p2 =	seq.s32 s10, $0x1;
	s10 =	sld [smem:$0x3FB8]  }
0x3d: {  	_ =	shalt  }
0x3e: {  	_ =	shalt  }
0x3f: {  	_ =	shalt  }
0x40: {  	_ =	shalt  }
0x41: {  	_ =	shalt  }
0x42: {  	_ =	shalt  }
0x43: {  	_ =	shalt  }
0x44: {  	_ =	shalt  }
0x45: {  	_ =	shalt  }
0x46: {  	_ =	shalt  }
0x47: {  	_ =	shalt  }
0x48: {  	_ =	shalt  }
0x49: {  	_ =	shalt  }
0x4a: {  	_ =	shalt  }
0x4b: {  	_ =	shalt  }
0x4c: {  	_ =	shalt  }
0x4d: {  	_ =	shalt  }
0x4e: {  	_ =	shalt  }
0x4f: {  	_ =	shalt  }
0x50: {  	_ =	shalt  }
0x51: {  	_ =	shalt  }
0x52: {  	_ =	shalt  }
0x53: {  	_ =	shalt  }
0x54: {  	_ =	shalt  }
0x55: {  	_ =	shalt  }
0x56: {  	_ =	shalt  }
0x57: {  	_ =	shalt  }
0x58: {  	_ =	shalt  }
0x59: {  	_ =	shalt  }
0x5a: {  	_ =	shalt  }
0x5b: {  	_ =	shalt  }
0x5c: {  	_ =	shalt  }
0x5d: {  	_ =	shalt  }
0x5e: {  	_ =	shalt  }
0x5f: {  	_ =	shalt  }
0x60: {  	_ =	shalt  }
0x61: {  	_ =	shalt  }
0x62: {  	_ =	shalt  }
0x63: {  	_ =	shalt  }
0x64: {  	_ =	shalt  }
0x65: {  	_ =	shalt  }
0x66: {  	_ =	shalt  }
0x67: {  	_ =	shalt  }
0x68: {  	_ =	shalt  }
0x69: {  	_ =	shalt  }
0x6a: {  	_ =	shalt  }
0x6b: {  	_ =	shalt  }
0x6c: {  	_ =	shalt  }
0x6d: {  	_ =	shalt  }
0x6e: {  	_ =	shalt  }
0x6f: {  	_ =	shalt  }
0x70: {  	_ =	shalt  }
0x71: {  	_ =	shalt  }
0x72: {  	_ =	shalt  }
0x73: {  	_ =	shalt  }
0x74: {  	_ =	shalt  }
0x75: {  	_ =	shalt  }
0x76: {  	_ =	shalt  }
0x77: {  	_ =	shalt  }
0x78: {  	_ =	shalt  }
0x79: {  	_ =	shalt  }
0x7a: {  	_ =	shalt  }
0x7b: {  	_ =	shalt  }
0x7c: {  	_ =	shalt  }
0x7d: {  	_ =	shalt  }
0x7e: {  	_ =	shalt  }
0x7f: {  	_ =	shalt  }
0x80: {  	_ =	shalt  }
0x81: {  	_ =	shalt  }
0x82: {  	_ =	shalt  }
0x83: {  	_ =	shalt  }
0x84: {  	_ =	shalt  }
0x85: {  	_ =	shalt  }
0x86: {  	_ =	shalt  }
0x87: {  	_ =	shalt  }
.Lfunc_end0:
.L_simem_size_0:
called_computation_lowered:
.L_overlay_start_0:
0x88: {  	s2 =	sld [smem:$0x3FD9]  }
0x89: {  	s3 =	sld [smem:$0x3FFE];
	_ =	sdelay $0x1  }
0x8a: {  	s1 =	srdreg.scid  }
0x8b: {  	s0 =	sand.u32 $0x1, s1  }
0x8c: {  	s18 =	sshll.u32 s0, $0xA;
	s2 =	sadd.s32 s3, s2  }
0x8d: {  	s2 =	sadd.s32 s2, s18  }
0x8e: {  	[smem:$0x3FC4] =	sst s2  }
0x8f: {  	_ = 	snop  }
0x90: {  	s2 =	sld [smem:$0x3FC9]  }
0x91: {  	s19 =	sld [smem:$0x3FC8]  }
0x92: {  	s4 =	sld [smem:$0x3FC7]  }
0x93: {  	s5 =	sld [smem:$0x3FC6]  }
0x94: {  	s6 =	sld [smem:$0x3FD0];
	(tm) =	ssettm $0x1  }
0x95: {  	s7 =	sld [smem:$0x3FFB];
	_ =	sdelay $0x3  }
0x96: {  	_ =	strace s7  }
0x97: {  	s7 =	sld [smem:$0x3FFC];
	_ =	sdelay $0x3  }
0x98: {  	_ =	strace s7  }
0x99: {  	s7 =	sld [smem:$0x3FFD];
	_ =	sdelay $0x3  }
0x9a: {  	_ =	strace s7  }
0x9b: {  	_ =	strace $0x8FFFFFFF  }
0x9c: {  	s20 =	sld [smem:$0x3FDB];
	_ =	sdelay $0x1  }
0x9d: {  	s8 =	simm.s32 $_scs_section_size  }
0x9e: {  	s9 =	simm.s32 $_size__tile_overlayer_lowered;
	s10 =	simm.s32 $_tile_overlayer_lowered  }
0x9f: {  	s23 =	simm.s32 $0x1BFF;
	s22 =	sshll.u32 s10, $0x1;
	s7 =	sadd.s32 s8, s20  }
0xa0: {  	s11 =	simm.s32 $0x0;
	s21 =	sshll.u32 s9, $0x1;
	s9 =	sadd.s32 s22, s7  }
0xa1: {  	[timem:s11], [sflag:s23] =	dma.local [hbm:s9], s21  }
0xa2: {  	_ =	swait.ge [sflag:s23], s21  }
0xa3: {  	s8 =	ssub.s32 $0x0, s21;
	[sflag:s23] =	ssyncset.done $0x0  }
0xa4: {  	[sflag:s23] =	ssyncadd.s32 s8;
	_ =	sdelay $0x1  }
0xa5: {  	s24 =	simm.s32 $0x1B8B  }
0xa6: {  	_ =	swait.ge [sflag:s24], $0x1  }
0xa7: {  	[sflag:s24] =	ssyncset.done $0x0  }
0xa8: {  	s25 =	simm.s32 $0x1B8E;
	[sflag:s24] =	ssyncadd.s32 $0xFFFFFFFF  }
0xa9: {  	s26 =	simm.s32 $execute0_lowered;
	[smem:$0x3FD2] =	sst s25  }
0xaa: {  	s8 =	sshll.u32 s26, $0x1;
	_ =	strace $0x80000046;
	[dreg:$0x1] =	wrdreg $0xFFFFFFFF  }
0xab: {  	s28 =	simm.s32 $_size_execute0_lowered;
	s7 =	sadd.s32 s7, s8;
	[dreg:$0x0] =	wrdreg $0x0  }
0xac: {  	s8 =	sshll.u32 s28, $0x1;
	[dreg:$0x2] =	wrdreg s7  }
0xad: {  	[dreg:$0x3] =	wrdreg s8  }
0xae: {  	[dreg:$0x4] =	wrdreg $0xC0  }
0xaf: {  	_ =	task [dreg:s11], $0x5FFFF  }
0xb0: {  	[dreg:$0x1] =	wrdreg $0xFFFFFFFF  }
0xb1: {  	[dreg:$0x0] =	wrdreg $0x60  }
0xb2: {  	[dreg:$0x2] =	wrdreg s2  }
0xb3: {  	[dreg:$0x3] =	wrdreg s19  }
0xb4: {  	[dreg:$0x4] =	wrdreg s4  }
0xb5: {  	[dreg:$0x5] =	wrdreg s5  }
0xb6: {  	[dreg:$0x6] =	wrdreg s6  }
0xb7: {  	[dreg:$0x7] =	wrdreg $0x9  }
0xb8: {  	_ =	task.clear_ibuf [dreg:s11], $0x8FFFF;
	_ =	strace $0x90000046  }
0xb9: {  	s29 =	simm.s32 $0x9;
	_ =	strace $0x80000048  }
0xba: {  	_ =	swait.ge [sflag:s29], $0x1  }
0xbb: {  	[sflag:s29] =	ssyncadd.s32 $0xFFFFFFFF  }
0xbc: {  	_ =	strace $0x90000048  }
0xbd: {  	_ =	sfence  }
0xbe: {  	s30 =	sld [smem:$0x0];
	_ =	sdelay $0x2  }
0xbf: {  	s31 =	sshll.u32 s1, $0xD;
	s1 =	sshrl.u32 s1, $0x2  }
0xc0: {  	s3 =	sand.u32 $0x4000, s31;
	s1 =	sadd.s32 s1, s30  }
0xc1: {  	s0 =	sor.u32 s3, s0;
	s1 =	sshll.u32 s1, $0x11  }
0xc2: {  	s0 =	sor.u32 s1, s0  }
0xc3: {  	s0 =	sadd.s32 $0x8F2B, s0  }
0xc4: {  	[sflag:s0] =	ssyncadd.remote.s32 $0x1  }
0xc5: {  	_ =	sfence.sel $0xFFFF  }
0xc6: {  	[dreg:$0x0] =	wrdreg $0xFFFFFFFF;
	(pc) =	sbr.abs _section_cstart, $3  }
0xc7: {  	[dreg:$0x1] =	wrdreg $0xFFFFFFFF  }
0xc8: {  	_ =	task.clear_ibuf [dreg:s11], $0x2FFFF;
	_ =	strace $0x9FFFFFFF  }
0xc9: {  	(tm) =	ssettm $0x7FFFFFFF  }
tec
execute0_lowered:
.L_overlay_start_1:
0x0: {  	(tag) =	ssettag $0x1  }
0x1: {  	s9 =	rddreg [dreg:$0x0]  }
0x2: {  	s0 =	rddreg [dreg:$0x1]  }
0x3: {  	s1 =	rddreg [dreg:$0x2]  }
0x4: {  	s2 =	rddreg [dreg:$0x3]  }
0x5: {  	s3 =	rddreg [dreg:$0x4]  }
0x6: {  	s5 =	simm.s32 $0x0;
	s4 =	srdreg.scid;
	s6 =	stileid.u32  }
0x7: {  	s18 =	simm.s32 $0xB000;
	s29 =	simm.s32 $0xF000;
	s16 =	simm.s32 $0x11000  }
0x8: {  	s19 =	simm.s32 $0x12000;
	s20 =	simm.s32 $0x12800;
	s28 =	simm.s32 $0x7  }
0x9: {  	s30 =	simm.s32 $0x4;
	s31 =	simm.s32 $0x8;
	s14 =	simm.s32 $0x0  }
0xa: {  	[smem:$0x7FF] =	sst s5;
	s4 =	sand.u32 $0x1, s4;
	s6 =	sshll.u32 s6, $0xC  }
0xb: {  	s7 =	ssub.s32 $0x2, s4;
	s4 =	sshll.u32 s4, $0xB;
	_ =	strace $0x80000047  }
0xc: {  	s8 =	sshrl.u32 s7, $0x1;
	s6 =	sor.u32 s4, s6;
	s4 =	simm.s32 $0x0  }
0xd: {  	s21 =	ssub.s32 s7, s8;
	s22 =	sshrl.u32 s6, $0x3;
	s7 =	sshll.u32 s6, $0x5  }
0xe: {  	s0 =	sadd.s32 s0, s22;
	s23 =	sadd.s32 s1, s22;
	s10 =	sadd.s32 s9, s7  }
0xf: {  	s13 =	sadd.s32 s3, s7;
	s26 =	smax.u32 s21, $0x1;
	[dreg:$0x6] =	wrdreg s0  }
0x10: {  	s21 =	simm.s32 $0x1;
	s22 =	simm.s32 $0x5;
	[dreg:$0x7] =	wrdreg s23  }
0x11: {  	v2 =	vlaneseq.u32;
	s24 =	sadd.s32 $0x400, s10;
	s25 =	sadd.s32 $0x800, s10;
	[dreg:$0xa] =	wrdreg s26  }
0x12: {  	vm0 =	vmmov $0xffff;
	v1 =	vshrl.u32 v2, $0x3;
	s23 =	simm.s32 $0xD000;
	s26 =	simm.s32 $0x3;
	[dreg:$0x8] =	wrdreg s24  }
0x13: {  	v0 =	vand.u32 $0x7, v2;
	v2 =	vor.u32 $0x8, v2;
	v1 =	vmul.u32 $0x8, v1;
	[dreg:$0x9] =	wrdreg s25;
	s24 =	simm.s32 $0x2;
	s25 =	simm.s32 $0x6  }
.LBB2_1:
0x14: {  	[dreg:$0xb] =	wrdreg s4  }
0x15: {  	s0 =	rddreg [dreg:$0x6];
	s1 =	simm.s32 $0xD  }
0x16: {  	[tilespmem:s5], [sflag:$0xD] =	stream.linear.gather [hbm4b:s0+s5], $0x800, $0x38;
	[tilespmem:$0x13000] =	vst v63  }
0x17: {  	_ =	swait.ge [sflag:s1], $0x800  }
0x18: {  	[sflag:s1] =	ssyncset.done $0x0  }
0x19: {  	s15 =	simm.s32 $0x800;
	s12 =	rddreg [dreg:$0x7];
	[sflag:s1] =	ssyncadd.s32 $0xFFFFF800  }
0x1a: {  	[tilespmem:s15], [sflag:$0xD] =	stream.linear.gather [hbm4b:s12+s5], $0x800, $0x38;
	[tilespmem:$0x13000] =	vst v63  }
0x1b: {  	_ =	swait.ge [sflag:s1], $0x800  }
0x1c: {  	[sflag:s1] =	ssyncset.done $0x0  }
0x1d: {  	s17 =	simm.s32 $0x0;
	[sflag:s1] =	ssyncadd.s32 $0xFFFFF800  }
0x1e: {  	v3 =	vld [tilespmem:s17+$0x0];
	_ =	sdelay $0x1  }
0x1f: {  	v4 =	vld [tilespmem:s17+$0x800];
	_ =	sdelay $0x2  }
0x20: {  	v3 =	vmul.u32 $0x64, v3;
	_ =	sdelay $0x1  }
0x21: {  	s0 =	simm.s32 $0x1010;
	v3 =	vadd.s32 v4, v3  }
0x22: {  	[tilespmem:s0+$0xFFFFFFF0] =	vst v3  }
0x23: {  	v3 =	vld [tilespmem:s17+$0x10];
	_ =	sdelay $0x1  }
0x24: {  	v63 =	vld [tilespmem:s17+$0x810];
	_ =	sdelay $0x2  }
0x25: {  	v3 =	vmul.u32 $0x64, v3;
	_ =	sdelay $0x1  }
0x26: {  	v3 =	vadd.s32 v63, v3  }
0x27: {  	s8 =	simm.s32 $0x20;
	s1 =	simm.s32 $0x100;
	[tilespmem:s0+$0x0] =	vst v3  }
.LBB2_2:
0x28: {  	p0 =	sne.s32 s1, $0x1F80;
	v3 =	vld [tilespmem:s8+$0x0]  }
0x29: {  	v4 =	vld [tilespmem:s8+$0x800];
	_ =	sdelay $0x3  }
0x2a: {  	v3 =	vmul.u32 $0x64, v3;
	_ =	sdelay $0x1  }
0x2b: {  	s0 =	sadd.s32 $0x80, s0;
	v3 =	vadd.s32 v4, v3  }
0x2c: {  	[tilespmem:s0+$0xFFFFFFF0] =	vst v3  }
0x2d: {  	v3 =	vld [tilespmem:s8+$0x10]  }
0x2e: {  	v4 =	vld [tilespmem:s8+$0x810];
	_ =	sdelay $0x2  }
.Ltmp0:
0x2f: {  	(pc) =	sbr.rel @p0 .LBB2_2-.Ltmp0, $3  }
0x30: {  	v3 =	vmul.u32 $0x64, v3;
	_ =	sdelay $0x1  }
0x31: {  	v3 =	vadd.s32 v4, v3  }
0x32: {  	s8 =	sshra.s32 s1, $0x2;
	s1 =	sadd.s32 $0x80, s1;
	[tilespmem:s0+$0x0] =	vst v3  }
0x33: {  	v3 =	vld [tilespmem:s8+$0x0];
	_ =	sdelay $0x1  }
0x34: {  	v4 =	vld [tilespmem:s8+$0x800];
	_ =	sdelay $0x2  }
0x35: {  	v3 =	vmul.u32 $0x64, v3;
	_ =	sdelay $0x1  }
0x36: {  	s0 =	sadd.s32 $0x80, s0;
	v3 =	vadd.s32 v4, v3  }
0x37: {  	[tilespmem:s0+$0xFFFFFFF0] =	vst v3  }
0x38: {  	v3 =	vld [tilespmem:s8+$0x10];
	_ =	sdelay $0x1  }
0x39: {  	v57 =	vld [tilespmem:s8+$0x810];
	_ =	sdelay $0x2  }
0x3a: {  	v3 =	vmul.u32 $0x64, v3;
	_ =	sdelay $0x1  }
0x3b: {  	v3 =	vadd.s32 v57, v3  }
0x3c: {  	s9 =	simm.s32 $0x3000;
	[tilespmem:s0+$0x0] =	vst v3  }
0x3d: {  	[tilespmem:s9], [sflag:$0x1] =	stream.linear.gather [hbm4b:s10+s14], $0x2000, $0x38;
	[tilespmem:$0x13000] =	vst v63  }
0x3e: {  	v3 =	vld [tilespmem:$0x1000];
	_ =	sdelay $0x4  }
0x3f: {  	v58 =	vshll.u32 v3, $0x1  }
0x40: {  	v3 =	vand.u32 $0x7, v3;
	v4 =	vand.u32 $0xFFFFFFF0, v58  }
0x41: {  	v3 =	vor.u32 v3, v4  }
0x42: {  	v4 =	vperm.xlane v3, v0;
	_ =	sdelay $0x1  }
0x43: {  	v3 =	vperm.xlane v3, v2;
	v4 =	vadd.s32 v1, v4;
	_ =	sdelay $0x1  }
0x44: {  	v3 =	vadd.s32 v1, v3;
	_ =	sdelay $0x2  }
0x45: {  	[tilespmem:s18], [sflag:$0x5] =	stream.indirect_vreg.gather [hbm4b:s2+s14], $0x80, v4, vm0, $0xb8;
	[tilespmem:$0x13000] =	vst v63  }
0x46: {  	s11 =	simm.s32 $0xB800  }
0x47: {  	[tilespmem:s11], [sflag:$0x5] =	stream.indirect_vreg.gather [hbm4b:s2+s14], $0x80, v3, vm0, $0xb8;
	[tilespmem:$0x13000] =	vst v63  }
0x48: {  	v3 =	vld [tilespmem:$0x1010];
	_ =	sdelay $0x4  }
0x49: {  	v59 =	vshll.u32 v3, $0x1  }
0x4a: {  	v3 =	vand.u32 $0x7, v3;
	v4 =	vand.u32 $0xFFFFFFF0, v59  }
0x4b: {  	v3 =	vor.u32 v3, v4  }
0x4c: {  	v4 =	vperm.xlane v3, v0;
	_ =	sdelay $0x1  }
0x4d: {  	v3 =	vperm.xlane v3, v2;
	v4 =	vadd.s32 v1, v4;
	_ =	sdelay $0x1  }
0x4e: {  	v3 =	vadd.s32 v1, v3;
	_ =	sdelay $0x1  }
0x4f: {  	s12 =	simm.s32 $0xC000  }
0x50: {  	[tilespmem:s12], [sflag:$0x5] =	stream.indirect_vreg.gather [hbm4b:s2+s14], $0x80, v4, vm0, $0xb8;
	[tilespmem:$0x13000] =	vst v63  }
0x51: {  	s15 =	simm.s32 $0xC800  }
0x52: {  	[tilespmem:s15], [sflag:$0x5] =	stream.indirect_vreg.gather [hbm4b:s2+s14], $0x80, v3, vm0, $0xb8;
	[tilespmem:$0x13000] =	vst v63  }
0x53: {  	s17 =	rddreg [dreg:$0x8];
	s1 =	simm.s32 $0x5000  }
0x54: {  	[tilespmem:s1], [sflag:$0x2] =	stream.linear.gather [hbm4b:s17+s14], $0x2000, $0x38;
	[tilespmem:$0x13000] =	vst v63  }
0x55: {  	v3 =	vld [tilespmem:$0x1080];
	_ =	sdelay $0x4  }
0x56: {  	v60 =	vshll.u32 v3, $0x1  }
0x57: {  	v3 =	vand.u32 $0x7, v3;
	v4 =	vand.u32 $0xFFFFFFF0, v60  }
0x58: {  	v3 =	vor.u32 v3, v4  }
0x59: {  	v4 =	vperm.xlane v3, v0;
	_ =	sdelay $0x1  }
0x5a: {  	v3 =	vperm.xlane v3, v2;
	v4 =	vadd.s32 v1, v4;
	_ =	sdelay $0x1  }
0x5b: {  	v3 =	vadd.s32 v1, v3;
	_ =	sdelay $0x2  }
0x5c: {  	[tilespmem:s23], [sflag:$0x6] =	stream.indirect_vreg.gather [hbm4b:s2+s14], $0x80, v4, vm0, $0xb8;
	[tilespmem:$0x13000] =	vst v63  }
0x5d: {  	s1 =	simm.s32 $0xD800  }
0x5e: {  	[tilespmem:s1], [sflag:$0x6] =	stream.indirect_vreg.gather [hbm4b:s2+s14], $0x80, v3, vm0, $0xb8;
	[tilespmem:$0x13000] =	vst v63  }
0x5f: {  	v3 =	vld [tilespmem:$0x1090];
	_ =	sdelay $0x4  }
0x60: {  	v61 =	vshll.u32 v3, $0x1  }
0x61: {  	v3 =	vand.u32 $0x7, v3;
	v4 =	vand.u32 $0xFFFFFFF0, v61  }
0x62: {  	v3 =	vor.u32 v3, v4  }
0x63: {  	v4 =	vperm.xlane v3, v0;
	_ =	sdelay $0x1  }
0x64: {  	v3 =	vperm.xlane v3, v2;
	v4 =	vadd.s32 v1, v4;
	_ =	sdelay $0x1  }
0x65: {  	v3 =	vadd.s32 v1, v3;
	_ =	sdelay $0x1  }
0x66: {  	s4 =	simm.s32 $0xE000  }
0x67: {  	[tilespmem:s4], [sflag:$0x6] =	stream.indirect_vreg.gather [hbm4b:s2+s14], $0x80, v4, vm0, $0xb8;
	[tilespmem:$0x13000] =	vst v63  }
0x68: {  	s8 =	simm.s32 $0xE800  }
0x69: {  	[tilespmem:s8], [sflag:$0x6] =	stream.indirect_vreg.gather [hbm4b:s2+s14], $0x80, v3, vm0, $0xb8;
	[tilespmem:$0x13000] =	vst v63  }
0x6a: {  	s9 =	rddreg [dreg:$0x9];
	s11 =	simm.s32 $0x7000  }
0x6b: {  	[tilespmem:s11], [sflag:$0x3] =	stream.linear.gather [hbm4b:s9+s14], $0x2000, $0x38;
	[tilespmem:$0x13000] =	vst v63  }
0x6c: {  	v3 =	vld [tilespmem:$0x1100];
	_ =	sdelay $0x4  }
0x6d: {  	v62 =	vshll.u32 v3, $0x1  }
0x6e: {  	v3 =	vand.u32 $0x7, v3;
	v4 =	vand.u32 $0xFFFFFFF0, v62  }
0x6f: {  	v3 =	vor.u32 v3, v4  }
0x70: {  	v4 =	vperm.xlane v3, v0;
	_ =	sdelay $0x1  }
0x71: {  	v3 =	vperm.xlane v3, v2;
	v4 =	vadd.s32 v1, v4;
	_ =	sdelay $0x1  }
0x72: {  	v3 =	vadd.s32 v1, v3;
	_ =	sdelay $0x2  }
0x73: {  	[tilespmem:s29], [sflag:$0x7] =	stream.indirect_vreg.gather [hbm4b:s2+s14], $0x80, v4, vm0, $0xb8;
	[tilespmem:$0x13000] =	vst v63  }
0x74: {  	s12 =	simm.s32 $0xF800  }
0x75: {  	[tilespmem:s12], [sflag:$0x7] =	stream.indirect_vreg.gather [hbm4b:s2+s14], $0x80, v3, vm0, $0xb8;
	[tilespmem:$0x13000] =	vst v63  }
0x76: {  	v3 =	vld [tilespmem:$0x1110];
	_ =	sdelay $0x4  }
0x77: {  	v63 =	vshll.u32 v3, $0x1  }
0x78: {  	v3 =	vand.u32 $0x7, v3;
	v4 =	vand.u32 $0xFFFFFFF0, v63  }
0x79: {  	v3 =	vor.u32 v3, v4  }
0x7a: {  	v4 =	vperm.xlane v3, v0;
	_ =	sdelay $0x1  }
0x7b: {  	v3 =	vperm.xlane v3, v2;
	v4 =	vadd.s32 v1, v4;
	_ =	sdelay $0x1  }
0x7c: {  	v3 =	vadd.s32 v1, v3;
	_ =	sdelay $0x1  }
0x7d: {  	s15 =	simm.s32 $0x10000  }
0x7e: {  	[tilespmem:s15], [sflag:$0x7] =	stream.indirect_vreg.gather [hbm4b:s2+s14], $0x80, v4, vm0, $0xb8;
	[tilespmem:$0x13000] =	vst v63  }
0x7f: {  	s0 =	simm.s32 $0x0;
	s17 =	simm.s32 $0x10800  }
0x80: {  	[tilespmem:s17], [sflag:$0x7] =	stream.indirect_vreg.gather [hbm4b:s2+s14], $0x80, v3, vm0, $0xb8;
	[tilespmem:$0x13000] =	vst v63  }
.LBB2_4:
0x81: {  	p0 =	seq.s32 s0, $0x0  }
0x82: {  	s9 =	simm.s32 @!p0 $0xC  }
0x83: {  	_ =	swait.ge @!p0 [sflag:s9], $0x2000  }
0x84: {  	s1 =	sshllo.u32 s0, $0x2;
	[sflag:s9] =	ssyncset.done @!p0 $0x0  }
0x85: {  	s8 =	sshll.u32 s1, $0xA;
	[sflag:s9] =	ssyncadd.s32 @!p0 $0xFFFFE000  }
0x86: {  	s1 =	sshll.u32 s1, $0x7;
	s8 =	sadd.s32 s7, s8;
	s4 =	rddreg [dreg:$0x0]  }
0x87: {  	s11 =	simm.s32 $0x9000;
	s1 =	sand.u32 $0x3FFFFF80, s1;
	s4 =	sadd.s32 s4, s8  }
0x88: {  	[tilespmem:s11], [sflag:$0x4] =	stream.linear.gather [hbm4b:s4+s14], $0x2000, $0x38;
	[tilespmem:$0x13000] =	vst v63  }
0x89: {  	v3 =	vld [tilespmem:s1+$0x1000];
	_ =	sdelay $0x4  }
0x8a: {  	v4 =	vshll.u32 v3, $0x1  }
0x8b: {  	v3 =	vand.u32 $0x7, v3;
	v4 =	vand.u32 $0xFFFFFFF0, v4  }
0x8c: {  	v3 =	vor.u32 v3, v4  }
0x8d: {  	v4 =	vperm.xlane v3, v0;
	_ =	sdelay $0x1  }
0x8e: {  	v3 =	vperm.xlane v3, v2;
	v4 =	vadd.s32 v1, v4;
	_ =	sdelay $0x1  }
0x8f: {  	v3 =	vadd.s32 v1, v3;
	_ =	sdelay $0x2  }
0x90: {  	[tilespmem:s16], [sflag:$0x8] =	stream.indirect_vreg.gather [hbm4b:s2+s14], $0x80, v4, vm0, $0xb8;
	[tilespmem:$0x13000] =	vst v63  }
0x91: {  	s12 =	simm.s32 $0x11800  }
0x92: {  	[tilespmem:s12], [sflag:$0x8] =	stream.indirect_vreg.gather [hbm4b:s2+s14], $0x80, v3, vm0, $0xb8;
	[tilespmem:$0x13000] =	vst v63  }
0x93: {  	v3 =	vld [tilespmem:s1+$0x1010];
	_ =	sdelay $0x4  }
0x94: {  	v4 =	vshll.u32 v3, $0x1  }
0x95: {  	v3 =	vand.u32 $0x7, v3;
	v4 =	vand.u32 $0xFFFFFFF0, v4  }
0x96: {  	v3 =	vor.u32 v3, v4  }
0x97: {  	v4 =	vperm.xlane v3, v0;
	_ =	sdelay $0x1  }
0x98: {  	v3 =	vperm.xlane v3, v2;
	v4 =	vadd.s32 v1, v4;
	_ =	sdelay $0x1  }
0x99: {  	v3 =	vadd.s32 v1, v3;
	_ =	sdelay $0x2  }
0x9a: {  	[tilespmem:s19], [sflag:$0x8] =	stream.indirect_vreg.gather [hbm4b:s2+s14], $0x80, v4, vm0, $0xb8;
	[tilespmem:$0x13000] =	vst v63  }
0x9b: {  	_ = 	snop  }
0x9c: {  	[tilespmem:s20], [sflag:$0x8] =	stream.indirect_vreg.gather [hbm4b:s2+s14], $0x80, v3, vm0, $0xb8;
	[tilespmem:$0x13000] =	vst v63  }
0x9d: {  	_ =	swait.ge [sflag:s21], $0x2000  }
0x9e: {  	[sflag:s21] =	ssyncset.done $0x0  }
0x9f: {  	[sflag:s21] =	ssyncadd.s32 $0xFFFFE000  }
0xa0: {  	_ =	swait.ge [sflag:s22], $0x2000  }
0xa1: {  	s15 =	sand.u32 $0x1800, s14;
	s17 =	sand.u32 $0x300, s14;
	[sflag:s22] =	ssyncset.done $0x0  }
0xa2: {  	s11 =	sor.u32 s17, s15;
	[sflag:s22] =	ssyncadd.s32 $0xFFFFE000  }
0xa3: {  	v10 =	vld [tilespmem:s11+$0x3000]  }
0xa4: {  	v11 =	vld [tilespmem:s11+$0x3010]  }
0xa5: {  	v12 =	vld [tilespmem:s11+$0x3020]  }
0xa6: {  	v13 =	vld [tilespmem:s11+$0x3030]  }
0xa7: {  	v14 =	vld [tilespmem:s11+$0x3040]  }
0xa8: {  	v15 =	vld [tilespmem:s11+$0x3050]  }
0xa9: {  	v16 =	vld [tilespmem:s11+$0x3060]  }
0xaa: {  	v17 =	vld [tilespmem:s11+$0x3070]  }
0xab: {  	v18 =	vld [tilespmem:s11+$0x3400]  }
0xac: {  	v19 =	vld [tilespmem:s11+$0x3410]  }
0xad: {  	v20 =	vld [tilespmem:s11+$0x3420]  }
0xae: {  	v21 =	vld [tilespmem:s11+$0x3430]  }
0xaf: {  	v22 =	vld [tilespmem:s11+$0x3440]  }
0xb0: {  	v23 =	vld [tilespmem:s11+$0x3450]  }
0xb1: {  	v24 =	vld [tilespmem:s11+$0x3460]  }
0xb2: {  	v25 =	vld [tilespmem:s11+$0x3470]  }
0xb3: {  	v26 =	vld [tilespmem:s11+$0x3080]  }
0xb4: {  	v27 =	vld [tilespmem:s11+$0x3090]  }
0xb5: {  	v28 =	vld [tilespmem:s11+$0x30A0]  }
0xb6: {  	v29 =	vld [tilespmem:s11+$0x30B0]  }
0xb7: {  	v30 =	vld [tilespmem:s11+$0x30C0]  }
0xb8: {  	v31 =	vld [tilespmem:s11+$0x30D0]  }
0xb9: {  	v32 =	vld [tilespmem:s11+$0x30E0]  }
0xba: {  	v33 =	vld [tilespmem:s11+$0x30F0]  }
0xbb: {  	v34 =	vld [tilespmem:s11+$0x3480]  }
0xbc: {  	v9 =	vld [tilespmem:s11+$0x3490]  }
0xbd: {  	v8 =	vld [tilespmem:s11+$0x34A0]  }
0xbe: {  	v7 =	vld [tilespmem:s11+$0x34B0]  }
0xbf: {  	v6 =	vld [tilespmem:s11+$0x34C0]  }
0xc0: {  	v5 =	vld [tilespmem:s11+$0x34D0]  }
0xc1: {  	v4 =	vld [tilespmem:s11+$0x34E0]  }
0xc2: {  	v3 =	vld [tilespmem:s11+$0x34F0]  }
0xc3: {  	v35 =	vld [tilespmem:s11+$0xB000]  }
0xc4: {  	v36 =	vld [tilespmem:s11+$0xB010]  }
0xc5: {  	v37 =	vld [tilespmem:s11+$0xB020]  }
0xc6: {  	v38 =	vld [tilespmem:s11+$0xB030]  }
0xc7: {  	v39 =	vld [tilespmem:s11+$0xB040]  }
0xc8: {  	v62 =	vld [tilespmem:s11+$0xB050];
	v10 =	vadd.f32 v10, v35  }
0xc9: {  	v63 =	vld [tilespmem:s11+$0xB060];
	v11 =	vadd.f32 v11, v36  }
0xca: {  	[tilespmem:s11+$0xB000] =	vst v10;
	v10 =	vadd.f32 v12, v37;
	v12 =	vld [tilespmem:s11+$0xB070]  }
0xcb: {  	[tilespmem:s11+$0xB010] =	vst v11;
	v11 =	vadd.f32 v13, v38;
	v13 =	vld [tilespmem:s11+$0xB400]  }
0xcc: {  	[tilespmem:s11+$0xB020] =	vst v10;
	v10 =	vadd.f32 v14, v39;
	v14 =	vld [tilespmem:s11+$0xB410]  }
0xcd: {  	[tilespmem:s11+$0xB030] =	vst v11;
	v11 =	vadd.f32 v15, v62;
	v15 =	vld [tilespmem:s11+$0xB420]  }
0xce: {  	[tilespmem:s11+$0xB040] =	vst v10;
	v10 =	vadd.f32 v16, v63;
	v16 =	vld [tilespmem:s11+$0xB430]  }
0xcf: {  	[tilespmem:s11+$0xB050] =	vst v11;
	v11 =	vadd.f32 v17, v12;
	v12 =	vld [tilespmem:s11+$0xB440]  }
0xd0: {  	[tilespmem:s11+$0xB060] =	vst v10;
	v10 =	vadd.f32 v18, v13;
	v13 =	vld [tilespmem:s11+$0xB450]  }
0xd1: {  	[tilespmem:s11+$0xB070] =	vst v11;
	v11 =	vadd.f32 v19, v14;
	v14 =	vld [tilespmem:s11+$0xB460]  }
0xd2: {  	[tilespmem:s11+$0xB400] =	vst v10;
	v10 =	vadd.f32 v20, v15;
	v15 =	vld [tilespmem:s11+$0xB470]  }
0xd3: {  	[tilespmem:s11+$0xB410] =	vst v11;
	v11 =	vadd.f32 v21, v16;
	v16 =	vld [tilespmem:s11+$0xB080]  }
0xd4: {  	[tilespmem:s11+$0xB420] =	vst v10;
	v10 =	vadd.f32 v22, v12;
	v12 =	vld [tilespmem:s11+$0xB090]  }
0xd5: {  	[tilespmem:s11+$0xB430] =	vst v11;
	v11 =	vadd.f32 v23, v13;
	v13 =	vld [tilespmem:s11+$0xB0A0]  }
0xd6: {  	[tilespmem:s11+$0xB440] =	vst v10;
	v10 =	vadd.f32 v24, v14;
	v14 =	vld [tilespmem:s11+$0xB0B0]  }
0xd7: {  	[tilespmem:s11+$0xB450] =	vst v11;
	v11 =	vadd.f32 v25, v15;
	v15 =	vld [tilespmem:s11+$0xB0C0]  }
0xd8: {  	[tilespmem:s11+$0xB460] =	vst v10;
	v10 =	vadd.f32 v26, v16;
	v16 =	vld [tilespmem:s11+$0xB0D0]  }
0xd9: {  	v17 =	vld [tilespmem:s11+$0xB0E0];
	[tilespmem:s11+$0xB470] =	vst v11;
	v11 =	vadd.f32 v27, v12  }
0xda: {  	v18 =	vld [tilespmem:s11+$0xB0F0];
	[tilespmem:s11+$0xB080] =	vst v10;
	v10 =	vadd.f32 v28, v13  }
0xdb: {  	[tilespmem:s11+$0xB090] =	vst v11;
	v11 =	vadd.f32 v29, v14;
	v14 =	vld [tilespmem:s11+$0xB480]  }
0xdc: {  	v13 =	vld [tilespmem:s11+$0xB490];
	[tilespmem:s11+$0xB0A0] =	vst v10;
	v10 =	vadd.f32 v30, v15  }
0xdd: {  	v12 =	vld [tilespmem:s11+$0xB4A0];
	[tilespmem:s11+$0xB0B0] =	vst v11;
	v11 =	vadd.f32 v31, v16  }
0xde: {  	v15 =	vadd.f32 v32, v17;
	[tilespmem:s11+$0xB0C0] =	vst v10;
	v10 =	vld [tilespmem:s11+$0xB4B0]  }
0xdf: {  	v16 =	vadd.f32 v33, v18;
	[tilespmem:s11+$0xB0D0] =	vst v11;
	v11 =	vld [tilespmem:s11+$0xB4C0]  }
0xe0: {  	s9 =	sshll.u32 s0, $0x2;
	s15 =	simm.s32 $0x200;
	s12 =	simm.s32 $0x100;
	[tilespmem:s11+$0xB0E0] =	vst v15;
	v15 =	vadd.f32 v34, v14;
	v14 =	vld [tilespmem:s11+$0xB4D0]  }
.LBB2_5:
0xe1: {  	s1 =	sand.u32 $0x1800, s15;
	s4 =	sand.u32 $0x300, s12;
	p0 =	sne.s32 s12, $0xF00;
	[tilespmem:s11+$0xB0F0] =	vst v16;
	v9 =	vadd.f32 v9, v13;
	v13 =	vld [tilespmem:s11+$0xB4E0]  }
0xe2: {  	s1 =	sor.u32 s4, s1;
	[tilespmem:s11+$0xB480] =	vst v15;
	v8 =	vadd.f32 v8, v12;
	v12 =	vld [tilespmem:s11+$0xB4F0]  }
0xe3: {  	v15 =	vld [tilespmem:s1+$0x3000];
	[tilespmem:s11+$0xB490] =	vst v9;
	v7 =	vadd.f32 v7, v10  }
0xe4: {  	v10 =	vld [tilespmem:s1+$0x3010];
	[tilespmem:s11+$0xB4A0] =	vst v8;
	v6 =	vadd.f32 v6, v11  }
0xe5: {  	v11 =	vld [tilespmem:s1+$0x3020];
	[tilespmem:s11+$0xB4B0] =	vst v7;
	v5 =	vadd.f32 v5, v14  }
0xe6: {  	v14 =	vld [tilespmem:s1+$0x3030];
	[tilespmem:s11+$0xB4C0] =	vst v6;
	v4 =	vadd.f32 v4, v13  }
0xe7: {  	v13 =	vld [tilespmem:s1+$0x3040];
	[tilespmem:s11+$0xB4D0] =	vst v5;
	v3 =	vadd.f32 v3, v12  }
0xe8: {  	v12 =	vld [tilespmem:s1+$0x3050];
	[tilespmem:s11+$0xB4E0] =	vst v4  }
0xe9: {  	v16 =	vld [tilespmem:s1+$0x3060];
	[tilespmem:s11+$0xB4F0] =	vst v3;
	s11 =	smov.u32 s1  }
0xea: {  	v17 =	vld [tilespmem:s11+$0x3070]  }
0xeb: {  	v18 =	vld [tilespmem:s11+$0x3400]  }
0xec: {  	v19 =	vld [tilespmem:s11+$0x3410]  }
0xed: {  	v20 =	vld [tilespmem:s11+$0x3420]  }
0xee: {  	v21 =	vld [tilespmem:s11+$0x3430]  }
0xef: {  	v22 =	vld [tilespmem:s11+$0x3440]  }
0xf0: {  	v23 =	vld [tilespmem:s11+$0x3450]  }
0xf1: {  	v24 =	vld [tilespmem:s11+$0x3460]  }
0xf2: {  	v25 =	vld [tilespmem:s11+$0x3470]  }
0xf3: {  	v26 =	vld [tilespmem:s11+$0x3080]  }
0xf4: {  	v27 =	vld [tilespmem:s11+$0x3090]  }
0xf5: {  	v28 =	vld [tilespmem:s11+$0x30A0]  }
0xf6: {  	v29 =	vld [tilespmem:s11+$0x30B0]  }
0xf7: {  	v30 =	vld [tilespmem:s11+$0x30C0]  }
0xf8: {  	v31 =	vld [tilespmem:s11+$0x30D0]  }
0xf9: {  	v32 =	vld [tilespmem:s11+$0x30E0]  }
0xfa: {  	v33 =	vld [tilespmem:s11+$0x30F0]  }
0xfb: {  	v34 =	vld [tilespmem:s11+$0x3480]  }
0xfc: {  	v9 =	vld [tilespmem:s11+$0x3490]  }
0xfd: {  	v8 =	vld [tilespmem:s11+$0x34A0]  }
0xfe: {  	v7 =	vld [tilespmem:s11+$0x34B0]  }
0xff: {  	v6 =	vld [tilespmem:s11+$0x34C0]  }
0x100: {  	v5 =	vld [tilespmem:s11+$0x34D0]  }
0x101: {  	v4 =	vld [tilespmem:s11+$0x34E0]  }
0x102: {  	v3 =	vld [tilespmem:s11+$0x34F0]  }
0x103: {  	v35 =	vld [tilespmem:s11+$0xB000]  }
0x104: {  	v36 =	vld [tilespmem:s11+$0xB010]  }
0x105: {  	v37 =	vld [tilespmem:s11+$0xB020]  }
0x106: {  	v38 =	vld [tilespmem:s11+$0xB030]  }
0x107: {  	v39 =	vld [tilespmem:s11+$0xB040]  }
0x108: {  	v15 =	vadd.f32 v15, v35;
	v35 =	vld [tilespmem:s11+$0xB050]  }
0x109: {  	v10 =	vadd.f32 v10, v36;
	v36 =	vld [tilespmem:s11+$0xB060]  }
0x10a: {  	[tilespmem:s11+$0xB000] =	vst v15;
	v11 =	vadd.f32 v11, v37;
	v15 =	vld [tilespmem:s11+$0xB070]  }
0x10b: {  	[tilespmem:s11+$0xB010] =	vst v10;
	v10 =	vadd.f32 v14, v38;
	v14 =	vld [tilespmem:s11+$0xB400]  }
0x10c: {  	[tilespmem:s11+$0xB020] =	vst v11;
	v11 =	vadd.f32 v13, v39;
	v13 =	vld [tilespmem:s11+$0xB410]  }
0x10d: {  	[tilespmem:s11+$0xB030] =	vst v10;
	v10 =	vadd.f32 v12, v35;
	v12 =	vld [tilespmem:s11+$0xB420]  }
0x10e: {  	[tilespmem:s11+$0xB040] =	vst v11;
	v11 =	vadd.f32 v16, v36;
	v16 =	vld [tilespmem:s11+$0xB430]  }
0x10f: {  	[tilespmem:s11+$0xB050] =	vst v10;
	v10 =	vadd.f32 v17, v15;
	v15 =	vld [tilespmem:s11+$0xB440]  }
0x110: {  	[tilespmem:s11+$0xB060] =	vst v11;
	v11 =	vadd.f32 v18, v14;
	v14 =	vld [tilespmem:s11+$0xB450]  }
0x111: {  	[tilespmem:s11+$0xB070] =	vst v10;
	v10 =	vadd.f32 v19, v13;
	v13 =	vld [tilespmem:s11+$0xB460]  }
0x112: {  	[tilespmem:s11+$0xB400] =	vst v11;
	v11 =	vadd.f32 v20, v12;
	v12 =	vld [tilespmem:s11+$0xB470]  }
0x113: {  	[tilespmem:s11+$0xB410] =	vst v10;
	v10 =	vadd.f32 v21, v16;
	v16 =	vld [tilespmem:s11+$0xB080]  }
0x114: {  	[tilespmem:s11+$0xB420] =	vst v11;
	v11 =	vadd.f32 v22, v15;
	v15 =	vld [tilespmem:s11+$0xB090]  }
0x115: {  	[tilespmem:s11+$0xB430] =	vst v10;
	v10 =	vadd.f32 v23, v14;
	v14 =	vld [tilespmem:s11+$0xB0A0]  }
0x116: {  	[tilespmem:s11+$0xB440] =	vst v11;
	v11 =	vadd.f32 v24, v13;
	v13 =	vld [tilespmem:s11+$0xB0B0]  }
0x117: {  	[tilespmem:s11+$0xB450] =	vst v10;
	v10 =	vadd.f32 v25, v12;
	v12 =	vld [tilespmem:s11+$0xB0C0]  }
0x118: {  	[tilespmem:s11+$0xB460] =	vst v11;
	v11 =	vadd.f32 v26, v16;
	v16 =	vld [tilespmem:s11+$0xB0D0]  }
0x119: {  	[tilespmem:s11+$0xB470] =	vst v10;
	v10 =	vadd.f32 v27, v15;
	v15 =	vld [tilespmem:s11+$0xB0E0]  }
0x11a: {  	[tilespmem:s11+$0xB080] =	vst v11;
	v11 =	vadd.f32 v28, v14;
	v14 =	vld [tilespmem:s11+$0xB0F0]  }
0x11b: {  	[tilespmem:s11+$0xB090] =	vst v10;
	v10 =	vadd.f32 v29, v13;
	v17 =	vld [tilespmem:s11+$0xB480]  }
.Ltmp1:
0x11c: {  	[tilespmem:s11+$0xB0A0] =	vst v11;
	v11 =	vadd.f32 v30, v12;
	v13 =	vld [tilespmem:s11+$0xB490];
	(pc) =	sbr.rel @p0 .LBB2_5-.Ltmp1, $4  }
0x11d: {  	[tilespmem:s11+$0xB0B0] =	vst v10;
	v16 =	vadd.f32 v31, v16;
	v12 =	vld [tilespmem:s11+$0xB4A0]  }
0x11e: {  	[tilespmem:s11+$0xB0C0] =	vst v11;
	v15 =	vadd.f32 v32, v15;
	v10 =	vld [tilespmem:s11+$0xB4B0]  }
0x11f: {  	[tilespmem:s11+$0xB0D0] =	vst v16;
	v16 =	vadd.f32 v33, v14;
	v11 =	vld [tilespmem:s11+$0xB4C0]  }
0x120: {  	s15 =	sadd.s32 $0x200, s15;
	s12 =	sadd.s32 $0x100, s12;
	[tilespmem:s11+$0xB0E0] =	vst v15;
	v15 =	vadd.f32 v34, v17;
	v14 =	vld [tilespmem:s11+$0xB4D0]  }
0x121: {  	[tilespmem:s11+$0xB0F0] =	vst v16;
	v9 =	vadd.f32 v9, v13;
	v13 =	vld [tilespmem:s11+$0xB4E0]  }
0x122: {  	[tilespmem:s11+$0xB480] =	vst v15;
	v8 =	vadd.f32 v8, v12;
	v12 =	vld [tilespmem:s11+$0xB4F0]  }
0x123: {  	[tilespmem:s11+$0xB490] =	vst v9;
	v7 =	vadd.f32 v7, v10  }
0x124: {  	[tilespmem:s11+$0xB4A0] =	vst v8;
	v6 =	vadd.f32 v6, v11  }
0x125: {  	[tilespmem:s11+$0xB4B0] =	vst v7;
	v5 =	vadd.f32 v5, v14  }
0x126: {  	[tilespmem:s11+$0xB4C0] =	vst v6;
	v4 =	vadd.f32 v4, v13  }
0x127: {  	[tilespmem:s11+$0xB4D0] =	vst v5;
	v3 =	vadd.f32 v3, v12  }
0x128: {  	s1 =	sshll.u32 s0, $0xC;
	[tilespmem:s11+$0xB4E0] =	vst v4  }
0x129: {  	p0 =	seq.s32 s0, $0xF;
	s1 =	sadd.s32 s1, s13;
	[tilespmem:s11+$0xB4F0] =	vst v3  }
0x12a: {  	[hbm4b:s1+s5] =	stream.linear.scatter [tilespmem:s18], [sflag:$0x9], $0x2000, $0x38;
	[tilespmem:$0x13000] =	vst v63  }
0x12b: {  	s1 =	simm.s32 @!p0 $0x9  }
0x12c: {  	_ =	swait.ge @!p0 [sflag:s1], $0x2000  }
0x12d: {  	s4 =	sadd.s32 @!p0 $0x4, s9;
	[sflag:s1] =	ssyncset.done @!p0 $0x0  }
0x12e: {  	[sflag:s1] =	ssyncadd.s32 @!p0 $0xFFFFE000;
	s1 =	sshll.u32 @!p0 s4, $0xA  }
0x12f: {  	s12 =	simm.s32 @!p0 $0x3000;
	s11 =	simm.s32 @!p0 $0x0;
	s1 =	sadd.s32 @!p0 s1, s10  }
0x130: {  	[tilespmem:s12], [sflag:$0x1] =	stream.linear.gather @!p0 [hbm4b:s1+s11], $0x2000, $0x38;
	[tilespmem:$0x13000] =	vst v63  }
0x131: {  	s1 =	sshll.u32 @!p0 s4, $0x7  }
0x132: {  	s1 =	sand.u32 @!p0 $0x3FFFFF80, s1  }
0x133: {  	v3 =	vld @!p0 [tilespmem:s1+$0x1000];
	_ =	sdelay $0x4  }
0x134: {  	v4 =	vshll.u32 @!p0 v3, $0x1  }
0x135: {  	v5 =	vlaneseq.u32 @!p0;
	v3 =	vand.u32 @!p0 $0x7, v3;
	v4 =	vand.u32 @!p0 $0xFFFFFFF0, v4  }
0x136: {  	v6 =	vshrl.u32 @!p0 v5, $0x3;
	v3 =	vor.u32 @!p0 v3, v4;
	v4 =	vand.u32 @!p0 $0x7, v5  }
0x137: {  	v6 =	vmul.u32 @!p0 $0x8, v6;
	v7 =	vperm.xlane @!p0 v3, v4  }
0x138: {  	v5 =	vor.u32 @!p0 $0x8, v5  }
0x139: {  	v3 =	vperm.xlane @!p0 v3, v5;
	v7 =	vadd.s32 @!p0 v6, v7;
	_ =	sdelay $0x1  }
0x13a: {  	v3 =	vadd.s32 @!p0 v6, v3;
	_ =	sdelay $0x1  }
0x13b: {  	vm1 =	vmmov @!p0 $0xffff;
	s4 =	simm.s32 @!p0 $0xB000  }
0x13c: {  	[tilespmem:s4], [sflag:$0x5] =	stream.indirect_vreg.gather @!p0 [hbm4b:s2+s11], $0x80, v7, vm1, $0xb8;
	[tilespmem:$0x13000] =	vst v63  }
0x13d: {  	s4 =	simm.s32 @!p0 $0xB800  }
0x13e: {  	[tilespmem:s4], [sflag:$0x5] =	stream.indirect_vreg.gather @!p0 [hbm4b:s2+s11], $0x80, v3, vm1, $0xb8;
	[tilespmem:$0x13000] =	vst v63  }
0x13f: {  	v3 =	vld @!p0 [tilespmem:s1+$0x1010];
	_ =	sdelay $0x4  }
0x140: {  	v7 =	vshll.u32 @!p0 v3, $0x1  }
0x141: {  	v3 =	vand.u32 @!p0 $0x7, v3;
	v7 =	vand.u32 @!p0 $0xFFFFFFF0, v7  }
0x142: {  	v3 =	vor.u32 @!p0 v3, v7  }
0x143: {  	v4 =	vperm.xlane @!p0 v3, v4;
	_ =	sdelay $0x1  }
0x144: {  	v3 =	vperm.xlane @!p0 v3, v5;
	v4 =	vadd.s32 @!p0 v6, v4;
	_ =	sdelay $0x1  }
0x145: {  	v3 =	vadd.s32 @!p0 v6, v3;
	_ =	sdelay $0x1  }
0x146: {  	s1 =	simm.s32 @!p0 $0xC000  }
0x147: {  	[tilespmem:s1], [sflag:$0x5] =	stream.indirect_vreg.gather @!p0 [hbm4b:s2+s11], $0x80, v4, vm1, $0xb8;
	[tilespmem:$0x13000] =	vst v63  }
0x148: {  	s1 =	simm.s32 @!p0 $0xC800  }
0x149: {  	[tilespmem:s1], [sflag:$0x5] =	stream.indirect_vreg.gather @!p0 [hbm4b:s2+s11], $0x80, v3, vm1, $0xb8;
	[tilespmem:$0x13000] =	vst v63  }
0x14a: {  	_ =	swait.ge [sflag:s24], $0x2000  }
0x14b: {  	[sflag:s24] =	ssyncset.done $0x0  }
0x14c: {  	[sflag:s24] =	ssyncadd.s32 $0xFFFFE000  }
0x14d: {  	s15 =	simm.s32 $0x0;
	_ =	swait.ge [sflag:s25], $0x2000  }
0x14e: {  	s17 =	sand.u32 $0x1800, s15;
	s1 =	sand.u32 $0x300, s15;
	[sflag:s25] =	ssyncset.done $0x0  }
0x14f: {  	s15 =	sor.u32 s1, s17;
	[sflag:s25] =	ssyncadd.s32 $0xFFFFE000  }
0x150: {  	v10 =	vld [tilespmem:s15+$0x5000]  }
0x151: {  	v11 =	vld [tilespmem:s15+$0x5010]  }
0x152: {  	v12 =	vld [tilespmem:s15+$0x5020]  }
0x153: {  	v13 =	vld [tilespmem:s15+$0x5030]  }
0x154: {  	v14 =	vld [tilespmem:s15+$0x5040]  }
0x155: {  	v15 =	vld [tilespmem:s15+$0x5050]  }
0x156: {  	v16 =	vld [tilespmem:s15+$0x5060]  }
0x157: {  	v17 =	vld [tilespmem:s15+$0x5070]  }
0x158: {  	v18 =	vld [tilespmem:s15+$0x5400]  }
0x159: {  	v19 =	vld [tilespmem:s15+$0x5410]  }
0x15a: {  	v20 =	vld [tilespmem:s15+$0x5420]  }
0x15b: {  	v21 =	vld [tilespmem:s15+$0x5430]  }
0x15c: {  	v22 =	vld [tilespmem:s15+$0x5440]  }
0x15d: {  	v23 =	vld [tilespmem:s15+$0x5450]  }
0x15e: {  	v24 =	vld [tilespmem:s15+$0x5460]  }
0x15f: {  	v25 =	vld [tilespmem:s15+$0x5470]  }
0x160: {  	v26 =	vld [tilespmem:s15+$0x5080]  }
0x161: {  	v27 =	vld [tilespmem:s15+$0x5090]  }
0x162: {  	v28 =	vld [tilespmem:s15+$0x50A0]  }
0x163: {  	v29 =	vld [tilespmem:s15+$0x50B0]  }
0x164: {  	v30 =	vld [tilespmem:s15+$0x50C0]  }
0x165: {  	v31 =	vld [tilespmem:s15+$0x50D0]  }
0x166: {  	v32 =	vld [tilespmem:s15+$0x50E0]  }
0x167: {  	v33 =	vld [tilespmem:s15+$0x50F0]  }
0x168: {  	v34 =	vld [tilespmem:s15+$0x5480]  }
0x169: {  	v9 =	vld [tilespmem:s15+$0x5490]  }
0x16a: {  	v8 =	vld [tilespmem:s15+$0x54A0]  }
0x16b: {  	v7 =	vld [tilespmem:s15+$0x54B0]  }
0x16c: {  	v6 =	vld [tilespmem:s15+$0x54C0]  }
0x16d: {  	v5 =	vld [tilespmem:s15+$0x54D0]  }
0x16e: {  	v4 =	vld [tilespmem:s15+$0x54E0]  }
0x16f: {  	v3 =	vld [tilespmem:s15+$0x54F0]  }
0x170: {  	v35 =	vld [tilespmem:s15+$0xD000]  }
0x171: {  	v36 =	vld [tilespmem:s15+$0xD010]  }
0x172: {  	v37 =	vld [tilespmem:s15+$0xD020]  }
0x173: {  	v38 =	vld [tilespmem:s15+$0xD030]  }
0x174: {  	v39 =	vld [tilespmem:s15+$0xD040]  }
0x175: {  	v62 =	vld [tilespmem:s15+$0xD050];
	v10 =	vadd.f32 v10, v35  }
0x176: {  	v63 =	vld [tilespmem:s15+$0xD060];
	v11 =	vadd.f32 v11, v36  }
0x177: {  	[tilespmem:s15+$0xD000] =	vst v10;
	v10 =	vadd.f32 v12, v37;
	v12 =	vld [tilespmem:s15+$0xD070]  }
0x178: {  	[tilespmem:s15+$0xD010] =	vst v11;
	v11 =	vadd.f32 v13, v38;
	v13 =	vld [tilespmem:s15+$0xD400]  }
0x179: {  	[tilespmem:s15+$0xD020] =	vst v10;
	v10 =	vadd.f32 v14, v39;
	v14 =	vld [tilespmem:s15+$0xD410]  }
0x17a: {  	[tilespmem:s15+$0xD030] =	vst v11;
	v11 =	vadd.f32 v15, v62;
	v15 =	vld [tilespmem:s15+$0xD420]  }
0x17b: {  	[tilespmem:s15+$0xD040] =	vst v10;
	v10 =	vadd.f32 v16, v63;
	v16 =	vld [tilespmem:s15+$0xD430]  }
0x17c: {  	[tilespmem:s15+$0xD050] =	vst v11;
	v11 =	vadd.f32 v17, v12;
	v12 =	vld [tilespmem:s15+$0xD440]  }
0x17d: {  	[tilespmem:s15+$0xD060] =	vst v10;
	v10 =	vadd.f32 v18, v13;
	v13 =	vld [tilespmem:s15+$0xD450]  }
0x17e: {  	[tilespmem:s15+$0xD070] =	vst v11;
	v11 =	vadd.f32 v19, v14;
	v14 =	vld [tilespmem:s15+$0xD460]  }
0x17f: {  	[tilespmem:s15+$0xD400] =	vst v10;
	v10 =	vadd.f32 v20, v15;
	v15 =	vld [tilespmem:s15+$0xD470]  }
0x180: {  	[tilespmem:s15+$0xD410] =	vst v11;
	v11 =	vadd.f32 v21, v16;
	v16 =	vld [tilespmem:s15+$0xD080]  }
0x181: {  	[tilespmem:s15+$0xD420] =	vst v10;
	v10 =	vadd.f32 v22, v12;
	v12 =	vld [tilespmem:s15+$0xD090]  }
0x182: {  	[tilespmem:s15+$0xD430] =	vst v11;
	v11 =	vadd.f32 v23, v13;
	v13 =	vld [tilespmem:s15+$0xD0A0]  }
0x183: {  	[tilespmem:s15+$0xD440] =	vst v10;
	v10 =	vadd.f32 v24, v14;
	v14 =	vld [tilespmem:s15+$0xD0B0]  }
0x184: {  	[tilespmem:s15+$0xD450] =	vst v11;
	v11 =	vadd.f32 v25, v15;
	v15 =	vld [tilespmem:s15+$0xD0C0]  }
0x185: {  	[tilespmem:s15+$0xD460] =	vst v10;
	v10 =	vadd.f32 v26, v16;
	v16 =	vld [tilespmem:s15+$0xD0D0]  }
0x186: {  	v17 =	vld [tilespmem:s15+$0xD0E0];
	[tilespmem:s15+$0xD470] =	vst v11;
	v11 =	vadd.f32 v27, v12  }
0x187: {  	v18 =	vld [tilespmem:s15+$0xD0F0];
	[tilespmem:s15+$0xD080] =	vst v10;
	v10 =	vadd.f32 v28, v13  }
0x188: {  	[tilespmem:s15+$0xD090] =	vst v11;
	v11 =	vadd.f32 v29, v14;
	v14 =	vld [tilespmem:s15+$0xD480]  }
0x189: {  	v13 =	vld [tilespmem:s15+$0xD490];
	[tilespmem:s15+$0xD0A0] =	vst v10;
	v10 =	vadd.f32 v30, v15  }
0x18a: {  	v12 =	vld [tilespmem:s15+$0xD4A0];
	[tilespmem:s15+$0xD0B0] =	vst v11;
	v11 =	vadd.f32 v31, v16  }
0x18b: {  	v15 =	vadd.f32 v32, v17;
	[tilespmem:s15+$0xD0C0] =	vst v10;
	v10 =	vld [tilespmem:s15+$0xD4B0]  }
0x18c: {  	v16 =	vadd.f32 v33, v18;
	[tilespmem:s15+$0xD0D0] =	vst v11;
	v11 =	vld [tilespmem:s15+$0xD4C0]  }
0x18d: {  	s12 =	simm.s32 $0x100;
	s11 =	simm.s32 $0x200;
	[tilespmem:s15+$0xD0E0] =	vst v15;
	v15 =	vadd.f32 v34, v14;
	v14 =	vld [tilespmem:s15+$0xD4D0]  }
.LBB2_7:
0x18e: {  	s1 =	sand.u32 $0x1800, s11;
	s4 =	sand.u32 $0x300, s12;
	p1 =	sne.s32 s12, $0xF00;
	[tilespmem:s15+$0xD0F0] =	vst v16;
	v9 =	vadd.f32 v9, v13;
	v13 =	vld [tilespmem:s15+$0xD4E0]  }
0x18f: {  	s1 =	sor.u32 s4, s1;
	[tilespmem:s15+$0xD480] =	vst v15;
	v8 =	vadd.f32 v8, v12;
	v12 =	vld [tilespmem:s15+$0xD4F0]  }
0x190: {  	v15 =	vld [tilespmem:s1+$0x5000];
	[tilespmem:s15+$0xD490] =	vst v9;
	v7 =	vadd.f32 v7, v10  }
0x191: {  	v10 =	vld [tilespmem:s1+$0x5010];
	[tilespmem:s15+$0xD4A0] =	vst v8;
	v6 =	vadd.f32 v6, v11  }
0x192: {  	v11 =	vld [tilespmem:s1+$0x5020];
	[tilespmem:s15+$0xD4B0] =	vst v7;
	v5 =	vadd.f32 v5, v14  }
0x193: {  	v14 =	vld [tilespmem:s1+$0x5030];
	[tilespmem:s15+$0xD4C0] =	vst v6;
	v4 =	vadd.f32 v4, v13  }
0x194: {  	v13 =	vld [tilespmem:s1+$0x5040];
	[tilespmem:s15+$0xD4D0] =	vst v5;
	v3 =	vadd.f32 v3, v12  }
0x195: {  	v12 =	vld [tilespmem:s1+$0x5050];
	[tilespmem:s15+$0xD4E0] =	vst v4  }
0x196: {  	v16 =	vld [tilespmem:s1+$0x5060];
	[tilespmem:s15+$0xD4F0] =	vst v3;
	s15 =	smov.u32 s1  }
0x197: {  	v17 =	vld [tilespmem:s15+$0x5070]  }
0x198: {  	v18 =	vld [tilespmem:s15+$0x5400]  }
0x199: {  	v19 =	vld [tilespmem:s15+$0x5410]  }
0x19a: {  	v20 =	vld [tilespmem:s15+$0x5420]  }
0x19b: {  	v21 =	vld [tilespmem:s15+$0x5430]  }
0x19c: {  	v22 =	vld [tilespmem:s15+$0x5440]  }
0x19d: {  	v23 =	vld [tilespmem:s15+$0x5450]  }
0x19e: {  	v24 =	vld [tilespmem:s15+$0x5460]  }
0x19f: {  	v25 =	vld [tilespmem:s15+$0x5470]  }
0x1a0: {  	v26 =	vld [tilespmem:s15+$0x5080]  }
0x1a1: {  	v27 =	vld [tilespmem:s15+$0x5090]  }
0x1a2: {  	v28 =	vld [tilespmem:s15+$0x50A0]  }
0x1a3: {  	v29 =	vld [tilespmem:s15+$0x50B0]  }
0x1a4: {  	v30 =	vld [tilespmem:s15+$0x50C0]  }
0x1a5: {  	v31 =	vld [tilespmem:s15+$0x50D0]  }
0x1a6: {  	v32 =	vld [tilespmem:s15+$0x50E0]  }
0x1a7: {  	v33 =	vld [tilespmem:s15+$0x50F0]  }
0x1a8: {  	v34 =	vld [tilespmem:s15+$0x5480]  }
0x1a9: {  	v9 =	vld [tilespmem:s15+$0x5490]  }
0x1aa: {  	v8 =	vld [tilespmem:s15+$0x54A0]  }
0x1ab: {  	v7 =	vld [tilespmem:s15+$0x54B0]  }
0x1ac: {  	v6 =	vld [tilespmem:s15+$0x54C0]  }
0x1ad: {  	v5 =	vld [tilespmem:s15+$0x54D0]  }
0x1ae: {  	v4 =	vld [tilespmem:s15+$0x54E0]  }
0x1af: {  	v3 =	vld [tilespmem:s15+$0x54F0]  }
0x1b0: {  	v35 =	vld [tilespmem:s15+$0xD000]  }
0x1b1: {  	v36 =	vld [tilespmem:s15+$0xD010]  }
0x1b2: {  	v37 =	vld [tilespmem:s15+$0xD020]  }
0x1b3: {  	v38 =	vld [tilespmem:s15+$0xD030]  }
0x1b4: {  	v39 =	vld [tilespmem:s15+$0xD040]  }
0x1b5: {  	v15 =	vadd.f32 v15, v35;
	v35 =	vld [tilespmem:s15+$0xD050]  }
0x1b6: {  	v10 =	vadd.f32 v10, v36;
	v36 =	vld [tilespmem:s15+$0xD060]  }
0x1b7: {  	[tilespmem:s15+$0xD000] =	vst v15;
	v11 =	vadd.f32 v11, v37;
	v15 =	vld [tilespmem:s15+$0xD070]  }
0x1b8: {  	[tilespmem:s15+$0xD010] =	vst v10;
	v10 =	vadd.f32 v14, v38;
	v14 =	vld [tilespmem:s15+$0xD400]  }
0x1b9: {  	[tilespmem:s15+$0xD020] =	vst v11;
	v11 =	vadd.f32 v13, v39;
	v13 =	vld [tilespmem:s15+$0xD410]  }
0x1ba: {  	[tilespmem:s15+$0xD030] =	vst v10;
	v10 =	vadd.f32 v12, v35;
	v12 =	vld [tilespmem:s15+$0xD420]  }
0x1bb: {  	[tilespmem:s15+$0xD040] =	vst v11;
	v11 =	vadd.f32 v16, v36;
	v16 =	vld [tilespmem:s15+$0xD430]  }
0x1bc: {  	[tilespmem:s15+$0xD050] =	vst v10;
	v10 =	vadd.f32 v17, v15;
	v15 =	vld [tilespmem:s15+$0xD440]  }
0x1bd: {  	[tilespmem:s15+$0xD060] =	vst v11;
	v11 =	vadd.f32 v18, v14;
	v14 =	vld [tilespmem:s15+$0xD450]  }
0x1be: {  	[tilespmem:s15+$0xD070] =	vst v10;
	v10 =	vadd.f32 v19, v13;
	v13 =	vld [tilespmem:s15+$0xD460]  }
0x1bf: {  	[tilespmem:s15+$0xD400] =	vst v11;
	v11 =	vadd.f32 v20, v12;
	v12 =	vld [tilespmem:s15+$0xD470]  }
0x1c0: {  	[tilespmem:s15+$0xD410] =	vst v10;
	v10 =	vadd.f32 v21, v16;
	v16 =	vld [tilespmem:s15+$0xD080]  }
0x1c1: {  	[tilespmem:s15+$0xD420] =	vst v11;
	v11 =	vadd.f32 v22, v15;
	v15 =	vld [tilespmem:s15+$0xD090]  }
0x1c2: {  	[tilespmem:s15+$0xD430] =	vst v10;
	v10 =	vadd.f32 v23, v14;
	v14 =	vld [tilespmem:s15+$0xD0A0]  }
0x1c3: {  	[tilespmem:s15+$0xD440] =	vst v11;
	v11 =	vadd.f32 v24, v13;
	v13 =	vld [tilespmem:s15+$0xD0B0]  }
0x1c4: {  	[tilespmem:s15+$0xD450] =	vst v10;
	v10 =	vadd.f32 v25, v12;
	v12 =	vld [tilespmem:s15+$0xD0C0]  }
0x1c5: {  	[tilespmem:s15+$0xD460] =	vst v11;
	v11 =	vadd.f32 v26, v16;
	v16 =	vld [tilespmem:s15+$0xD0D0]  }
0x1c6: {  	[tilespmem:s15+$0xD470] =	vst v10;
	v10 =	vadd.f32 v27, v15;
	v15 =	vld [tilespmem:s15+$0xD0E0]  }
0x1c7: {  	[tilespmem:s15+$0xD080] =	vst v11;
	v11 =	vadd.f32 v28, v14;
	v14 =	vld [tilespmem:s15+$0xD0F0]  }
0x1c8: {  	[tilespmem:s15+$0xD090] =	vst v10;
	v10 =	vadd.f32 v29, v13;
	v17 =	vld [tilespmem:s15+$0xD480]  }
.Ltmp2:
0x1c9: {  	[tilespmem:s15+$0xD0A0] =	vst v11;
	v11 =	vadd.f32 v30, v12;
	v13 =	vld [tilespmem:s15+$0xD490];
	(pc) =	sbr.rel @p1 .LBB2_7-.Ltmp2, $4  }
0x1ca: {  	[tilespmem:s15+$0xD0B0] =	vst v10;
	v16 =	vadd.f32 v31, v16;
	v12 =	vld [tilespmem:s15+$0xD4A0]  }
0x1cb: {  	[tilespmem:s15+$0xD0C0] =	vst v11;
	v15 =	vadd.f32 v32, v15;
	v10 =	vld [tilespmem:s15+$0xD4B0]  }
0x1cc: {  	[tilespmem:s15+$0xD0D0] =	vst v16;
	v16 =	vadd.f32 v33, v14;
	v11 =	vld [tilespmem:s15+$0xD4C0]  }
0x1cd: {  	s11 =	sadd.s32 $0x200, s11;
	s12 =	sadd.s32 $0x100, s12;
	[tilespmem:s15+$0xD0E0] =	vst v15;
	v15 =	vadd.f32 v34, v17;
	v14 =	vld [tilespmem:s15+$0xD4D0]  }
0x1ce: {  	[tilespmem:s15+$0xD0F0] =	vst v16;
	v9 =	vadd.f32 v9, v13;
	v13 =	vld [tilespmem:s15+$0xD4E0]  }
0x1cf: {  	[tilespmem:s15+$0xD480] =	vst v15;
	v8 =	vadd.f32 v8, v12;
	v12 =	vld [tilespmem:s15+$0xD4F0]  }
0x1d0: {  	[tilespmem:s15+$0xD490] =	vst v9;
	v7 =	vadd.f32 v7, v10  }
0x1d1: {  	[tilespmem:s15+$0xD4A0] =	vst v8;
	v6 =	vadd.f32 v6, v11  }
0x1d2: {  	s1 =	sshll.u32 s0, $0x7;
	[tilespmem:s15+$0xD4B0] =	vst v7;
	v5 =	vadd.f32 v5, v14  }
0x1d3: {  	s1 =	sadd.s32 s1, s6;
	[tilespmem:s15+$0xD4C0] =	vst v6;
	v4 =	vadd.f32 v4, v13  }
0x1d4: {  	s1 =	sshll.u32 s1, $0x5;
	[tilespmem:s15+$0xD4D0] =	vst v5;
	v3 =	vadd.f32 v3, v12  }
0x1d5: {  	s11 =	sadd.s32 s3, s1;
	[tilespmem:s15+$0xD4E0] =	vst v4  }
0x1d6: {  	s1 =	sadd.s32 $0x400, s11;
	[tilespmem:s15+$0xD4F0] =	vst v3  }
0x1d7: {  	[hbm4b:s1+s5] =	stream.linear.scatter [tilespmem:s23], [sflag:$0xA], $0x2000, $0x38;
	[tilespmem:$0x13000] =	vst v63  }
0x1d8: {  	s1 =	simm.s32 @!p0 $0xA  }
0x1d9: {  	_ =	swait.ge @!p0 [sflag:s1], $0x2000  }
0x1da: {  	s4 =	sadd.s32 @!p0 $0x5, s9;
	[sflag:s1] =	ssyncset.done @!p0 $0x0  }
0x1db: {  	[sflag:s1] =	ssyncadd.s32 @!p0 $0xFFFFE000;
	s1 =	sshll.u32 @!p0 s4, $0xA  }
0x1dc: {  	s12 =	simm.s32 @!p0 $0x0;
	s15 =	simm.s32 @!p0 $0x5000;
	s1 =	sadd.s32 @!p0 s1, s10  }
0x1dd: {  	[tilespmem:s15], [sflag:$0x2] =	stream.linear.gather @!p0 [hbm4b:s1+s12], $0x2000, $0x38;
	[tilespmem:$0x13000] =	vst v63  }
0x1de: {  	s1 =	sshll.u32 @!p0 s4, $0x7  }
0x1df: {  	s1 =	sand.u32 @!p0 $0x3FFFFF80, s1  }
0x1e0: {  	v3 =	vld @!p0 [tilespmem:s1+$0x1000];
	_ =	sdelay $0x4  }
0x1e1: {  	v4 =	vshll.u32 @!p0 v3, $0x1  }
0x1e2: {  	v5 =	vlaneseq.u32 @!p0;
	v3 =	vand.u32 @!p0 $0x7, v3;
	v4 =	vand.u32 @!p0 $0xFFFFFFF0, v4  }
0x1e3: {  	v6 =	vshrl.u32 @!p0 v5, $0x3;
	v3 =	vor.u32 @!p0 v3, v4;
	v4 =	vand.u32 @!p0 $0x7, v5  }
0x1e4: {  	v6 =	vmul.u32 @!p0 $0x8, v6;
	v7 =	vperm.xlane @!p0 v3, v4  }
0x1e5: {  	v5 =	vor.u32 @!p0 $0x8, v5  }
0x1e6: {  	v3 =	vperm.xlane @!p0 v3, v5;
	v7 =	vadd.s32 @!p0 v6, v7;
	_ =	sdelay $0x1  }
0x1e7: {  	v3 =	vadd.s32 @!p0 v6, v3;
	_ =	sdelay $0x1  }
0x1e8: {  	s4 =	simm.s32 @!p0 $0xD000  }
0x1e9: {  	[tilespmem:s4], [sflag:$0x6] =	stream.indirect_vreg.gather @!p0 [hbm4b:s2+s12], $0x80, v7, vm1, $0xb8;
	[tilespmem:$0x13000] =	vst v63  }
0x1ea: {  	s4 =	simm.s32 @!p0 $0xD800  }
0x1eb: {  	[tilespmem:s4], [sflag:$0x6] =	stream.indirect_vreg.gather @!p0 [hbm4b:s2+s12], $0x80, v3, vm1, $0xb8;
	[tilespmem:$0x13000] =	vst v63  }
0x1ec: {  	v3 =	vld @!p0 [tilespmem:s1+$0x1010];
	_ =	sdelay $0x4  }
0x1ed: {  	v7 =	vshll.u32 @!p0 v3, $0x1  }
0x1ee: {  	v3 =	vand.u32 @!p0 $0x7, v3;
	v7 =	vand.u32 @!p0 $0xFFFFFFF0, v7  }
0x1ef: {  	v3 =	vor.u32 @!p0 v3, v7  }
0x1f0: {  	v4 =	vperm.xlane @!p0 v3, v4;
	_ =	sdelay $0x1  }
0x1f1: {  	v3 =	vperm.xlane @!p0 v3, v5;
	v4 =	vadd.s32 @!p0 v6, v4;
	_ =	sdelay $0x1  }
0x1f2: {  	v3 =	vadd.s32 @!p0 v6, v3;
	_ =	sdelay $0x1  }
0x1f3: {  	s1 =	simm.s32 @!p0 $0xE000  }
0x1f4: {  	[tilespmem:s1], [sflag:$0x6] =	stream.indirect_vreg.gather @!p0 [hbm4b:s2+s12], $0x80, v4, vm1, $0xb8;
	[tilespmem:$0x13000] =	vst v63  }
0x1f5: {  	s1 =	simm.s32 @!p0 $0xE800  }
0x1f6: {  	[tilespmem:s1], [sflag:$0x6] =	stream.indirect_vreg.gather @!p0 [hbm4b:s2+s12], $0x80, v3, vm1, $0xb8;
	[tilespmem:$0x13000] =	vst v63  }
0x1f7: {  	_ =	swait.ge [sflag:s26], $0x2000  }
0x1f8: {  	[sflag:s26] =	ssyncset.done $0x0  }
0x1f9: {  	[sflag:s26] =	ssyncadd.s32 $0xFFFFE000  }
0x1fa: {  	s15 =	simm.s32 $0x0;
	_ =	swait.ge [sflag:s28], $0x2000  }
0x1fb: {  	s17 =	sand.u32 $0x1800, s15;
	s1 =	sand.u32 $0x300, s15;
	[sflag:s28] =	ssyncset.done $0x0  }
0x1fc: {  	s15 =	sor.u32 s1, s17;
	[sflag:s28] =	ssyncadd.s32 $0xFFFFE000  }
0x1fd: {  	v10 =	vld [tilespmem:s15+$0x7000]  }
0x1fe: {  	v11 =	vld [tilespmem:s15+$0x7010]  }
0x1ff: {  	v12 =	vld [tilespmem:s15+$0x7020]  }
0x200: {  	v13 =	vld [tilespmem:s15+$0x7030]  }
0x201: {  	v14 =	vld [tilespmem:s15+$0x7040]  }
0x202: {  	v15 =	vld [tilespmem:s15+$0x7050]  }
0x203: {  	v16 =	vld [tilespmem:s15+$0x7060]  }
0x204: {  	v17 =	vld [tilespmem:s15+$0x7070]  }
0x205: {  	v18 =	vld [tilespmem:s15+$0x7400]  }
0x206: {  	v19 =	vld [tilespmem:s15+$0x7410]  }
0x207: {  	v20 =	vld [tilespmem:s15+$0x7420]  }
0x208: {  	v21 =	vld [tilespmem:s15+$0x7430]  }
0x209: {  	v22 =	vld [tilespmem:s15+$0x7440]  }
0x20a: {  	v23 =	vld [tilespmem:s15+$0x7450]  }
0x20b: {  	v24 =	vld [tilespmem:s15+$0x7460]  }
0x20c: {  	v25 =	vld [tilespmem:s15+$0x7470]  }
0x20d: {  	v26 =	vld [tilespmem:s15+$0x7080]  }
0x20e: {  	v27 =	vld [tilespmem:s15+$0x7090]  }
0x20f: {  	v28 =	vld [tilespmem:s15+$0x70A0]  }
0x210: {  	v29 =	vld [tilespmem:s15+$0x70B0]  }
0x211: {  	v30 =	vld [tilespmem:s15+$0x70C0]  }
0x212: {  	v31 =	vld [tilespmem:s15+$0x70D0]  }
0x213: {  	v32 =	vld [tilespmem:s15+$0x70E0]  }
0x214: {  	v33 =	vld [tilespmem:s15+$0x70F0]  }
0x215: {  	v34 =	vld [tilespmem:s15+$0x7480]  }
0x216: {  	v9 =	vld [tilespmem:s15+$0x7490]  }
0x217: {  	v8 =	vld [tilespmem:s15+$0x74A0]  }
0x218: {  	v7 =	vld [tilespmem:s15+$0x74B0]  }
0x219: {  	v6 =	vld [tilespmem:s15+$0x74C0]  }
0x21a: {  	v5 =	vld [tilespmem:s15+$0x74D0]  }
0x21b: {  	v4 =	vld [tilespmem:s15+$0x74E0]  }
0x21c: {  	v3 =	vld [tilespmem:s15+$0x74F0]  }
0x21d: {  	v35 =	vld [tilespmem:s15+$0xF000]  }
0x21e: {  	v36 =	vld [tilespmem:s15+$0xF010]  }
0x21f: {  	v37 =	vld [tilespmem:s15+$0xF020]  }
0x220: {  	v38 =	vld [tilespmem:s15+$0xF030]  }
0x221: {  	v39 =	vld [tilespmem:s15+$0xF040]  }
0x222: {  	v62 =	vld [tilespmem:s15+$0xF050];
	v10 =	vadd.f32 v10, v35  }
0x223: {  	v63 =	vld [tilespmem:s15+$0xF060];
	v11 =	vadd.f32 v11, v36  }
0x224: {  	[tilespmem:s15+$0xF000] =	vst v10;
	v10 =	vadd.f32 v12, v37;
	v12 =	vld [tilespmem:s15+$0xF070]  }
0x225: {  	[tilespmem:s15+$0xF010] =	vst v11;
	v11 =	vadd.f32 v13, v38;
	v13 =	vld [tilespmem:s15+$0xF400]  }
0x226: {  	[tilespmem:s15+$0xF020] =	vst v10;
	v10 =	vadd.f32 v14, v39;
	v14 =	vld [tilespmem:s15+$0xF410]  }
0x227: {  	[tilespmem:s15+$0xF030] =	vst v11;
	v11 =	vadd.f32 v15, v62;
	v15 =	vld [tilespmem:s15+$0xF420]  }
0x228: {  	[tilespmem:s15+$0xF040] =	vst v10;
	v10 =	vadd.f32 v16, v63;
	v16 =	vld [tilespmem:s15+$0xF430]  }
0x229: {  	[tilespmem:s15+$0xF050] =	vst v11;
	v11 =	vadd.f32 v17, v12;
	v12 =	vld [tilespmem:s15+$0xF440]  }
0x22a: {  	[tilespmem:s15+$0xF060] =	vst v10;
	v10 =	vadd.f32 v18, v13;
	v13 =	vld [tilespmem:s15+$0xF450]  }
0x22b: {  	[tilespmem:s15+$0xF070] =	vst v11;
	v11 =	vadd.f32 v19, v14;
	v14 =	vld [tilespmem:s15+$0xF460]  }
0x22c: {  	[tilespmem:s15+$0xF400] =	vst v10;
	v10 =	vadd.f32 v20, v15;
	v15 =	vld [tilespmem:s15+$0xF470]  }
0x22d: {  	[tilespmem:s15+$0xF410] =	vst v11;
	v11 =	vadd.f32 v21, v16;
	v16 =	vld [tilespmem:s15+$0xF080]  }
0x22e: {  	[tilespmem:s15+$0xF420] =	vst v10;
	v10 =	vadd.f32 v22, v12;
	v12 =	vld [tilespmem:s15+$0xF090]  }
0x22f: {  	[tilespmem:s15+$0xF430] =	vst v11;
	v11 =	vadd.f32 v23, v13;
	v13 =	vld [tilespmem:s15+$0xF0A0]  }
0x230: {  	[tilespmem:s15+$0xF440] =	vst v10;
	v10 =	vadd.f32 v24, v14;
	v14 =	vld [tilespmem:s15+$0xF0B0]  }
0x231: {  	[tilespmem:s15+$0xF450] =	vst v11;
	v11 =	vadd.f32 v25, v15;
	v15 =	vld [tilespmem:s15+$0xF0C0]  }
0x232: {  	[tilespmem:s15+$0xF460] =	vst v10;
	v10 =	vadd.f32 v26, v16;
	v16 =	vld [tilespmem:s15+$0xF0D0]  }
0x233: {  	v17 =	vld [tilespmem:s15+$0xF0E0];
	[tilespmem:s15+$0xF470] =	vst v11;
	v11 =	vadd.f32 v27, v12  }
0x234: {  	v18 =	vld [tilespmem:s15+$0xF0F0];
	[tilespmem:s15+$0xF080] =	vst v10;
	v10 =	vadd.f32 v28, v13  }
0x235: {  	[tilespmem:s15+$0xF090] =	vst v11;
	v11 =	vadd.f32 v29, v14;
	v14 =	vld [tilespmem:s15+$0xF480]  }
0x236: {  	v13 =	vld [tilespmem:s15+$0xF490];
	[tilespmem:s15+$0xF0A0] =	vst v10;
	v10 =	vadd.f32 v30, v15  }
0x237: {  	v12 =	vld [tilespmem:s15+$0xF4A0];
	[tilespmem:s15+$0xF0B0] =	vst v11;
	v11 =	vadd.f32 v31, v16  }
0x238: {  	v15 =	vadd.f32 v32, v17;
	[tilespmem:s15+$0xF0C0] =	vst v10;
	v10 =	vld [tilespmem:s15+$0xF4B0]  }
0x239: {  	v16 =	vadd.f32 v33, v18;
	[tilespmem:s15+$0xF0D0] =	vst v11;
	v11 =	vld [tilespmem:s15+$0xF4C0]  }
0x23a: {  	s12 =	simm.s32 $0x200;
	s1 =	simm.s32 $0x100;
	[tilespmem:s15+$0xF0E0] =	vst v15;
	v15 =	vadd.f32 v34, v14;
	v14 =	vld [tilespmem:s15+$0xF4D0]  }
.LBB2_9:
0x23b: {  	s4 =	sand.u32 $0x1800, s12;
	s17 =	sand.u32 $0x300, s1;
	p1 =	sne.s32 s1, $0xF00;
	[tilespmem:s15+$0xF0F0] =	vst v16;
	v9 =	vadd.f32 v9, v13;
	v13 =	vld [tilespmem:s15+$0xF4E0]  }
0x23c: {  	s4 =	sor.u32 s17, s4;
	[tilespmem:s15+$0xF480] =	vst v15;
	v8 =	vadd.f32 v8, v12;
	v12 =	vld [tilespmem:s15+$0xF4F0]  }
0x23d: {  	v15 =	vld [tilespmem:s4+$0x7000];
	[tilespmem:s15+$0xF490] =	vst v9;
	v7 =	vadd.f32 v7, v10  }
0x23e: {  	v10 =	vld [tilespmem:s4+$0x7010];
	[tilespmem:s15+$0xF4A0] =	vst v8;
	v6 =	vadd.f32 v6, v11  }
0x23f: {  	v11 =	vld [tilespmem:s4+$0x7020];
	[tilespmem:s15+$0xF4B0] =	vst v7;
	v5 =	vadd.f32 v5, v14  }
0x240: {  	v14 =	vld [tilespmem:s4+$0x7030];
	[tilespmem:s15+$0xF4C0] =	vst v6;
	v4 =	vadd.f32 v4, v13  }
0x241: {  	v13 =	vld [tilespmem:s4+$0x7040];
	[tilespmem:s15+$0xF4D0] =	vst v5;
	v3 =	vadd.f32 v3, v12  }
0x242: {  	v12 =	vld [tilespmem:s4+$0x7050];
	[tilespmem:s15+$0xF4E0] =	vst v4  }
0x243: {  	v16 =	vld [tilespmem:s4+$0x7060];
	[tilespmem:s15+$0xF4F0] =	vst v3;
	s15 =	smov.u32 s4  }
0x244: {  	v17 =	vld [tilespmem:s15+$0x7070]  }
0x245: {  	v18 =	vld [tilespmem:s15+$0x7400]  }
0x246: {  	v19 =	vld [tilespmem:s15+$0x7410]  }
0x247: {  	v20 =	vld [tilespmem:s15+$0x7420]  }
0x248: {  	v21 =	vld [tilespmem:s15+$0x7430]  }
0x249: {  	v22 =	vld [tilespmem:s15+$0x7440]  }
0x24a: {  	v23 =	vld [tilespmem:s15+$0x7450]  }
0x24b: {  	v24 =	vld [tilespmem:s15+$0x7460]  }
0x24c: {  	v25 =	vld [tilespmem:s15+$0x7470]  }
0x24d: {  	v26 =	vld [tilespmem:s15+$0x7080]  }
0x24e: {  	v27 =	vld [tilespmem:s15+$0x7090]  }
0x24f: {  	v28 =	vld [tilespmem:s15+$0x70A0]  }
0x250: {  	v29 =	vld [tilespmem:s15+$0x70B0]  }
0x251: {  	v30 =	vld [tilespmem:s15+$0x70C0]  }
0x252: {  	v31 =	vld [tilespmem:s15+$0x70D0]  }
0x253: {  	v32 =	vld [tilespmem:s15+$0x70E0]  }
0x254: {  	v33 =	vld [tilespmem:s15+$0x70F0]  }
0x255: {  	v34 =	vld [tilespmem:s15+$0x7480]  }
0x256: {  	v9 =	vld [tilespmem:s15+$0x7490]  }
0x257: {  	v8 =	vld [tilespmem:s15+$0x74A0]  }
0x258: {  	v7 =	vld [tilespmem:s15+$0x74B0]  }
0x259: {  	v6 =	vld [tilespmem:s15+$0x74C0]  }
0x25a: {  	v5 =	vld [tilespmem:s15+$0x74D0]  }
0x25b: {  	v4 =	vld [tilespmem:s15+$0x74E0]  }
0x25c: {  	v3 =	vld [tilespmem:s15+$0x74F0]  }
0x25d: {  	v35 =	vld [tilespmem:s15+$0xF000]  }
0x25e: {  	v36 =	vld [tilespmem:s15+$0xF010]  }
0x25f: {  	v37 =	vld [tilespmem:s15+$0xF020]  }
0x260: {  	v38 =	vld [tilespmem:s15+$0xF030]  }
0x261: {  	v39 =	vld [tilespmem:s15+$0xF040]  }
0x262: {  	v15 =	vadd.f32 v15, v35;
	v35 =	vld [tilespmem:s15+$0xF050]  }
0x263: {  	v10 =	vadd.f32 v10, v36;
	v36 =	vld [tilespmem:s15+$0xF060]  }
0x264: {  	[tilespmem:s15+$0xF000] =	vst v15;
	v11 =	vadd.f32 v11, v37;
	v15 =	vld [tilespmem:s15+$0xF070]  }
0x265: {  	[tilespmem:s15+$0xF010] =	vst v10;
	v10 =	vadd.f32 v14, v38;
	v14 =	vld [tilespmem:s15+$0xF400]  }
0x266: {  	[tilespmem:s15+$0xF020] =	vst v11;
	v11 =	vadd.f32 v13, v39;
	v13 =	vld [tilespmem:s15+$0xF410]  }
0x267: {  	[tilespmem:s15+$0xF030] =	vst v10;
	v10 =	vadd.f32 v12, v35;
	v12 =	vld [tilespmem:s15+$0xF420]  }
0x268: {  	[tilespmem:s15+$0xF040] =	vst v11;
	v11 =	vadd.f32 v16, v36;
	v16 =	vld [tilespmem:s15+$0xF430]  }
0x269: {  	[tilespmem:s15+$0xF050] =	vst v10;
	v10 =	vadd.f32 v17, v15;
	v15 =	vld [tilespmem:s15+$0xF440]  }
0x26a: {  	[tilespmem:s15+$0xF060] =	vst v11;
	v11 =	vadd.f32 v18, v14;
	v14 =	vld [tilespmem:s15+$0xF450]  }
0x26b: {  	[tilespmem:s15+$0xF070] =	vst v10;
	v10 =	vadd.f32 v19, v13;
	v13 =	vld [tilespmem:s15+$0xF460]  }
0x26c: {  	[tilespmem:s15+$0xF400] =	vst v11;
	v11 =	vadd.f32 v20, v12;
	v12 =	vld [tilespmem:s15+$0xF470]  }
0x26d: {  	[tilespmem:s15+$0xF410] =	vst v10;
	v10 =	vadd.f32 v21, v16;
	v16 =	vld [tilespmem:s15+$0xF080]  }
0x26e: {  	[tilespmem:s15+$0xF420] =	vst v11;
	v11 =	vadd.f32 v22, v15;
	v15 =	vld [tilespmem:s15+$0xF090]  }
0x26f: {  	[tilespmem:s15+$0xF430] =	vst v10;
	v10 =	vadd.f32 v23, v14;
	v14 =	vld [tilespmem:s15+$0xF0A0]  }
0x270: {  	[tilespmem:s15+$0xF440] =	vst v11;
	v11 =	vadd.f32 v24, v13;
	v13 =	vld [tilespmem:s15+$0xF0B0]  }
0x271: {  	[tilespmem:s15+$0xF450] =	vst v10;
	v10 =	vadd.f32 v25, v12;
	v12 =	vld [tilespmem:s15+$0xF0C0]  }
0x272: {  	[tilespmem:s15+$0xF460] =	vst v11;
	v11 =	vadd.f32 v26, v16;
	v16 =	vld [tilespmem:s15+$0xF0D0]  }
0x273: {  	[tilespmem:s15+$0xF470] =	vst v10;
	v10 =	vadd.f32 v27, v15;
	v15 =	vld [tilespmem:s15+$0xF0E0]  }
0x274: {  	[tilespmem:s15+$0xF080] =	vst v11;
	v11 =	vadd.f32 v28, v14;
	v14 =	vld [tilespmem:s15+$0xF0F0]  }
0x275: {  	[tilespmem:s15+$0xF090] =	vst v10;
	v10 =	vadd.f32 v29, v13;
	v17 =	vld [tilespmem:s15+$0xF480]  }
.Ltmp3:
0x276: {  	[tilespmem:s15+$0xF0A0] =	vst v11;
	v11 =	vadd.f32 v30, v12;
	v13 =	vld [tilespmem:s15+$0xF490];
	(pc) =	sbr.rel @p1 .LBB2_9-.Ltmp3, $4  }
0x277: {  	[tilespmem:s15+$0xF0B0] =	vst v10;
	v16 =	vadd.f32 v31, v16;
	v12 =	vld [tilespmem:s15+$0xF4A0]  }
0x278: {  	[tilespmem:s15+$0xF0C0] =	vst v11;
	v15 =	vadd.f32 v32, v15;
	v10 =	vld [tilespmem:s15+$0xF4B0]  }
0x279: {  	[tilespmem:s15+$0xF0D0] =	vst v16;
	v16 =	vadd.f32 v33, v14;
	v11 =	vld [tilespmem:s15+$0xF4C0]  }
0x27a: {  	s12 =	sadd.s32 $0x200, s12;
	s1 =	sadd.s32 $0x100, s1;
	[tilespmem:s15+$0xF0E0] =	vst v15;
	v15 =	vadd.f32 v34, v17;
	v14 =	vld [tilespmem:s15+$0xF4D0]  }
0x27b: {  	[tilespmem:s15+$0xF0F0] =	vst v16;
	v9 =	vadd.f32 v9, v13;
	v13 =	vld [tilespmem:s15+$0xF4E0]  }
0x27c: {  	[tilespmem:s15+$0xF480] =	vst v15;
	v8 =	vadd.f32 v8, v12;
	v12 =	vld [tilespmem:s15+$0xF4F0]  }
0x27d: {  	[tilespmem:s15+$0xF490] =	vst v9;
	v7 =	vadd.f32 v7, v10  }
0x27e: {  	[tilespmem:s15+$0xF4A0] =	vst v8;
	v6 =	vadd.f32 v6, v11  }
0x27f: {  	[tilespmem:s15+$0xF4B0] =	vst v7;
	v5 =	vadd.f32 v5, v14  }
0x280: {  	[tilespmem:s15+$0xF4C0] =	vst v6;
	v4 =	vadd.f32 v4, v13  }
0x281: {  	[tilespmem:s15+$0xF4D0] =	vst v5;
	v3 =	vadd.f32 v3, v12  }
0x282: {  	[tilespmem:s15+$0xF4E0] =	vst v4  }
0x283: {  	s1 =	sadd.s32 $0x800, s11;
	[tilespmem:s15+$0xF4F0] =	vst v3  }
0x284: {  	[hbm4b:s1+s5] =	stream.linear.scatter [tilespmem:s29], [sflag:$0xB], $0x2000, $0x38;
	[tilespmem:$0x13000] =	vst v63  }
0x285: {  	s1 =	simm.s32 @!p0 $0xB  }
0x286: {  	_ =	swait.ge @!p0 [sflag:s1], $0x2000  }
0x287: {  	s4 =	sadd.s32 @!p0 $0x6, s9;
	[sflag:s1] =	ssyncset.done @!p0 $0x0  }
0x288: {  	[sflag:s1] =	ssyncadd.s32 @!p0 $0xFFFFE000;
	s1 =	sshll.u32 @!p0 s4, $0xA  }
0x289: {  	s9 =	simm.s32 @!p0 $0x0;
	s11 =	simm.s32 @!p0 $0x7000;
	s1 =	sadd.s32 @!p0 s1, s10  }
0x28a: {  	[tilespmem:s11], [sflag:$0x3] =	stream.linear.gather @!p0 [hbm4b:s1+s9], $0x2000, $0x38;
	[tilespmem:$0x13000] =	vst v63  }
0x28b: {  	s1 =	sshll.u32 @!p0 s4, $0x7  }
0x28c: {  	s1 =	sand.u32 @!p0 $0x3FFFFF80, s1  }
0x28d: {  	v3 =	vld @!p0 [tilespmem:s1+$0x1000];
	_ =	sdelay $0x4  }
0x28e: {  	v4 =	vshll.u32 @!p0 v3, $0x1  }
0x28f: {  	v5 =	vlaneseq.u32 @!p0;
	v3 =	vand.u32 @!p0 $0x7, v3;
	v4 =	vand.u32 @!p0 $0xFFFFFFF0, v4  }
0x290: {  	v6 =	vshrl.u32 @!p0 v5, $0x3;
	v3 =	vor.u32 @!p0 v3, v4;
	v4 =	vand.u32 @!p0 $0x7, v5  }
0x291: {  	v6 =	vmul.u32 @!p0 $0x8, v6;
	v7 =	vperm.xlane @!p0 v3, v4  }
0x292: {  	v5 =	vor.u32 @!p0 $0x8, v5  }
0x293: {  	v3 =	vperm.xlane @!p0 v3, v5;
	v7 =	vadd.s32 @!p0 v6, v7;
	_ =	sdelay $0x1  }
0x294: {  	v3 =	vadd.s32 @!p0 v6, v3;
	_ =	sdelay $0x1  }
0x295: {  	s4 =	simm.s32 @!p0 $0xF000  }
0x296: {  	[tilespmem:s4], [sflag:$0x7] =	stream.indirect_vreg.gather @!p0 [hbm4b:s2+s9], $0x80, v7, vm1, $0xb8;
	[tilespmem:$0x13000] =	vst v63  }
0x297: {  	s4 =	simm.s32 @!p0 $0xF800  }
0x298: {  	[tilespmem:s4], [sflag:$0x7] =	stream.indirect_vreg.gather @!p0 [hbm4b:s2+s9], $0x80, v3, vm1, $0xb8;
	[tilespmem:$0x13000] =	vst v63  }
0x299: {  	v3 =	vld @!p0 [tilespmem:s1+$0x1010];
	_ =	sdelay $0x4  }
0x29a: {  	v7 =	vshll.u32 @!p0 v3, $0x1  }
0x29b: {  	v3 =	vand.u32 @!p0 $0x7, v3;
	v7 =	vand.u32 @!p0 $0xFFFFFFF0, v7  }
0x29c: {  	v3 =	vor.u32 @!p0 v3, v7  }
0x29d: {  	v4 =	vperm.xlane @!p0 v3, v4;
	_ =	sdelay $0x1  }
0x29e: {  	v3 =	vperm.xlane @!p0 v3, v5;
	v4 =	vadd.s32 @!p0 v6, v4;
	_ =	sdelay $0x1  }
0x29f: {  	v3 =	vadd.s32 @!p0 v6, v3;
	_ =	sdelay $0x1  }
0x2a0: {  	s1 =	simm.s32 @!p0 $0x10000  }
0x2a1: {  	[tilespmem:s1], [sflag:$0x7] =	stream.indirect_vreg.gather @!p0 [hbm4b:s2+s9], $0x80, v4, vm1, $0xb8;
	[tilespmem:$0x13000] =	vst v63  }
0x2a2: {  	s1 =	simm.s32 @!p0 $0x10800  }
0x2a3: {  	[tilespmem:s1], [sflag:$0x7] =	stream.indirect_vreg.gather @!p0 [hbm4b:s2+s9], $0x80, v3, vm1, $0xb8;
	[tilespmem:$0x13000] =	vst v63  }
0x2a4: {  	_ =	swait.ge [sflag:s30], $0x2000  }
0x2a5: {  	[sflag:s30] =	ssyncset.done $0x0  }
0x2a6: {  	[sflag:s30] =	ssyncadd.s32 $0xFFFFE000  }
0x2a7: {  	s15 =	simm.s32 $0x0;
	_ =	swait.ge [sflag:s31], $0x2000  }
0x2a8: {  	s17 =	sand.u32 $0x1800, s15;
	s1 =	sand.u32 $0x300, s15;
	[sflag:s31] =	ssyncset.done $0x0  }
0x2a9: {  	s9 =	sor.u32 s1, s17;
	[sflag:s31] =	ssyncadd.s32 $0xFFFFE000  }
0x2aa: {  	v10 =	vld [tilespmem:s9+$0x9000]  }
0x2ab: {  	v11 =	vld [tilespmem:s9+$0x9010]  }
0x2ac: {  	v12 =	vld [tilespmem:s9+$0x9020]  }
0x2ad: {  	v13 =	vld [tilespmem:s9+$0x9030]  }
0x2ae: {  	v14 =	vld [tilespmem:s9+$0x9040]  }
0x2af: {  	v15 =	vld [tilespmem:s9+$0x9050]  }
0x2b0: {  	v16 =	vld [tilespmem:s9+$0x9060]  }
0x2b1: {  	v17 =	vld [tilespmem:s9+$0x9070]  }
0x2b2: {  	v18 =	vld [tilespmem:s9+$0x9400]  }
0x2b3: {  	v19 =	vld [tilespmem:s9+$0x9410]  }
0x2b4: {  	v20 =	vld [tilespmem:s9+$0x9420]  }
0x2b5: {  	v21 =	vld [tilespmem:s9+$0x9430]  }
0x2b6: {  	v22 =	vld [tilespmem:s9+$0x9440]  }
0x2b7: {  	v23 =	vld [tilespmem:s9+$0x9450]  }
0x2b8: {  	v24 =	vld [tilespmem:s9+$0x9460]  }
0x2b9: {  	v25 =	vld [tilespmem:s9+$0x9470]  }
0x2ba: {  	v26 =	vld [tilespmem:s9+$0x9080]  }
0x2bb: {  	v27 =	vld [tilespmem:s9+$0x9090]  }
0x2bc: {  	v28 =	vld [tilespmem:s9+$0x90A0]  }
0x2bd: {  	v29 =	vld [tilespmem:s9+$0x90B0]  }
0x2be: {  	v30 =	vld [tilespmem:s9+$0x90C0]  }
0x2bf: {  	v31 =	vld [tilespmem:s9+$0x90D0]  }
0x2c0: {  	v32 =	vld [tilespmem:s9+$0x90E0]  }
0x2c1: {  	v33 =	vld [tilespmem:s9+$0x90F0]  }
0x2c2: {  	v34 =	vld [tilespmem:s9+$0x9480]  }
0x2c3: {  	v9 =	vld [tilespmem:s9+$0x9490]  }
0x2c4: {  	v8 =	vld [tilespmem:s9+$0x94A0]  }
0x2c5: {  	v7 =	vld [tilespmem:s9+$0x94B0]  }
0x2c6: {  	v6 =	vld [tilespmem:s9+$0x94C0]  }
0x2c7: {  	v5 =	vld [tilespmem:s9+$0x94D0]  }
0x2c8: {  	v4 =	vld [tilespmem:s9+$0x94E0]  }
0x2c9: {  	v3 =	vld [tilespmem:s9+$0x94F0]  }
0x2ca: {  	v35 =	vld [tilespmem:s9+$0x11000]  }
0x2cb: {  	v36 =	vld [tilespmem:s9+$0x11010]  }
0x2cc: {  	v37 =	vld [tilespmem:s9+$0x11020]  }
0x2cd: {  	v38 =	vld [tilespmem:s9+$0x11030]  }
0x2ce: {  	v39 =	vld [tilespmem:s9+$0x11040]  }
0x2cf: {  	v62 =	vld [tilespmem:s9+$0x11050];
	v10 =	vadd.f32 v10, v35  }
0x2d0: {  	v63 =	vld [tilespmem:s9+$0x11060];
	v11 =	vadd.f32 v11, v36  }
0x2d1: {  	[tilespmem:s9+$0x11000] =	vst v10;
	v10 =	vadd.f32 v12, v37;
	v12 =	vld [tilespmem:s9+$0x11070]  }
0x2d2: {  	[tilespmem:s9+$0x11010] =	vst v11;
	v11 =	vadd.f32 v13, v38;
	v13 =	vld [tilespmem:s9+$0x11400]  }
0x2d3: {  	[tilespmem:s9+$0x11020] =	vst v10;
	v10 =	vadd.f32 v14, v39;
	v14 =	vld [tilespmem:s9+$0x11410]  }
0x2d4: {  	[tilespmem:s9+$0x11030] =	vst v11;
	v11 =	vadd.f32 v15, v62;
	v15 =	vld [tilespmem:s9+$0x11420]  }
0x2d5: {  	[tilespmem:s9+$0x11040] =	vst v10;
	v10 =	vadd.f32 v16, v63;
	v16 =	vld [tilespmem:s9+$0x11430]  }
0x2d6: {  	[tilespmem:s9+$0x11050] =	vst v11;
	v11 =	vadd.f32 v17, v12;
	v12 =	vld [tilespmem:s9+$0x11440]  }
0x2d7: {  	[tilespmem:s9+$0x11060] =	vst v10;
	v10 =	vadd.f32 v18, v13;
	v13 =	vld [tilespmem:s9+$0x11450]  }
0x2d8: {  	[tilespmem:s9+$0x11070] =	vst v11;
	v11 =	vadd.f32 v19, v14;
	v14 =	vld [tilespmem:s9+$0x11460]  }
0x2d9: {  	[tilespmem:s9+$0x11400] =	vst v10;
	v10 =	vadd.f32 v20, v15;
	v15 =	vld [tilespmem:s9+$0x11470]  }
0x2da: {  	[tilespmem:s9+$0x11410] =	vst v11;
	v11 =	vadd.f32 v21, v16;
	v16 =	vld [tilespmem:s9+$0x11080]  }
0x2db: {  	[tilespmem:s9+$0x11420] =	vst v10;
	v10 =	vadd.f32 v22, v12;
	v12 =	vld [tilespmem:s9+$0x11090]  }
0x2dc: {  	[tilespmem:s9+$0x11430] =	vst v11;
	v11 =	vadd.f32 v23, v13;
	v13 =	vld [tilespmem:s9+$0x110A0]  }
0x2dd: {  	[tilespmem:s9+$0x11440] =	vst v10;
	v10 =	vadd.f32 v24, v14;
	v14 =	vld [tilespmem:s9+$0x110B0]  }
0x2de: {  	[tilespmem:s9+$0x11450] =	vst v11;
	v11 =	vadd.f32 v25, v15;
	v15 =	vld [tilespmem:s9+$0x110C0]  }
0x2df: {  	[tilespmem:s9+$0x11460] =	vst v10;
	v10 =	vadd.f32 v26, v16;
	v16 =	vld [tilespmem:s9+$0x110D0]  }
0x2e0: {  	v17 =	vld [tilespmem:s9+$0x110E0];
	[tilespmem:s9+$0x11470] =	vst v11;
	v11 =	vadd.f32 v27, v12  }
0x2e1: {  	v18 =	vld [tilespmem:s9+$0x110F0];
	[tilespmem:s9+$0x11080] =	vst v10;
	v10 =	vadd.f32 v28, v13  }
0x2e2: {  	[tilespmem:s9+$0x11090] =	vst v11;
	v11 =	vadd.f32 v29, v14;
	v14 =	vld [tilespmem:s9+$0x11480]  }
0x2e3: {  	v13 =	vld [tilespmem:s9+$0x11490];
	[tilespmem:s9+$0x110A0] =	vst v10;
	v10 =	vadd.f32 v30, v15  }
0x2e4: {  	v12 =	vld [tilespmem:s9+$0x114A0];
	[tilespmem:s9+$0x110B0] =	vst v11;
	v11 =	vadd.f32 v31, v16  }
0x2e5: {  	v15 =	vadd.f32 v32, v17;
	[tilespmem:s9+$0x110C0] =	vst v10;
	v10 =	vld [tilespmem:s9+$0x114B0]  }
0x2e6: {  	v16 =	vadd.f32 v33, v18;
	[tilespmem:s9+$0x110D0] =	vst v11;
	v11 =	vld [tilespmem:s9+$0x114C0]  }
0x2e7: {  	s11 =	simm.s32 $0x200;
	s1 =	simm.s32 $0x100;
	[tilespmem:s9+$0x110E0] =	vst v15;
	v15 =	vadd.f32 v34, v14;
	v14 =	vld [tilespmem:s9+$0x114D0]  }
.LBB2_11:
0x2e8: {  	s4 =	sand.u32 $0x1800, s11;
	s12 =	sand.u32 $0x300, s1;
	p0 =	sne.s32 s1, $0xF00;
	[tilespmem:s9+$0x110F0] =	vst v16;
	v9 =	vadd.f32 v9, v13;
	v13 =	vld [tilespmem:s9+$0x114E0]  }
0x2e9: {  	s4 =	sor.u32 s12, s4;
	[tilespmem:s9+$0x11480] =	vst v15;
	v8 =	vadd.f32 v8, v12;
	v12 =	vld [tilespmem:s9+$0x114F0]  }
0x2ea: {  	v15 =	vld [tilespmem:s4+$0x9000];
	[tilespmem:s9+$0x11490] =	vst v9;
	v7 =	vadd.f32 v7, v10  }
0x2eb: {  	v10 =	vld [tilespmem:s4+$0x9010];
	[tilespmem:s9+$0x114A0] =	vst v8;
	v6 =	vadd.f32 v6, v11  }
0x2ec: {  	v11 =	vld [tilespmem:s4+$0x9020];
	[tilespmem:s9+$0x114B0] =	vst v7;
	v5 =	vadd.f32 v5, v14  }
0x2ed: {  	v14 =	vld [tilespmem:s4+$0x9030];
	[tilespmem:s9+$0x114C0] =	vst v6;
	v4 =	vadd.f32 v4, v13  }
0x2ee: {  	v13 =	vld [tilespmem:s4+$0x9040];
	[tilespmem:s9+$0x114D0] =	vst v5;
	v3 =	vadd.f32 v3, v12  }
0x2ef: {  	v12 =	vld [tilespmem:s4+$0x9050];
	[tilespmem:s9+$0x114E0] =	vst v4  }
0x2f0: {  	v16 =	vld [tilespmem:s4+$0x9060];
	[tilespmem:s9+$0x114F0] =	vst v3;
	s9 =	smov.u32 s4  }
0x2f1: {  	v17 =	vld [tilespmem:s9+$0x9070]  }
0x2f2: {  	v18 =	vld [tilespmem:s9+$0x9400]  }
0x2f3: {  	v19 =	vld [tilespmem:s9+$0x9410]  }
0x2f4: {  	v20 =	vld [tilespmem:s9+$0x9420]  }
0x2f5: {  	v21 =	vld [tilespmem:s9+$0x9430]  }
0x2f6: {  	v22 =	vld [tilespmem:s9+$0x9440]  }
0x2f7: {  	v23 =	vld [tilespmem:s9+$0x9450]  }
0x2f8: {  	v24 =	vld [tilespmem:s9+$0x9460]  }
0x2f9: {  	v25 =	vld [tilespmem:s9+$0x9470]  }
0x2fa: {  	v26 =	vld [tilespmem:s9+$0x9080]  }
0x2fb: {  	v27 =	vld [tilespmem:s9+$0x9090]  }
0x2fc: {  	v28 =	vld [tilespmem:s9+$0x90A0]  }
0x2fd: {  	v29 =	vld [tilespmem:s9+$0x90B0]  }
0x2fe: {  	v30 =	vld [tilespmem:s9+$0x90C0]  }
0x2ff: {  	v31 =	vld [tilespmem:s9+$0x90D0]  }
0x300: {  	v32 =	vld [tilespmem:s9+$0x90E0]  }
0x301: {  	v33 =	vld [tilespmem:s9+$0x90F0]  }
0x302: {  	v34 =	vld [tilespmem:s9+$0x9480]  }
0x303: {  	v9 =	vld [tilespmem:s9+$0x9490]  }
0x304: {  	v8 =	vld [tilespmem:s9+$0x94A0]  }
0x305: {  	v7 =	vld [tilespmem:s9+$0x94B0]  }
0x306: {  	v6 =	vld [tilespmem:s9+$0x94C0]  }
0x307: {  	v5 =	vld [tilespmem:s9+$0x94D0]  }
0x308: {  	v4 =	vld [tilespmem:s9+$0x94E0]  }
0x309: {  	v3 =	vld [tilespmem:s9+$0x94F0]  }
0x30a: {  	v35 =	vld [tilespmem:s9+$0x11000]  }
0x30b: {  	v36 =	vld [tilespmem:s9+$0x11010]  }
0x30c: {  	v37 =	vld [tilespmem:s9+$0x11020]  }
0x30d: {  	v38 =	vld [tilespmem:s9+$0x11030]  }
0x30e: {  	v39 =	vld [tilespmem:s9+$0x11040]  }
0x30f: {  	v15 =	vadd.f32 v15, v35;
	v35 =	vld [tilespmem:s9+$0x11050]  }
0x310: {  	v10 =	vadd.f32 v10, v36;
	v36 =	vld [tilespmem:s9+$0x11060]  }
0x311: {  	[tilespmem:s9+$0x11000] =	vst v15;
	v11 =	vadd.f32 v11, v37;
	v15 =	vld [tilespmem:s9+$0x11070]  }
0x312: {  	[tilespmem:s9+$0x11010] =	vst v10;
	v10 =	vadd.f32 v14, v38;
	v14 =	vld [tilespmem:s9+$0x11400]  }
0x313: {  	[tilespmem:s9+$0x11020] =	vst v11;
	v11 =	vadd.f32 v13, v39;
	v13 =	vld [tilespmem:s9+$0x11410]  }
0x314: {  	[tilespmem:s9+$0x11030] =	vst v10;
	v10 =	vadd.f32 v12, v35;
	v12 =	vld [tilespmem:s9+$0x11420]  }
0x315: {  	[tilespmem:s9+$0x11040] =	vst v11;
	v11 =	vadd.f32 v16, v36;
	v16 =	vld [tilespmem:s9+$0x11430]  }
0x316: {  	[tilespmem:s9+$0x11050] =	vst v10;
	v10 =	vadd.f32 v17, v15;
	v15 =	vld [tilespmem:s9+$0x11440]  }
0x317: {  	[tilespmem:s9+$0x11060] =	vst v11;
	v11 =	vadd.f32 v18, v14;
	v14 =	vld [tilespmem:s9+$0x11450]  }
0x318: {  	[tilespmem:s9+$0x11070] =	vst v10;
	v10 =	vadd.f32 v19, v13;
	v13 =	vld [tilespmem:s9+$0x11460]  }
0x319: {  	[tilespmem:s9+$0x11400] =	vst v11;
	v11 =	vadd.f32 v20, v12;
	v12 =	vld [tilespmem:s9+$0x11470]  }
0x31a: {  	[tilespmem:s9+$0x11410] =	vst v10;
	v10 =	vadd.f32 v21, v16;
	v16 =	vld [tilespmem:s9+$0x11080]  }
0x31b: {  	[tilespmem:s9+$0x11420] =	vst v11;
	v11 =	vadd.f32 v22, v15;
	v15 =	vld [tilespmem:s9+$0x11090]  }
0x31c: {  	[tilespmem:s9+$0x11430] =	vst v10;
	v10 =	vadd.f32 v23, v14;
	v14 =	vld [tilespmem:s9+$0x110A0]  }
0x31d: {  	[tilespmem:s9+$0x11440] =	vst v11;
	v11 =	vadd.f32 v24, v13;
	v13 =	vld [tilespmem:s9+$0x110B0]  }
0x31e: {  	[tilespmem:s9+$0x11450] =	vst v10;
	v10 =	vadd.f32 v25, v12;
	v12 =	vld [tilespmem:s9+$0x110C0]  }
0x31f: {  	[tilespmem:s9+$0x11460] =	vst v11;
	v11 =	vadd.f32 v26, v16;
	v16 =	vld [tilespmem:s9+$0x110D0]  }
0x320: {  	[tilespmem:s9+$0x11470] =	vst v10;
	v10 =	vadd.f32 v27, v15;
	v15 =	vld [tilespmem:s9+$0x110E0]  }
0x321: {  	[tilespmem:s9+$0x11080] =	vst v11;
	v11 =	vadd.f32 v28, v14;
	v14 =	vld [tilespmem:s9+$0x110F0]  }
0x322: {  	[tilespmem:s9+$0x11090] =	vst v10;
	v10 =	vadd.f32 v29, v13;
	v17 =	vld [tilespmem:s9+$0x11480]  }
.Ltmp4:
0x323: {  	[tilespmem:s9+$0x110A0] =	vst v11;
	v11 =	vadd.f32 v30, v12;
	v13 =	vld [tilespmem:s9+$0x11490];
	(pc) =	sbr.rel @p0 .LBB2_11-.Ltmp4, $4  }
0x324: {  	[tilespmem:s9+$0x110B0] =	vst v10;
	v16 =	vadd.f32 v31, v16;
	v12 =	vld [tilespmem:s9+$0x114A0]  }
0x325: {  	[tilespmem:s9+$0x110C0] =	vst v11;
	v15 =	vadd.f32 v32, v15;
	v10 =	vld [tilespmem:s9+$0x114B0]  }
0x326: {  	[tilespmem:s9+$0x110D0] =	vst v16;
	v16 =	vadd.f32 v33, v14;
	v11 =	vld [tilespmem:s9+$0x114C0]  }
0x327: {  	s11 =	sadd.s32 $0x200, s11;
	s1 =	sadd.s32 $0x100, s1;
	[tilespmem:s9+$0x110E0] =	vst v15;
	v15 =	vadd.f32 v34, v17;
	v14 =	vld [tilespmem:s9+$0x114D0]  }
0x328: {  	[tilespmem:s9+$0x110F0] =	vst v16;
	v9 =	vadd.f32 v9, v13;
	v62 =	vld [tilespmem:s9+$0x114E0]  }
0x329: {  	v63 =	vld [tilespmem:s9+$0x114F0];
	[tilespmem:s9+$0x11480] =	vst v15;
	v8 =	vadd.f32 v8, v12  }
0x32a: {  	[tilespmem:s9+$0x11490] =	vst v9;
	v7 =	vadd.f32 v7, v10  }
0x32b: {  	s0 =	sadd.s32 $0x1, s0;
	[tilespmem:s9+$0x114A0] =	vst v8;
	v6 =	vadd.f32 v6, v11  }
0x32c: {  	p0 =	sne.s32 s0, $0x10;
	[tilespmem:s9+$0x114B0] =	vst v7;
	v5 =	vadd.f32 v5, v14  }
.Ltmp5:
0x32d: {  	[tilespmem:s9+$0x114C0] =	vst v6;
	v4 =	vadd.f32 v4, v62;
	(pc) =	sbr.rel @p0 .LBB2_4-.Ltmp5, $4  }
0x32e: {  	v3 =	vadd.f32 v3, v63;
	[tilespmem:s9+$0x114D0] =	vst v5  }
0x32f: {  	[tilespmem:s9+$0x114E0] =	vst v4  }
0x330: {  	s1 =	sadd.s32 s3, s8;
	[tilespmem:s9+$0x114F0] =	vst v3  }
0x331: {  	[hbm4b:s1+s5] =	stream.linear.scatter [tilespmem:s16], [sflag:$0xC], $0x2000, $0x38;
	[tilespmem:$0x13000] =	vst v63  }
0x332: {  	s0 =	simm.s32 $0x9  }
0x333: {  	_ =	swait.ge [sflag:s0], $0x2000  }
0x334: {  	[sflag:s0] =	ssyncset.done $0x0  }
0x335: {  	s12 =	simm.s32 $0xA;
	[sflag:s0] =	ssyncadd.s32 $0xFFFFE000  }
0x336: {  	_ =	swait.ge [sflag:s12], $0x2000  }
0x337: {  	[sflag:s12] =	ssyncset.done $0x0  }
0x338: {  	s15 =	simm.s32 $0xB;
	[sflag:s12] =	ssyncadd.s32 $0xFFFFE000  }
0x339: {  	_ =	swait.ge [sflag:s15], $0x2000  }
0x33a: {  	[sflag:s15] =	ssyncset.done $0x0  }
0x33b: {  	s1 =	simm.s32 $0xC;
	[sflag:s15] =	ssyncadd.s32 $0xFFFFE000  }
0x33c: {  	_ =	swait.ge [sflag:s1], $0x2000  }
0x33d: {  	s4 =	rddreg [dreg:$0xb]  }
0x33e: {  	s17 =	rddreg [dreg:$0xa];
	s4 =	sadd.s32 $0x1, s4  }
0x33f: {  	p0 =	sne.s32 s4, s17  }
.Ltmp6:
0x340: {  	_ = 	snop;
	(pc) =	sbr.rel @p0 .LBB2_1-.Ltmp6, $3  }
0x341: {  	_ =	sdelay $0x1  }
0x342: {  	[sflag:s1] =	ssyncset.done $0x0  }
0x343: {  	[sflag:s1] =	ssyncadd.s32 $0xFFFFE000  }
0x344: {  	_ =	sfence.sel $0x180000  }
0x345: {  	[bflag:$0x0] =	sbarrier.arrive $0xFFFF  }
0x346: {  	_ =	strace $0x90000047  }
0x347: {  	s0 =	stileid.u32;
	[bflag:$0x2] =	sbarrier.arrive $0xFFFF  }
0x348: {  	p0 =	sne.s32 s0, $0x0;
	s0 =	rddreg [dreg:$0x5]  }
0x349: {  	s0 =	sadd.s32 @!p0 $0x100000, s0  }
0x34a: {  	[sflag:s0] =	ssyncadd.tile.s32 @!p0 $0x1;
	_ =	shalt  }
.Lfunc_end2:
_tile_overlayer_lowered:
.L_overlay_start_2:
0x34b: {  	(tag) =	ssettag $0x2  }
0x34c: {  	s0 =	rddreg [dreg:$0x0];
	s2 =	stileid.u32  }
0x34d: {  	s1 =	rddreg [dreg:$0x1];
	p0 =	sne.s32 s2, $0x0  }
0x34e: {  	s3 =	rddreg [dreg:$0x2];
	[bflag:$0x3] =	sbarrier.arrive $0xFFFF;
	s2 =	simm.s32 @!p0 $0x1C0D  }
0x34f: {  	[timem:s3], [sflag:s2] =	dma.local @!p0 [hbm:s0], s1  }
0x350: {  	s0 =	simm.s32 @!p0 $0xD  }
0x351: {  	_ =	swait.ge @!p0 [sflag:s0], s1  }
0x352: {  	s1 =	ssub.s32 @!p0 $0x0, s1;
	[sflag:s0] =	ssyncset.done @!p0 $0x0  }
0x353: {  	[sflag:s0] =	ssyncadd.s32 @!p0 s1  }
0x354: {  	[bflag:$0x3] =	sbarrier.arrive $0xFFFF  }
0x355: {  	_ =	shalt  }

</sc_bundles>
